<compile_context>
chip_gen: v7x
topology: tpu7x:2x2x1
jax: 0.10.2.dev20260603
libtpu: 0.0.44.dev20260713+nightly
codegen_flags: <defaults>
</compile_context>

<pallas_src>
import functools

import jax
import jax.numpy as jnp
import numpy as np
from jax import lax
from jax.experimental import pallas as pl
from jax.experimental.pallas import tpu as pltpu
from jax.experimental.pallas import tpu_sc as plsc

N = 256
NUM_TRIU = N * (N + 1) // 2
_OFFSETS = [r * N - (r * (r - 1)) // 2 for r in range(N)]

LAST_VEC_ROW = N - 16
_TAIL_START = _OFFSETS[LAST_VEC_ROW + 1]

_NUM_CORES = 2
_NUM_SUBCORES = 16
_NUM_WORKERS = _NUM_CORES * _NUM_SUBCORES

_tail_r, _tail_c = [], []
for _r in range(LAST_VEC_ROW + 1, N):
    for _c in range(_r, N):
        _tail_r.append(_r)
        _tail_c.append(_c)
_TAIL_PAD = 128
while len(_tail_r) < _TAIL_PAD:
    _tail_r.append(N - 1)
    _tail_c.append(N - 1)
_TAIL_R = np.asarray(_tail_r, dtype=np.int32)
_TAIL_C = np.asarray(_tail_c, dtype=np.int32)
_STAGE_OUT = _TAIL_START + _TAIL_PAD


def _make_sc_call(batch: int):
    assert batch % _NUM_WORKERS == 0
    b_per_w = batch // _NUM_WORKERS

    mesh = plsc.VectorSubcoreMesh(
        core_axis_name="c", subcore_axis_name="s", num_cores=_NUM_CORES
    )

    @functools.partial(
        pl.kernel,
        out_type=jax.ShapeDtypeStruct((batch, NUM_TRIU), jnp.float32),
        mesh=mesh,
        scratch_types=[
            pltpu.VMEM((N, N), jnp.float32),
            pltpu.VMEM((_STAGE_OUT,), jnp.float32),
            pltpu.VMEM((_TAIL_PAD,), jnp.int32),
            pltpu.VMEM((_TAIL_PAD,), jnp.int32),
            pltpu.SemaphoreType.DMA,
            pltpu.SemaphoreType.DMA,
        ],
        compiler_params=pltpu.CompilerParams(
            use_tc_tiling_on_sc=False, needs_layout_passes=False
        ),
    )
    def triu_gather(x_hbm, tr_hbm, tc_hbm, out_hbm, stage, out_st, tr_v, tc_v,
                    sem_in, sem_out):
        wid = lax.axis_index("s") * _NUM_CORES + lax.axis_index("c")
        base = wid * b_per_w
        pltpu.sync_copy(tr_hbm, tr_v)
        pltpu.sync_copy(tc_hbm, tc_v)

        @pl.loop(0, b_per_w)
        def _batch(i):
            b = base + i
            copies = []
            for k in range(N // 8):
                w = N - 8 * k
                cp = pltpu.make_async_copy(
                    x_hbm.at[b, pl.ds(8 * k, 8), pl.ds(8 * k, w)],
                    stage.at[pl.ds(8 * k, 8), pl.ds(8 * k, w)],
                    sem_in,
                )
                cp.start()
                copies.append(cp)
            for cp in copies:
                cp.wait()

            def _row(r, off):
                seg = N - r
                nf = seg // 16

                def _chunk(j, _):
                    out_st[pl.ds(off + 16 * j, 16)] = stage[r, pl.ds(r + 16 * j, 16)]
                    return 0

                lax.fori_loop(0, nf, _chunk, 0)
                out_st[pl.ds(off + seg - 16, 16)] = stage[r, pl.ds(N - 16, 16)]
                return off + seg

            lax.fori_loop(0, LAST_VEC_ROW + 1, _row, 0)

            for g in range(_TAIL_PAD // 16):
                vr = tr_v[pl.ds(16 * g, 16)]
                vc = tc_v[pl.ds(16 * g, 16)]
                out_st[pl.ds(_TAIL_START + 16 * g, 16)] = plsc.load_gather(
                    stage, [vr, vc]
                )

            out_cp = pltpu.make_async_copy(
                out_st.at[pl.ds(0, NUM_TRIU)], out_hbm.at[b], sem_out
            )
            out_cp.start()
            out_cp.wait()

    return triu_gather


def kernel(input, row_idx, col_idx):
    del row_idx, col_idx
    batch = input.shape[0]
    tail_r = jnp.asarray(_TAIL_R)
    tail_c = jnp.asarray(_TAIL_C)
    return _make_sc_call(batch)(input, tail_r, tail_c)

# --- scband reference (transcript-rebuilt; emitter-appended) ---
"""Pipeline reference for scband-spdvectorize-38199439131088 (READ-ONLY COPY).

The authoritative reference and input builder live on the scoring server;
editing this copy changes nothing except your own understanding.
"""

import jax, jax.numpy as jnp
import numpy as np

N = 256
B = 1024

def setup_inputs(seed: int = 0) -> dict:
    key = jax.random.key(seed)
    x = jax.random.normal(key, (B, N, N), dtype=jnp.float32)
    # make it symmetric like a real SPD input (does not change the gather semantics)
    x = 0.5 * (x + jnp.swapaxes(x, 1, 2))
    row_idx, col_idx = np.triu_indices(N)
    return {
        "input": x,
        "row_idx": jnp.asarray(row_idx, dtype=jnp.int32),
        "col_idx": jnp.asarray(col_idx, dtype=jnp.int32),
    }

def reference(input, row_idx, col_idx):
    # Faithful translation of: output = input[:, self.row_idx, self.col_idx]
    # Advanced-index gather of the upper-triangular entries of each matrix.
    output = input[:, row_idx, col_idx]
    return output

if __name__ == "__main__":
    import jax
    _d = setup_inputs()
    print(jax.jit(kernel)(*tuple(_d.values())))

</pallas_src>

<mosaic_0001>
#map = affine_map<(d0, d1) -> (0, 0, 0)>
#map1 = affine_map<(d0, d1) -> (0)>
#map2 = affine_map<(d0, d1) -> (0, 0)>
module attributes {stable_mosaic.version = 14 : i64} {
  func.func @triu_gather(%arg0: i32, %arg1: i32, %arg2: memref<1024x256x256xf32, #tpu.memory_space<hbm>>, %arg3: memref<128xi32, #tpu.memory_space<hbm>>, %arg4: memref<128xi32, #tpu.memory_space<hbm>>, %arg5: memref<1024x32896xf32, #tpu.memory_space<hbm>>, %arg6: memref<256x256xf32, #tpu.memory_space<vmem>>, %arg7: memref<32904xf32, #tpu.memory_space<vmem>>, %arg8: memref<128xi32, #tpu.memory_space<vmem>>, %arg9: memref<128xi32, #tpu.memory_space<vmem>>, %arg10: memref<!tpu.dma_semaphore, #tpu.memory_space<semaphore_mem>>, %arg11: memref<!tpu.dma_semaphore, #tpu.memory_space<semaphore_mem>>) attributes {dimension_semantics = [#tpu.dimension_semantics<core_parallel>, #tpu.dimension_semantics<subcore_parallel>], iteration_bounds = array<i64: 2, 16>, scalar_prefetch = 0 : i64, scratch_operands = 6 : i64, tpu.core_type = #tpu.core_type<sc_vector_subcore>, window_params = [{transform_indices = #map}, {transform_indices = #map1}, {transform_indices = #map1}, {transform_indices = #map2}]} {
    %mul3A = arith.constant 2 : i32
    %mul3A_0 = arith.muli %arg1, %mul3A : i32
    %add3A = arith.addi %mul3A_0, %arg0 : i32
    %mul3A_1 = arith.constant 32 : i32
    %mul3A_2 = arith.muli %add3A, %mul3A_1 : i32
    "tpu.region"() ({
      %run_scoped3A = tpu.sem_alloc : memref<!tpu.dma_semaphore, #tpu.memory_space<semaphore_mem>>
      tpu.enqueue_dma source(%arg3 : memref<128xi32, #tpu.memory_space<hbm>>) target(%arg8 : memref<128xi32, #tpu.memory_space<vmem>>) target_semaphore(%run_scoped3A : memref<!tpu.dma_semaphore, #tpu.memory_space<semaphore_mem>>)
      tpu.wait_dma2 semaphore(%run_scoped3A : memref<!tpu.dma_semaphore, #tpu.memory_space<semaphore_mem>>) src(%arg3 : memref<128xi32, #tpu.memory_space<hbm>>) dst(%arg8 : memref<128xi32, #tpu.memory_space<vmem>>)
      tpu.yield
    }) : () -> ()
    "tpu.region"() ({
      %run_scoped3A = tpu.sem_alloc : memref<!tpu.dma_semaphore, #tpu.memory_space<semaphore_mem>>
      tpu.enqueue_dma source(%arg4 : memref<128xi32, #tpu.memory_space<hbm>>) target(%arg9 : memref<128xi32, #tpu.memory_space<vmem>>) target_semaphore(%run_scoped3A : memref<!tpu.dma_semaphore, #tpu.memory_space<semaphore_mem>>)
      tpu.wait_dma2 semaphore(%run_scoped3A : memref<!tpu.dma_semaphore, #tpu.memory_space<semaphore_mem>>) src(%arg4 : memref<128xi32, #tpu.memory_space<hbm>>) dst(%arg9 : memref<128xi32, #tpu.memory_space<vmem>>)
      tpu.yield
    }) : () -> ()
    %scan3A = arith.constant 0 : i32
    %scan3A_3 = arith.constant 32 : i32
    %scan3A_4 = arith.addi %scan3A, %scan3A_3 : i32
    %scan3A_5 = arith.constant 1 : i32
    scf.for %scan3A_7 = %scan3A to %scan3A_4 step %scan3A_5  : i32 {
      %mul3A_8 = arith.constant 1 : i32
      %mul3A_9 = arith.muli %scan3A_7, %mul3A_8 : i32
      %add3A_10 = arith.constant 0 : i32
      %add3A_11 = arith.addi %add3A_10, %mul3A_9 : i32
      %add3A_12 = arith.addi %mul3A_2, %add3A_11 : i32
      %dma_start3A = arith.constant 0 : i32
      %dma_start3A_13 = arith.constant 0 : i32
      %dma_start3A_14 = tpu.memref_slice %arg6[%dma_start3A, %dma_start3A_13] : memref<256x256xf32, #tpu.memory_space<vmem>> -> memref<8x256xf32, #tpu.memory_space<vmem>>
      %dma_start3A_15 = arith.constant 0 : i32
      %dma_start3A_16 = arith.constant 0 : i32
      %dma_start3A_17 = tpu.memref_slice %arg2[%add3A_12, %dma_start3A_15, %dma_start3A_16] : memref<1024x256x256xf32, #tpu.memory_space<hbm>> -> memref<1x8x256xf32, #tpu.memory_space<hbm>>
      %dma_start3A_18 = tpu.memref_squeeze %dma_start3A_17 : memref<1x8x256xf32, #tpu.memory_space<hbm>> -> memref<8x256xf32, #tpu.memory_space<hbm>>
      %dma_start3A_19 = arith.constant 0 : i32
      %dma_start3A_20 = arith.constant 0 : i32
      %dma_start3A_21 = tpu.memref_slice %arg6[%dma_start3A_19, %dma_start3A_20] : memref<256x256xf32, #tpu.memory_space<vmem>> -> memref<8x256xf32, #tpu.memory_space<vmem>>
      %dma_start3A_22 = arith.constant 0 : i32
      %dma_start3A_23 = arith.constant 0 : i32
      %dma_start3A_24 = tpu.memref_slice %arg2[%add3A_12, %dma_start3A_22, %dma_start3A_23] : memref<1024x256x256xf32, #tpu.memory_space<hbm>> -> memref<1x8x256xf32, #tpu.memory_space<hbm>>
      %dma_start3A_25 = tpu.memref_squeeze %dma_start3A_24 : memref<1x8x256xf32, #tpu.memory_space<hbm>> -> memref<8x256xf32, #tpu.memory_space<hbm>>
      tpu.enqueue_dma source(%dma_start3A_25 : memref<8x256xf32, #tpu.memory_space<hbm>>) target(%dma_start3A_21 : memref<8x256xf32, #tpu.memory_space<vmem>>) target_semaphore(%arg10 : memref<!tpu.dma_semaphore, #tpu.memory_space<semaphore_mem>>)
      %dma_start3A_26 = arith.constant 8 : i32
      %dma_start3A_27 = arith.constant 8 : i32
      %dma_start3A_28 = tpu.memref_slice %arg6[%dma_start3A_26, %dma_start3A_27] : memref<256x256xf32, #tpu.memory_space<vmem>> -> memref<8x248xf32, #tpu.memory_space<vmem>>
      %dma_start3A_29 = arith.constant 8 : i32
      %dma_start3A_30 = arith.constant 8 : i32
      %dma_start3A_31 = tpu.memref_slice %arg2[%add3A_12, %dma_start3A_29, %dma_start3A_30] : memref<1024x256x256xf32, #tpu.memory_space<hbm>> -> memref<1x8x248xf32, #tpu.memory_space<hbm>>
      %dma_start3A_32 = tpu.memref_squeeze %dma_start3A_31 : memref<1x8x248xf32, #tpu.memory_space<hbm>> -> memref<8x248xf32, #tpu.memory_space<hbm>>
      %dma_start3A_33 = arith.constant 8 : i32
      %dma_start3A_34 = arith.constant 8 : i32
      %dma_start3A_35 = tpu.memref_slice %arg6[%dma_start3A_33, %dma_start3A_34] : memref<256x256xf32, #tpu.memory_space<vmem>> -> memref<8x248xf32, #tpu.memory_space<vmem>>
      %dma_start3A_36 = arith.constant 8 : i32
      %dma_start3A_37 = arith.constant 8 : i32
      %dma_start3A_38 = tpu.memref_slice %arg2[%add3A_12, %dma_start3A_36, %dma_start3A_37] : memref<1024x256x256xf32, #tpu.memory_space<hbm>> -> memref<1x8x248xf32, #tpu.memory_space<hbm>>
      %dma_start3A_39 = tpu.memref_squeeze %dma_start3A_38 : memref<1x8x248xf32, #tpu.memory_space<hbm>> -> memref<8x248xf32, #tpu.memory_space<hbm>>
      tpu.enqueue_dma source(%dma_start3A_39 : memref<8x248xf32, #tpu.memory_space<hbm>>) target(%dma_start3A_35 : memref<8x248xf32, #tpu.memory_space<vmem>>) target_semaphore(%arg10 : memref<!tpu.dma_semaphore, #tpu.memory_space<semaphore_mem>>)
      %dma_start3A_40 = arith.constant 16 : i32
      %dma_start3A_41 = arith.constant 16 : i32
      %dma_start3A_42 = tpu.memref_slice %arg6[%dma_start3A_40, %dma_start3A_41] : memref<256x256xf32, #tpu.memory_space<vmem>> -> memref<8x240xf32, #tpu.memory_space<vmem>>
      %dma_start3A_43 = arith.constant 16 : i32
      %dma_start3A_44 = arith.constant 16 : i32
      %dma_start3A_45 = tpu.memref_slice %arg2[%add3A_12, %dma_start3A_43, %dma_start3A_44] : memref<1024x256x256xf32, #tpu.memory_space<hbm>> -> memref<1x8x240xf32, #tpu.memory_space<hbm>>
      %dma_start3A_46 = tpu.memref_squeeze %dma_start3A_45 : memref<1x8x240xf32, #tpu.memory_space<hbm>> -> memref<8x240xf32, #tpu.memory_space<hbm>>
      %dma_start3A_47 = arith.constant 16 : i32
      %dma_start3A_48 = arith.constant 16 : i32
      %dma_start3A_49 = tpu.memref_slice %arg6[%dma_start3A_47, %dma_start3A_48] : memref<256x256xf32, #tpu.memory_space<vmem>> -> memref<8x240xf32, #tpu.memory_space<vmem>>
      %dma_start3A_50 = arith.constant 16 : i32
      %dma_start3A_51 = arith.constant 16 : i32
      %dma_start3A_52 = tpu.memref_slice %arg2[%add3A_12, %dma_start3A_50, %dma_start3A_51] : memref<1024x256x256xf32, #tpu.memory_space<hbm>> -> memref<1x8x240xf32, #tpu.memory_space<hbm>>
      %dma_start3A_53 = tpu.memref_squeeze %dma_start3A_52 : memref<1x8x240xf32, #tpu.memory_space<hbm>> -> memref<8x240xf32, #tpu.memory_space<hbm>>
      tpu.enqueue_dma source(%dma_start3A_53 : memref<8x240xf32, #tpu.memory_space<hbm>>) target(%dma_start3A_49 : memref<8x240xf32, #tpu.memory_space<vmem>>) target_semaphore(%arg10 : memref<!tpu.dma_semaphore, #tpu.memory_space<semaphore_mem>>)
      %dma_start3A_54 = arith.constant 24 : i32
      %dma_start3A_55 = arith.constant 24 : i32
      %dma_start3A_56 = tpu.memref_slice %arg6[%dma_start3A_54, %dma_start3A_55] : memref<256x256xf32, #tpu.memory_space<vmem>> -> memref<8x232xf32, #tpu.memory_space<vmem>>
      %dma_start3A_57 = arith.constant 24 : i32
      %dma_start3A_58 = arith.constant 24 : i32
      %dma_start3A_59 = tpu.memref_slice %arg2[%add3A_12, %dma_start3A_57, %dma_start3A_58] : memref<1024x256x256xf32, #tpu.memory_space<hbm>> -> memref<1x8x232xf32, #tpu.memory_space<hbm>>
      %dma_start3A_60 = tpu.memref_squeeze %dma_start3A_59 : memref<1x8x232xf32, #tpu.memory_space<hbm>> -> memref<8x232xf32, #tpu.memory_space<hbm>>
      %dma_start3A_61 = arith.constant 24 : i32
      %dma_start3A_62 = arith.constant 24 : i32
      %dma_start3A_63 = tpu.memref_slice %arg6[%dma_start3A_61, %dma_start3A_62] : memref<256x256xf32, #tpu.memory_space<vmem>> -> memref<8x232xf32, #tpu.memory_space<vmem>>
      %dma_start3A_64 = arith.constant 24 : i32
      %dma_start3A_65 = arith.constant 24 : i32
      %dma_start3A_66 = tpu.memref_slice %arg2[%add3A_12, %dma_start3A_64, %dma_start3A_65] : memref<1024x256x256xf32, #tpu.memory_space<hbm>> -> memref<1x8x232xf32, #tpu.memory_space<hbm>>
      %dma_start3A_67 = tpu.memref_squeeze %dma_start3A_66 : memref<1x8x232xf32, #tpu.memory_space<hbm>> -> memref<8x232xf32, #tpu.memory_space<hbm>>
      tpu.enqueue_dma source(%dma_start3A_67 : memref<8x232xf32, #tpu.memory_space<hbm>>) target(%dma_start3A_63 : memref<8x232xf32, #tpu.memory_space<vmem>>) target_semaphore(%arg10 : memref<!tpu.dma_semaphore, #tpu.memory_space<semaphore_mem>>)
      %dma_start3A_68 = arith.constant 32 : i32
      %dma_start3A_69 = arith.constant 32 : i32
      %dma_start3A_70 = tpu.memref_slice %arg6[%dma_start3A_68, %dma_start3A_69] : memref<256x256xf32, #tpu.memory_space<vmem>> -> memref<8x224xf32, #tpu.memory_space<vmem>>
      %dma_start3A_71 = arith.constant 32 : i32
      %dma_start3A_72 = arith.constant 32 : i32
      %dma_start3A_73 = tpu.memref_slice %arg2[%add3A_12, %dma_start3A_71, %dma_start3A_72] : memref<1024x256x256xf32, #tpu.memory_space<hbm>> -> memref<1x8x224xf32, #tpu.memory_space<hbm>>
      %dma_start3A_74 = tpu.memref_squeeze %dma_start3A_73 : memref<1x8x224xf32, #tpu.memory_space<hbm>> -> memref<8x224xf32, #tpu.memory_space<hbm>>
      %dma_start3A_75 = arith.constant 32 : i32
      %dma_start3A_76 = arith.constant 32 : i32
      %dma_start3A_77 = tpu.memref_slice %arg6[%dma_start3A_75, %dma_start3A_76] : memref<256x256xf32, #tpu.memory_space<vmem>> -> memref<8x224xf32, #tpu.memory_space<vmem>>
      %dma_start3A_78 = arith.constant 32 : i32
      %dma_start3A_79 = arith.constant 32 : i32
      %dma_start3A_80 = tpu.memref_slice %arg2[%add3A_12, %dma_start3A_78, %dma_start3A_79] : memref<1024x256x256xf32, #tpu.memory_space<hbm>> -> memref<1x8x224xf32, #tpu.memory_space<hbm>>
      %dma_start3A_81 = tpu.memref_squeeze %dma_start3A_80 : memref<1x8x224xf32, #tpu.memory_space<hbm>> -> memref<8x224xf32, #tpu.memory_space<hbm>>
      tpu.enqueue_dma source(%dma_start3A_81 : memref<8x224xf32, #tpu.memory_space<hbm>>) target(%dma_start3A_77 : memref<8x224xf32, #tpu.memory_space<vmem>>) target_semaphore(%arg10 : memref<!tpu.dma_semaphore, #tpu.memory_space<semaphore_mem>>)
      %dma_start3A_82 = arith.constant 40 : i32
      %dma_start3A_83 = arith.constant 40 : i32
      %dma_start3A_84 = tpu.memref_slice %arg6[%dma_start3A_82, %dma_start3A_83] : memref<256x256xf32, #tpu.memory_space<vmem>> -> memref<8x216xf32, #tpu.memory_space<vmem>>
      %dma_start3A_85 = arith.constant 40 : i32
      %dma_start3A_86 = arith.constant 40 : i32
      %dma_start3A_87 = tpu.memref_slice %arg2[%add3A_12, %dma_start3A_85, %dma_start3A_86] : memref<1024x256x256xf32, #tpu.memory_space<hbm>> -> memref<1x8x216xf32, #tpu.memory_space<hbm>>
      %dma_start3A_88 = tpu.memref_squeeze %dma_start3A_87 : memref<1x8x216xf32, #tpu.memory_space<hbm>> -> memref<8x216xf32, #tpu.memory_space<hbm>>
      %dma_start3A_89 = arith.constant 40 : i32
      %dma_start3A_90 = arith.constant 40 : i32
      %dma_start3A_91 = tpu.memref_slice %arg6[%dma_start3A_89, %dma_start3A_90] : memref<256x256xf32, #tpu.memory_space<vmem>> -> memref<8x216xf32, #tpu.memory_space<vmem>>
      %dma_start3A_92 = arith.constant 40 : i32
      %dma_start3A_93 = arith.constant 40 : i32
      %dma_start3A_94 = tpu.memref_slice %arg2[%add3A_12, %dma_start3A_92, %dma_start3A_93] : memref<1024x256x256xf32, #tpu.memory_space<hbm>> -> memref<1x8x216xf32, #tpu.memory_space<hbm>>
      %dma_start3A_95 = tpu.memref_squeeze %dma_start3A_94 : memref<1x8x216xf32, #tpu.memory_space<hbm>> -> memref<8x216xf32, #tpu.memory_space<hbm>>
      tpu.enqueue_dma source(%dma_start3A_95 : memref<8x216xf32, #tpu.memory_space<hbm>>) target(%dma_start3A_91 : memref<8x216xf32, #tpu.memory_space<vmem>>) target_semaphore(%arg10 : memref<!tpu.dma_semaphore, #tpu.memory_space<semaphore_mem>>)
      %dma_start3A_96 = arith.constant 48 : i32
      %dma_start3A_97 = arith.constant 48 : i32
      %dma_start3A_98 = tpu.memref_slice %arg6[%dma_start3A_96, %dma_start3A_97] : memref<256x256xf32, #tpu.memory_space<vmem>> -> memref<8x208xf32, #tpu.memory_space<vmem>>
      %dma_start3A_99 = arith.constant 48 : i32
      %dma_start3A_100 = arith.constant 48 : i32
      %dma_start3A_101 = tpu.memref_slice %arg2[%add3A_12, %dma_start3A_99, %dma_start3A_100] : memref<1024x256x256xf32, #tpu.memory_space<hbm>> -> memref<1x8x208xf32, #tpu.memory_space<hbm>>
      %dma_start3A_102 = tpu.memref_squeeze %dma_start3A_101 : memref<1x8x208xf32, #tpu.memory_space<hbm>> -> memref<8x208xf32, #tpu.memory_space<hbm>>
      %dma_start3A_103 = arith.constant 48 : i32
      %dma_start3A_104 = arith.constant 48 : i32
      %dma_start3A_105 = tpu.memref_slice %arg6[%dma_start3A_103, %dma_start3A_104] : memref<256x256xf32, #tpu.memory_space<vmem>> -> memref<8x208xf32, #tpu.memory_space<vmem>>
      %dma_start3A_106 = arith.constant 48 : i32
      %dma_start3A_107 = arith.constant 48 : i32
      %dma_start3A_108 = tpu.memref_slice %arg2[%add3A_12, %dma_start3A_106, %dma_start3A_107] : memref<1024x256x256xf32, #tpu.memory_space<hbm>> -> memref<1x8x208xf32, #tpu.memory_space<hbm>>
      %dma_start3A_109 = tpu.memref_squeeze %dma_start3A_108 : memref<1x8x208xf32, #tpu.memory_space<hbm>> -> memref<8x208xf32, #tpu.memory_space<hbm>>
      tpu.enqueue_dma source(%dma_start3A_109 : memref<8x208xf32, #tpu.memory_space<hbm>>) target(%dma_start3A_105 : memref<8x208xf32, #tpu.memory_space<vmem>>) target_semaphore(%arg10 : memref<!tpu.dma_semaphore, #tpu.memory_space<semaphore_mem>>)
      %dma_start3A_110 = arith.constant 56 : i32
      %dma_start3A_111 = arith.constant 56 : i32
      %dma_start3A_112 = tpu.memref_slice %arg6[%dma_start3A_110, %dma_start3A_111] : memref<256x256xf32, #tpu.memory_space<vmem>> -> memref<8x200xf32, #tpu.memory_space<vmem>>
      %dma_start3A_113 = arith.constant 56 : i32
      %dma_start3A_114 = arith.constant 56 : i32
      %dma_start3A_115 = tpu.memref_slice %arg2[%add3A_12, %dma_start3A_113, %dma_start3A_114] : memref<1024x256x256xf32, #tpu.memory_space<hbm>> -> memref<1x8x200xf32, #tpu.memory_space<hbm>>
      %dma_start3A_116 = tpu.memref_squeeze %dma_start3A_115 : memref<1x8x200xf32, #tpu.memory_space<hbm>> -> memref<8x200xf32, #tpu.memory_space<hbm>>
      %dma_start3A_117 = arith.constant 56 : i32
      %dma_start3A_118 = arith.constant 56 : i32
      %dma_start3A_119 = tpu.memref_slice %arg6[%dma_start3A_117, %dma_start3A_118] : memref<256x256xf32, #tpu.memory_space<vmem>> -> memref<8x200xf32, #tpu.memory_space<vmem>>
      %dma_start3A_120 = arith.constant 56 : i32
      %dma_start3A_121 = arith.constant 56 : i32
      %dma_start3A_122 = tpu.memref_slice %arg2[%add3A_12, %dma_start3A_120, %dma_start3A_121] : memref<1024x256x256xf32, #tpu.memory_space<hbm>> -> memref<1x8x200xf32, #tpu.memory_space<hbm>>
      %dma_start3A_123 = tpu.memref_squeeze %dma_start3A_122 : memref<1x8x200xf32, #tpu.memory_space<hbm>> -> memref<8x200xf32, #tpu.memory_space<hbm>>
      tpu.enqueue_dma source(%dma_start3A_123 : memref<8x200xf32, #tpu.memory_space<hbm>>) target(%dma_start3A_119 : memref<8x200xf32, #tpu.memory_space<vmem>>) target_semaphore(%arg10 : memref<!tpu.dma_semaphore, #tpu.memory_space<semaphore_mem>>)
      %dma_start3A_124 = arith.constant 64 : i32
      %dma_start3A_125 = arith.constant 64 : i32
      %dma_start3A_126 = tpu.memref_slice %arg6[%dma_start3A_124, %dma_start3A_125] : memref<256x256xf32, #tpu.memory_space<vmem>> -> memref<8x192xf32, #tpu.memory_space<vmem>>
      %dma_start3A_127 = arith.constant 64 : i32
      %dma_start3A_128 = arith.constant 64 : i32
      %dma_start3A_129 = tpu.memref_slice %arg2[%add3A_12, %dma_start3A_127, %dma_start3A_128] : memref<1024x256x256xf32, #tpu.memory_space<hbm>> -> memref<1x8x192xf32, #tpu.memory_space<hbm>>
      %dma_start3A_130 = tpu.memref_squeeze %dma_start3A_129 : memref<1x8x192xf32, #tpu.memory_space<hbm>> -> memref<8x192xf32, #tpu.memory_space<hbm>>
      %dma_start3A_131 = arith.constant 64 : i32
      %dma_start3A_132 = arith.constant 64 : i32
      %dma_start3A_133 = tpu.memref_slice %arg6[%dma_start3A_131, %dma_start3A_132] : memref<256x256xf32, #tpu.memory_space<vmem>> -> memref<8x192xf32, #tpu.memory_space<vmem>>
      %dma_start3A_134 = arith.constant 64 : i32
      %dma_start3A_135 = arith.constant 64 : i32
      %dma_start3A_136 = tpu.memref_slice %arg2[%add3A_12, %dma_start3A_134, %dma_start3A_135] : memref<1024x256x256xf32, #tpu.memory_space<hbm>> -> memref<1x8x192xf32, #tpu.memory_space<hbm>>
      %dma_start3A_137 = tpu.memref_squeeze %dma_start3A_136 : memref<1x8x192xf32, #tpu.memory_space<hbm>> -> memref<8x192xf32, #tpu.memory_space<hbm>>
      tpu.enqueue_dma source(%dma_start3A_137 : memref<8x192xf32, #tpu.memory_space<hbm>>) target(%dma_start3A_133 : memref<8x192xf32, #tpu.memory_space<vmem>>) target_semaphore(%arg10 : memref<!tpu.dma_semaphore, #tpu.memory_space<semaphore_mem>>)
      %dma_start3A_138 = arith.constant 72 : i32
      %dma_start3A_139 = arith.constant 72 : i32
      %dma_start3A_140 = tpu.memref_slice %arg6[%dma_start3A_138, %dma_start3A_139] : memref<256x256xf32, #tpu.memory_space<vmem>> -> memref<8x184xf32, #tpu.memory_space<vmem>>
      %dma_start3A_141 = arith.constant 72 : i32
      %dma_start3A_142 = arith.constant 72 : i32
      %dma_start3A_143 = tpu.memref_slice %arg2[%add3A_12, %dma_start3A_141, %dma_start3A_142] : memref<1024x256x256xf32, #tpu.memory_space<hbm>> -> memref<1x8x184xf32, #tpu.memory_space<hbm>>
      %dma_start3A_144 = tpu.memref_squeeze %dma_start3A_143 : memref<1x8x184xf32, #tpu.memory_space<hbm>> -> memref<8x184xf32, #tpu.memory_space<hbm>>
      %dma_start3A_145 = arith.constant 72 : i32
      %dma_start3A_146 = arith.constant 72 : i32
      %dma_start3A_147 = tpu.memref_slice %arg6[%dma_start3A_145, %dma_start3A_146] : memref<256x256xf32, #tpu.memory_space<vmem>> -> memref<8x184xf32, #tpu.memory_space<vmem>>
      %dma_start3A_148 = arith.constant 72 : i32
      %dma_start3A_149 = arith.constant 72 : i32
      %dma_start3A_150 = tpu.memref_slice %arg2[%add3A_12, %dma_start3A_148, %dma_start3A_149] : memref<1024x256x256xf32, #tpu.memory_space<hbm>> -> memref<1x8x184xf32, #tpu.memory_space<hbm>>
      %dma_start3A_151 = tpu.memref_squeeze %dma_start3A_150 : memref<1x8x184xf32, #tpu.memory_space<hbm>> -> memref<8x184xf32, #tpu.memory_space<hbm>>
      tpu.enqueue_dma source(%dma_start3A_151 : memref<8x184xf32, #tpu.memory_space<hbm>>) target(%dma_start3A_147 : memref<8x184xf32, #tpu.memory_space<vmem>>) target_semaphore(%arg10 : memref<!tpu.dma_semaphore, #tpu.memory_space<semaphore_mem>>)
      %dma_start3A_152 = arith.constant 80 : i32
      %dma_start3A_153 = arith.constant 80 : i32
      %dma_start3A_154 = tpu.memref_slice %arg6[%dma_start3A_152, %dma_start3A_153] : memref<256x256xf32, #tpu.memory_space<vmem>> -> memref<8x176xf32, #tpu.memory_space<vmem>>
      %dma_start3A_155 = arith.constant 80 : i32
      %dma_start3A_156 = arith.constant 80 : i32
      %dma_start3A_157 = tpu.memref_slice %arg2[%add3A_12, %dma_start3A_155, %dma_start3A_156] : memref<1024x256x256xf32, #tpu.memory_space<hbm>> -> memref<1x8x176xf32, #tpu.memory_space<hbm>>
      %dma_start3A_158 = tpu.memref_squeeze %dma_start3A_157 : memref<1x8x176xf32, #tpu.memory_space<hbm>> -> memref<8x176xf32, #tpu.memory_space<hbm>>
      %dma_start3A_159 = arith.constant 80 : i32
      %dma_start3A_160 = arith.constant 80 : i32
      %dma_start3A_161 = tpu.memref_slice %arg6[%dma_start3A_159, %dma_start3A_160] : memref<256x256xf32, #tpu.memory_space<vmem>> -> memref<8x176xf32, #tpu.memory_space<vmem>>
      %dma_start3A_162 = arith.constant 80 : i32
      %dma_start3A_163 = arith.constant 80 : i32
      %dma_start3A_164 = tpu.memref_slice %arg2[%add3A_12, %dma_start3A_162, %dma_start3A_163] : memref<1024x256x256xf32, #tpu.memory_space<hbm>> -> memref<1x8x176xf32, #tpu.memory_space<hbm>>
      %dma_start3A_165 = tpu.memref_squeeze %dma_start3A_164 : memref<1x8x176xf32, #tpu.memory_space<hbm>> -> memref<8x176xf32, #tpu.memory_space<hbm>>
      tpu.enqueue_dma source(%dma_start3A_165 : memref<8x176xf32, #tpu.memory_space<hbm>>) target(%dma_start3A_161 : memref<8x176xf32, #tpu.memory_space<vmem>>) target_semaphore(%arg10 : memref<!tpu.dma_semaphore, #tpu.memory_space<semaphore_mem>>)
      %dma_start3A_166 = arith.constant 88 : i32
      %dma_start3A_167 = arith.constant 88 : i32
      %dma_start3A_168 = tpu.memref_slice %arg6[%dma_start3A_166, %dma_start3A_167] : memref<256x256xf32, #tpu.memory_space<vmem>> -> memref<8x168xf32, #tpu.memory_space<vmem>>
      %dma_start3A_169 = arith.constant 88 : i32
      %dma_start3A_170 = arith.constant 88 : i32
      %dma_start3A_171 = tpu.memref_slice %arg2[%add3A_12, %dma_start3A_169, %dma_start3A_170] : memref<1024x256x256xf32, #tpu.memory_space<hbm>> -> memref<1x8x168xf32, #tpu.memory_space<hbm>>
      %dma_start3A_172 = tpu.memref_squeeze %dma_start3A_171 : memref<1x8x168xf32, #tpu.memory_space<hbm>> -> memref<8x168xf32, #tpu.memory_space<hbm>>
      %dma_start3A_173 = arith.constant 88 : i32
      %dma_start3A_174 = arith.constant 88 : i32
      %dma_start3A_175 = tpu.memref_slice %arg6[%dma_start3A_173, %dma_start3A_174] : memref<256x256xf32, #tpu.memory_space<vmem>> -> memref<8x168xf32, #tpu.memory_space<vmem>>
      %dma_start3A_176 = arith.constant 88 : i32
      %dma_start3A_177 = arith.constant 88 : i32
      %dma_start3A_178 = tpu.memref_slice %arg2[%add3A_12, %dma_start3A_176, %dma_start3A_177] : memref<1024x256x256xf32, #tpu.memory_space<hbm>> -> memref<1x8x168xf32, #tpu.memory_space<hbm>>
      %dma_start3A_179 = tpu.memref_squeeze %dma_start3A_178 : memref<1x8x168xf32, #tpu.memory_space<hbm>> -> memref<8x168xf32, #tpu.memory_space<hbm>>
      tpu.enqueue_dma source(%dma_start3A_179 : memref<8x168xf32, #tpu.memory_space<hbm>>) target(%dma_start3A_175 : memref<8x168xf32, #tpu.memory_space<vmem>>) target_semaphore(%arg10 : memref<!tpu.dma_semaphore, #tpu.memory_space<semaphore_mem>>)
      %dma_start3A_180 = arith.constant 96 : i32
      %dma_start3A_181 = arith.constant 96 : i32
      %dma_start3A_182 = tpu.memref_slice %arg6[%dma_start3A_180, %dma_start3A_181] : memref<256x256xf32, #tpu.memory_space<vmem>> -> memref<8x160xf32, #tpu.memory_space<vmem>>
      %dma_start3A_183 = arith.constant 96 : i32
      %dma_start3A_184 = arith.constant 96 : i32
      %dma_start3A_185 = tpu.memref_slice %arg2[%add3A_12, %dma_start3A_183, %dma_start3A_184] : memref<1024x256x256xf32, #tpu.memory_space<hbm>> -> memref<1x8x160xf32, #tpu.memory_space<hbm>>
      %dma_start3A_186 = tpu.memref_squeeze %dma_start3A_185 : memref<1x8x160xf32, #tpu.memory_space<hbm>> -> memref<8x160xf32, #tpu.memory_space<hbm>>
      %dma_start3A_187 = arith.constant 96 : i32
      %dma_start3A_188 = arith.constant 96 : i32
      %dma_start3A_189 = tpu.memref_slice %arg6[%dma_start3A_187, %dma_start3A_188] : memref<256x256xf32, #tpu.memory_space<vmem>> -> memref<8x160xf32, #tpu.memory_space<vmem>>
      %dma_start3A_190 = arith.constant 96 : i32
      %dma_start3A_191 = arith.constant 96 : i32
      %dma_start3A_192 = tpu.memref_slice %arg2[%add3A_12, %dma_start3A_190, %dma_start3A_191] : memref<1024x256x256xf32, #tpu.memory_space<hbm>> -> memref<1x8x160xf32, #tpu.memory_space<hbm>>
      %dma_start3A_193 = tpu.memref_squeeze %dma_start3A_192 : memref<1x8x160xf32, #tpu.memory_space<hbm>> -> memref<8x160xf32, #tpu.memory_space<hbm>>
      tpu.enqueue_dma source(%dma_start3A_193 : memref<8x160xf32, #tpu.memory_space<hbm>>) target(%dma_start3A_189 : memref<8x160xf32, #tpu.memory_space<vmem>>) target_semaphore(%arg10 : memref<!tpu.dma_semaphore, #tpu.memory_space<semaphore_mem>>)
      %dma_start3A_194 = arith.constant 104 : i32
      %dma_start3A_195 = arith.constant 104 : i32
      %dma_start3A_196 = tpu.memref_slice %arg6[%dma_start3A_194, %dma_start3A_195] : memref<256x256xf32, #tpu.memory_space<vmem>> -> memref<8x152xf32, #tpu.memory_space<vmem>>
      %dma_start3A_197 = arith.constant 104 : i32
      %dma_start3A_198 = arith.constant 104 : i32
      %dma_start3A_199 = tpu.memref_slice %arg2[%add3A_12, %dma_start3A_197, %dma_start3A_198] : memref<1024x256x256xf32, #tpu.memory_space<hbm>> -> memref<1x8x152xf32, #tpu.memory_space<hbm>>
      %dma_start3A_200 = tpu.memref_squeeze %dma_start3A_199 : memref<1x8x152xf32, #tpu.memory_space<hbm>> -> memref<8x152xf32, #tpu.memory_space<hbm>>
      %dma_start3A_201 = arith.constant 104 : i32
      %dma_start3A_202 = arith.constant 104 : i32
      %dma_start3A_203 = tpu.memref_slice %arg6[%dma_start3A_201, %dma_start3A_202] : memref<256x256xf32, #tpu.memory_space<vmem>> -> memref<8x152xf32, #tpu.memory_space<vmem>>
      %dma_start3A_204 = arith.constant 104 : i32
      %dma_start3A_205 = arith.constant 104 : i32
      %dma_start3A_206 = tpu.memref_slice %arg2[%add3A_12, %dma_start3A_204, %dma_start3A_205] : memref<1024x256x256xf32, #tpu.memory_space<hbm>> -> memref<1x8x152xf32, #tpu.memory_space<hbm>>
      %dma_start3A_207 = tpu.memref_squeeze %dma_start3A_206 : memref<1x8x152xf32, #tpu.memory_space<hbm>> -> memref<8x152xf32, #tpu.memory_space<hbm>>
      tpu.enqueue_dma source(%dma_start3A_207 : memref<8x152xf32, #tpu.memory_space<hbm>>) target(%dma_start3A_203 : memref<8x152xf32, #tpu.memory_space<vmem>>) target_semaphore(%arg10 : memref<!tpu.dma_semaphore, #tpu.memory_space<semaphore_mem>>)
      %dma_start3A_208 = arith.constant 112 : i32
      %dma_start3A_209 = arith.constant 112 : i32
      %dma_start3A_210 = tpu.memref_slice %arg6[%dma_start3A_208, %dma_start3A_209] : memref<256x256xf32, #tpu.memory_space<vmem>> -> memref<8x144xf32, #tpu.memory_space<vmem>>
      %dma_start3A_211 = arith.constant 112 : i32
      %dma_start3A_212 = arith.constant 112 : i32
      %dma_start3A_213 = tpu.memref_slice %arg2[%add3A_12, %dma_start3A_211, %dma_start3A_212] : memref<1024x256x256xf32, #tpu.memory_space<hbm>> -> memref<1x8x144xf32, #tpu.memory_space<hbm>>
      %dma_start3A_214 = tpu.memref_squeeze %dma_start3A_213 : memref<1x8x144xf32, #tpu.memory_space<hbm>> -> memref<8x144xf32, #tpu.memory_space<hbm>>
      %dma_start3A_215 = arith.constant 112 : i32
      %dma_start3A_216 = arith.constant 112 : i32
      %dma_start3A_217 = tpu.memref_slice %arg6[%dma_start3A_215, %dma_start3A_216] : memref<256x256xf32, #tpu.memory_space<vmem>> -> memref<8x144xf32, #tpu.memory_space<vmem>>
      %dma_start3A_218 = arith.constant 112 : i32
      %dma_start3A_219 = arith.constant 112 : i32
      %dma_start3A_220 = tpu.memref_slice %arg2[%add3A_12, %dma_start3A_218, %dma_start3A_219] : memref<1024x256x256xf32, #tpu.memory_space<hbm>> -> memref<1x8x144xf32, #tpu.memory_space<hbm>>
      %dma_start3A_221 = tpu.memref_squeeze %dma_start3A_220 : memref<1x8x144xf32, #tpu.memory_space<hbm>> -> memref<8x144xf32, #tpu.memory_space<hbm>>
      tpu.enqueue_dma source(%dma_start3A_221 : memref<8x144xf32, #tpu.memory_space<hbm>>) target(%dma_start3A_217 : memref<8x144xf32, #tpu.memory_space<vmem>>) target_semaphore(%arg10 : memref<!tpu.dma_semaphore, #tpu.memory_space<semaphore_mem>>)
      %dma_start3A_222 = arith.constant 120 : i32
      %dma_start3A_223 = arith.constant 120 : i32
      %dma_start3A_224 = tpu.memref_slice %arg6[%dma_start3A_222, %dma_start3A_223] : memref<256x256xf32, #tpu.memory_space<vmem>> -> memref<8x136xf32, #tpu.memory_space<vmem>>
      %dma_start3A_225 = arith.constant 120 : i32
      %dma_start3A_226 = arith.constant 120 : i32
      %dma_start3A_227 = tpu.memref_slice %arg2[%add3A_12, %dma_start3A_225, %dma_start3A_226] : memref<1024x256x256xf32, #tpu.memory_space<hbm>> -> memref<1x8x136xf32, #tpu.memory_space<hbm>>
      %dma_start3A_228 = tpu.memref_squeeze %dma_start3A_227 : memref<1x8x136xf32, #tpu.memory_space<hbm>> -> memref<8x136xf32, #tpu.memory_space<hbm>>
      %dma_start3A_229 = arith.constant 120 : i32
      %dma_start3A_230 = arith.constant 120 : i32
      %dma_start3A_231 = tpu.memref_slice %arg6[%dma_start3A_229, %dma_start3A_230] : memref<256x256xf32, #tpu.memory_space<vmem>> -> memref<8x136xf32, #tpu.memory_space<vmem>>
      %dma_start3A_232 = arith.constant 120 : i32
      %dma_start3A_233 = arith.constant 120 : i32
      %dma_start3A_234 = tpu.memref_slice %arg2[%add3A_12, %dma_start3A_232, %dma_start3A_233] : memref<1024x256x256xf32, #tpu.memory_space<hbm>> -> memref<1x8x136xf32, #tpu.memory_space<hbm>>
      %dma_start3A_235 = tpu.memref_squeeze %dma_start3A_234 : memref<1x8x136xf32, #tpu.memory_space<hbm>> -> memref<8x136xf32, #tpu.memory_space<hbm>>
      tpu.enqueue_dma source(%dma_start3A_235 : memref<8x136xf32, #tpu.memory_space<hbm>>) target(%dma_start3A_231 : memref<8x136xf32, #tpu.memory_space<vmem>>) target_semaphore(%arg10 : memref<!tpu.dma_semaphore, #tpu.memory_space<semaphore_mem>>)
      %dma_start3A_236 = arith.constant 128 : i32
      %dma_start3A_237 = arith.constant 128 : i32
      %dma_start3A_238 = tpu.memref_slice %arg6[%dma_start3A_236, %dma_start3A_237] : memref<256x256xf32, #tpu.memory_space<vmem>> -> memref<8x128xf32, #tpu.memory_space<vmem>>
      %dma_start3A_239 = arith.constant 128 : i32
      %dma_start3A_240 = arith.constant 128 : i32
      %dma_start3A_241 = tpu.memref_slice %arg2[%add3A_12, %dma_start3A_239, %dma_start3A_240] : memref<1024x256x256xf32, #tpu.memory_space<hbm>> -> memref<1x8x128xf32, #tpu.memory_space<hbm>>
      %dma_start3A_242 = tpu.memref_squeeze %dma_start3A_241 : memref<1x8x128xf32, #tpu.memory_space<hbm>> -> memref<8x128xf32, #tpu.memory_space<hbm>>
      %dma_start3A_243 = arith.constant 128 : i32
      %dma_start3A_244 = arith.constant 128 : i32
      %dma_start3A_245 = tpu.memref_slice %arg6[%dma_start3A_243, %dma_start3A_244] : memref<256x256xf32, #tpu.memory_space<vmem>> -> memref<8x128xf32, #tpu.memory_space<vmem>>
      %dma_start3A_246 = arith.constant 128 : i32
      %dma_start3A_247 = arith.constant 128 : i32
      %dma_start3A_248 = tpu.memref_slice %arg2[%add3A_12, %dma_start3A_246, %dma_start3A_247] : memref<1024x256x256xf32, #tpu.memory_space<hbm>> -> memref<1x8x128xf32, #tpu.memory_space<hbm>>
      %dma_start3A_249 = tpu.memref_squeeze %dma_start3A_248 : memref<1x8x128xf32, #tpu.memory_space<hbm>> -> memref<8x128xf32, #tpu.memory_space<hbm>>
      tpu.enqueue_dma source(%dma_start3A_249 : memref<8x128xf32, #tpu.memory_space<hbm>>) target(%dma_start3A_245 : memref<8x128xf32, #tpu.memory_space<vmem>>) target_semaphore(%arg10 : memref<!tpu.dma_semaphore, #tpu.memory_space<semaphore_mem>>)
      %dma_start3A_250 = arith.constant 136 : i32
      %dma_start3A_251 = arith.constant 136 : i32
      %dma_start3A_252 = tpu.memref_slice %arg6[%dma_start3A_250, %dma_start3A_251] : memref<256x256xf32, #tpu.memory_space<vmem>> -> memref<8x120xf32, #tpu.memory_space<vmem>>
      %dma_start3A_253 = arith.constant 136 : i32
      %dma_start3A_254 = arith.constant 136 : i32
      %dma_start3A_255 = tpu.memref_slice %arg2[%add3A_12, %dma_start3A_253, %dma_start3A_254] : memref<1024x256x256xf32, #tpu.memory_space<hbm>> -> memref<1x8x120xf32, #tpu.memory_space<hbm>>
      %dma_start3A_256 = tpu.memref_squeeze %dma_start3A_255 : memref<1x8x120xf32, #tpu.memory_space<hbm>> -> memref<8x120xf32, #tpu.memory_space<hbm>>
      %dma_start3A_257 = arith.constant 136 : i32
      %dma_start3A_258 = arith.constant 136 : i32
      %dma_start3A_259 = tpu.memref_slice %arg6[%dma_start3A_257, %dma_start3A_258] : memref<256x256xf32, #tpu.memory_space<vmem>> -> memref<8x120xf32, #tpu.memory_space<vmem>>
      %dma_start3A_260 = arith.constant 136 : i32
      %dma_start3A_261 = arith.constant 136 : i32
      %dma_start3A_262 = tpu.memref_slice %arg2[%add3A_12, %dma_start3A_260, %dma_start3A_261] : memref<1024x256x256xf32, #tpu.memory_space<hbm>> -> memref<1x8x120xf32, #tpu.memory_space<hbm>>
      %dma_start3A_263 = tpu.memref_squeeze %dma_start3A_262 : memref<1x8x120xf32, #tpu.memory_space<hbm>> -> memref<8x120xf32, #tpu.memory_space<hbm>>
      tpu.enqueue_dma source(%dma_start3A_263 : memref<8x120xf32, #tpu.memory_space<hbm>>) target(%dma_start3A_259 : memref<8x120xf32, #tpu.memory_space<vmem>>) target_semaphore(%arg10 : memref<!tpu.dma_semaphore, #tpu.memory_space<semaphore_mem>>)
      %dma_start3A_264 = arith.constant 144 : i32
      %dma_start3A_265 = arith.constant 144 : i32
      %dma_start3A_266 = tpu.memref_slice %arg6[%dma_start3A_264, %dma_start3A_265] : memref<256x256xf32, #tpu.memory_space<vmem>> -> memref<8x112xf32, #tpu.memory_space<vmem>>
      %dma_start3A_267 = arith.constant 144 : i32
      %dma_start3A_268 = arith.constant 144 : i32
      %dma_start3A_269 = tpu.memref_slice %arg2[%add3A_12, %dma_start3A_267, %dma_start3A_268] : memref<1024x256x256xf32, #tpu.memory_space<hbm>> -> memref<1x8x112xf32, #tpu.memory_space<hbm>>
      %dma_start3A_270 = tpu.memref_squeeze %dma_start3A_269 : memref<1x8x112xf32, #tpu.memory_space<hbm>> -> memref<8x112xf32, #tpu.memory_space<hbm>>
      %dma_start3A_271 = arith.constant 144 : i32
      %dma_start3A_272 = arith.constant 144 : i32
      %dma_start3A_273 = tpu.memref_slice %arg6[%dma_start3A_271, %dma_start3A_272] : memref<256x256xf32, #tpu.memory_space<vmem>> -> memref<8x112xf32, #tpu.memory_space<vmem>>
      %dma_start3A_274 = arith.constant 144 : i32
      %dma_start3A_275 = arith.constant 144 : i32
      %dma_start3A_276 = tpu.memref_slice %arg2[%add3A_12, %dma_start3A_274, %dma_start3A_275] : memref<1024x256x256xf32, #tpu.memory_space<hbm>> -> memref<1x8x112xf32, #tpu.memory_space<hbm>>
      %dma_start3A_277 = tpu.memref_squeeze %dma_start3A_276 : memref<1x8x112xf32, #tpu.memory_space<hbm>> -> memref<8x112xf32, #tpu.memory_space<hbm>>
      tpu.enqueue_dma source(%dma_start3A_277 : memref<8x112xf32, #tpu.memory_space<hbm>>) target(%dma_start3A_273 : memref<8x112xf32, #tpu.memory_space<vmem>>) target_semaphore(%arg10 : memref<!tpu.dma_semaphore, #tpu.memory_space<semaphore_mem>>)
      %dma_start3A_278 = arith.constant 152 : i32
      %dma_start3A_279 = arith.constant 152 : i32
      %dma_start3A_280 = tpu.memref_slice %arg6[%dma_start3A_278, %dma_start3A_279] : memref<256x256xf32, #tpu.memory_space<vmem>> -> memref<8x104xf32, #tpu.memory_space<vmem>>
      %dma_start3A_281 = arith.constant 152 : i32
      %dma_start3A_282 = arith.constant 152 : i32
      %dma_start3A_283 = tpu.memref_slice %arg2[%add3A_12, %dma_start3A_281, %dma_start3A_282] : memref<1024x256x256xf32, #tpu.memory_space<hbm>> -> memref<1x8x104xf32, #tpu.memory_space<hbm>>
      %dma_start3A_284 = tpu.memref_squeeze %dma_start3A_283 : memref<1x8x104xf32, #tpu.memory_space<hbm>> -> memref<8x104xf32, #tpu.memory_space<hbm>>
      %dma_start3A_285 = arith.constant 152 : i32
      %dma_start3A_286 = arith.constant 152 : i32
      %dma_start3A_287 = tpu.memref_slice %arg6[%dma_start3A_285, %dma_start3A_286] : memref<256x256xf32, #tpu.memory_space<vmem>> -> memref<8x104xf32, #tpu.memory_space<vmem>>
      %dma_start3A_288 = arith.constant 152 : i32
      %dma_start3A_289 = arith.constant 152 : i32
      %dma_start3A_290 = tpu.memref_slice %arg2[%add3A_12, %dma_start3A_288, %dma_start3A_289] : memref<1024x256x256xf32, #tpu.memory_space<hbm>> -> memref<1x8x104xf32, #tpu.memory_space<hbm>>
      %dma_start3A_291 = tpu.memref_squeeze %dma_start3A_290 : memref<1x8x104xf32, #tpu.memory_space<hbm>> -> memref<8x104xf32, #tpu.memory_space<hbm>>
      tpu.enqueue_dma source(%dma_start3A_291 : memref<8x104xf32, #tpu.memory_space<hbm>>) target(%dma_start3A_287 : memref<8x104xf32, #tpu.memory_space<vmem>>) target_semaphore(%arg10 : memref<!tpu.dma_semaphore, #tpu.memory_space<semaphore_mem>>)
      %dma_start3A_292 = arith.constant 160 : i32
      %dma_start3A_293 = arith.constant 160 : i32
      %dma_start3A_294 = tpu.memref_slice %arg6[%dma_start3A_292, %dma_start3A_293] : memref<256x256xf32, #tpu.memory_space<vmem>> -> memref<8x96xf32, #tpu.memory_space<vmem>>
      %dma_start3A_295 = arith.constant 160 : i32
      %dma_start3A_296 = arith.constant 160 : i32
      %dma_start3A_297 = tpu.memref_slice %arg2[%add3A_12, %dma_start3A_295, %dma_start3A_296] : memref<1024x256x256xf32, #tpu.memory_space<hbm>> -> memref<1x8x96xf32, #tpu.memory_space<hbm>>
      %dma_start3A_298 = tpu.memref_squeeze %dma_start3A_297 : memref<1x8x96xf32, #tpu.memory_space<hbm>> -> memref<8x96xf32, #tpu.memory_space<hbm>>
      %dma_start3A_299 = arith.constant 160 : i32
      %dma_start3A_300 = arith.constant 160 : i32
      %dma_start3A_301 = tpu.memref_slice %arg6[%dma_start3A_299, %dma_start3A_300] : memref<256x256xf32, #tpu.memory_space<vmem>> -> memref<8x96xf32, #tpu.memory_space<vmem>>
      %dma_start3A_302 = arith.constant 160 : i32
      %dma_start3A_303 = arith.constant 160 : i32
      %dma_start3A_304 = tpu.memref_slice %arg2[%add3A_12, %dma_start3A_302, %dma_start3A_303] : memref<1024x256x256xf32, #tpu.memory_space<hbm>> -> memref<1x8x96xf32, #tpu.memory_space<hbm>>
      %dma_start3A_305 = tpu.memref_squeeze %dma_start3A_304 : memref<1x8x96xf32, #tpu.memory_space<hbm>> -> memref<8x96xf32, #tpu.memory_space<hbm>>
      tpu.enqueue_dma source(%dma_start3A_305 : memref<8x96xf32, #tpu.memory_space<hbm>>) target(%dma_start3A_301 : memref<8x96xf32, #tpu.memory_space<vmem>>) target_semaphore(%arg10 : memref<!tpu.dma_semaphore, #tpu.memory_space<semaphore_mem>>)
      %dma_start3A_306 = arith.constant 168 : i32
      %dma_start3A_307 = arith.constant 168 : i32
      %dma_start3A_308 = tpu.memref_slice %arg6[%dma_start3A_306, %dma_start3A_307] : memref<256x256xf32, #tpu.memory_space<vmem>> -> memref<8x88xf32, #tpu.memory_space<vmem>>
      %dma_start3A_309 = arith.constant 168 : i32
      %dma_start3A_310 = arith.constant 168 : i32
      %dma_start3A_311 = tpu.memref_slice %arg2[%add3A_12, %dma_start3A_309, %dma_start3A_310] : memref<1024x256x256xf32, #tpu.memory_space<hbm>> -> memref<1x8x88xf32, #tpu.memory_space<hbm>>
      %dma_start3A_312 = tpu.memref_squeeze %dma_start3A_311 : memref<1x8x88xf32, #tpu.memory_space<hbm>> -> memref<8x88xf32, #tpu.memory_space<hbm>>
      %dma_start3A_313 = arith.constant 168 : i32
      %dma_start3A_314 = arith.constant 168 : i32
      %dma_start3A_315 = tpu.memref_slice %arg6[%dma_start3A_313, %dma_start3A_314] : memref<256x256xf32, #tpu.memory_space<vmem>> -> memref<8x88xf32, #tpu.memory_space<vmem>>
      %dma_start3A_316 = arith.constant 168 : i32
      %dma_start3A_317 = arith.constant 168 : i32
      %dma_start3A_318 = tpu.memref_slice %arg2[%add3A_12, %dma_start3A_316, %dma_start3A_317] : memref<1024x256x256xf32, #tpu.memory_space<hbm>> -> memref<1x8x88xf32, #tpu.memory_space<hbm>>
      %dma_start3A_319 = tpu.memref_squeeze %dma_start3A_318 : memref<1x8x88xf32, #tpu.memory_space<hbm>> -> memref<8x88xf32, #tpu.memory_space<hbm>>
      tpu.enqueue_dma source(%dma_start3A_319 : memref<8x88xf32, #tpu.memory_space<hbm>>) target(%dma_start3A_315 : memref<8x88xf32, #tpu.memory_space<vmem>>) target_semaphore(%arg10 : memref<!tpu.dma_semaphore, #tpu.memory_space<semaphore_mem>>)
      %dma_start3A_320 = arith.constant 176 : i32
      %dma_start3A_321 = arith.constant 176 : i32
      %dma_start3A_322 = tpu.memref_slice %arg6[%dma_start3A_320, %dma_start3A_321] : memref<256x256xf32, #tpu.memory_space<vmem>> -> memref<8x80xf32, #tpu.memory_space<vmem>>
      %dma_start3A_323 = arith.constant 176 : i32
      %dma_start3A_324 = arith.constant 176 : i32
      %dma_start3A_325 = tpu.memref_slice %arg2[%add3A_12, %dma_start3A_323, %dma_start3A_324] : memref<1024x256x256xf32, #tpu.memory_space<hbm>> -> memref<1x8x80xf32, #tpu.memory_space<hbm>>
      %dma_start3A_326 = tpu.memref_squeeze %dma_start3A_325 : memref<1x8x80xf32, #tpu.memory_space<hbm>> -> memref<8x80xf32, #tpu.memory_space<hbm>>
      %dma_start3A_327 = arith.constant 176 : i32
      %dma_start3A_328 = arith.constant 176 : i32
      %dma_start3A_329 = tpu.memref_slice %arg6[%dma_start3A_327, %dma_start3A_328] : memref<256x256xf32, #tpu.memory_space<vmem>> -> memref<8x80xf32, #tpu.memory_space<vmem>>
      %dma_start3A_330 = arith.constant 176 : i32
      %dma_start3A_331 = arith.constant 176 : i32
      %dma_start3A_332 = tpu.memref_slice %arg2[%add3A_12, %dma_start3A_330, %dma_start3A_331] : memref<1024x256x256xf32, #tpu.memory_space<hbm>> -> memref<1x8x80xf32, #tpu.memory_space<hbm>>
      %dma_start3A_333 = tpu.memref_squeeze %dma_start3A_332 : memref<1x8x80xf32, #tpu.memory_space<hbm>> -> memref<8x80xf32, #tpu.memory_space<hbm>>
      tpu.enqueue_dma source(%dma_start3A_333 : memref<8x80xf32, #tpu.memory_space<hbm>>) target(%dma_start3A_329 : memref<8x80xf32, #tpu.memory_space<vmem>>) target_semaphore(%arg10 : memref<!tpu.dma_semaphore, #tpu.memory_space<semaphore_mem>>)
      %dma_start3A_334 = arith.constant 184 : i32
      %dma_start3A_335 = arith.constant 184 : i32
      %dma_start3A_336 = tpu.memref_slice %arg6[%dma_start3A_334, %dma_start3A_335] : memref<256x256xf32, #tpu.memory_space<vmem>> -> memref<8x72xf32, #tpu.memory_space<vmem>>
      %dma_start3A_337 = arith.constant 184 : i32
      %dma_start3A_338 = arith.constant 184 : i32
      %dma_start3A_339 = tpu.memref_slice %arg2[%add3A_12, %dma_start3A_337, %dma_start3A_338] : memref<1024x256x256xf32, #tpu.memory_space<hbm>> -> memref<1x8x72xf32, #tpu.memory_space<hbm>>
      %dma_start3A_340 = tpu.memref_squeeze %dma_start3A_339 : memref<1x8x72xf32, #tpu.memory_space<hbm>> -> memref<8x72xf32, #tpu.memory_space<hbm>>
      %dma_start3A_341 = arith.constant 184 : i32
      %dma_start3A_342 = arith.constant 184 : i32
      %dma_start3A_343 = tpu.memref_slice %arg6[%dma_start3A_341, %dma_start3A_342] : memref<256x256xf32, #tpu.memory_space<vmem>> -> memref<8x72xf32, #tpu.memory_space<vmem>>
      %dma_start3A_344 = arith.constant 184 : i32
      %dma_start3A_345 = arith.constant 184 : i32
      %dma_start3A_346 = tpu.memref_slice %arg2[%add3A_12, %dma_start3A_344, %dma_start3A_345] : memref<1024x256x256xf32, #tpu.memory_space<hbm>> -> memref<1x8x72xf32, #tpu.memory_space<hbm>>
      %dma_start3A_347 = tpu.memref_squeeze %dma_start3A_346 : memref<1x8x72xf32, #tpu.memory_space<hbm>> -> memref<8x72xf32, #tpu.memory_space<hbm>>
      tpu.enqueue_dma source(%dma_start3A_347 : memref<8x72xf32, #tpu.memory_space<hbm>>) target(%dma_start3A_343 : memref<8x72xf32, #tpu.memory_space<vmem>>) target_semaphore(%arg10 : memref<!tpu.dma_semaphore, #tpu.memory_space<semaphore_mem>>)
      %dma_start3A_348 = arith.constant 192 : i32
      %dma_start3A_349 = arith.constant 192 : i32
      %dma_start3A_350 = tpu.memref_slice %arg6[%dma_start3A_348, %dma_start3A_349] : memref<256x256xf32, #tpu.memory_space<vmem>> -> memref<8x64xf32, #tpu.memory_space<vmem>>
      %dma_start3A_351 = arith.constant 192 : i32
      %dma_start3A_352 = arith.constant 192 : i32
      %dma_start3A_353 = tpu.memref_slice %arg2[%add3A_12, %dma_start3A_351, %dma_start3A_352] : memref<1024x256x256xf32, #tpu.memory_space<hbm>> -> memref<1x8x64xf32, #tpu.memory_space<hbm>>
      %dma_start3A_354 = tpu.memref_squeeze %dma_start3A_353 : memref<1x8x64xf32, #tpu.memory_space<hbm>> -> memref<8x64xf32, #tpu.memory_space<hbm>>
      %dma_start3A_355 = arith.constant 192 : i32
      %dma_start3A_356 = arith.constant 192 : i32
      %dma_start3A_357 = tpu.memref_slice %arg6[%dma_start3A_355, %dma_start3A_356] : memref<256x256xf32, #tpu.memory_space<vmem>> -> memref<8x64xf32, #tpu.memory_space<vmem>>
      %dma_start3A_358 = arith.constant 192 : i32
      %dma_start3A_359 = arith.constant 192 : i32
      %dma_start3A_360 = tpu.memref_slice %arg2[%add3A_12, %dma_start3A_358, %dma_start3A_359] : memref<1024x256x256xf32, #tpu.memory_space<hbm>> -> memref<1x8x64xf32, #tpu.memory_space<hbm>>
      %dma_start3A_361 = tpu.memref_squeeze %dma_start3A_360 : memref<1x8x64xf32, #tpu.memory_space<hbm>> -> memref<8x64xf32, #tpu.memory_space<hbm>>
      tpu.enqueue_dma source(%dma_start3A_361 : memref<8x64xf32, #tpu.memory_space<hbm>>) target(%dma_start3A_357 : memref<8x64xf32, #tpu.memory_space<vmem>>) target_semaphore(%arg10 : memref<!tpu.dma_semaphore, #tpu.memory_space<semaphore_mem>>)
      %dma_start3A_362 = arith.constant 200 : i32
      %dma_start3A_363 = arith.constant 200 : i32
      %dma_start3A_364 = tpu.memref_slice %arg6[%dma_start3A_362, %dma_start3A_363] : memref<256x256xf32, #tpu.memory_space<vmem>> -> memref<8x56xf32, #tpu.memory_space<vmem>>
      %dma_start3A_365 = arith.constant 200 : i32
      %dma_start3A_366 = arith.constant 200 : i32
      %dma_start3A_367 = tpu.memref_slice %arg2[%add3A_12, %dma_start3A_365, %dma_start3A_366] : memref<1024x256x256xf32, #tpu.memory_space<hbm>> -> memref<1x8x56xf32, #tpu.memory_space<hbm>>
      %dma_start3A_368 = tpu.memref_squeeze %dma_start3A_367 : memref<1x8x56xf32, #tpu.memory_space<hbm>> -> memref<8x56xf32, #tpu.memory_space<hbm>>
      %dma_start3A_369 = arith.constant 200 : i32
      %dma_start3A_370 = arith.constant 200 : i32
      %dma_start3A_371 = tpu.memref_slice %arg6[%dma_start3A_369, %dma_start3A_370] : memref<256x256xf32, #tpu.memory_space<vmem>> -> memref<8x56xf32, #tpu.memory_space<vmem>>
      %dma_start3A_372 = arith.constant 200 : i32
      %dma_start3A_373 = arith.constant 200 : i32
      %dma_start3A_374 = tpu.memref_slice %arg2[%add3A_12, %dma_start3A_372, %dma_start3A_373] : memref<1024x256x256xf32, #tpu.memory_space<hbm>> -> memref<1x8x56xf32, #tpu.memory_space<hbm>>
      %dma_start3A_375 = tpu.memref_squeeze %dma_start3A_374 : memref<1x8x56xf32, #tpu.memory_space<hbm>> -> memref<8x56xf32, #tpu.memory_space<hbm>>
      tpu.enqueue_dma source(%dma_start3A_375 : memref<8x56xf32, #tpu.memory_space<hbm>>) target(%dma_start3A_371 : memref<8x56xf32, #tpu.memory_space<vmem>>) target_semaphore(%arg10 : memref<!tpu.dma_semaphore, #tpu.memory_space<semaphore_mem>>)
      %dma_start3A_376 = arith.constant 208 : i32
      %dma_start3A_377 = arith.constant 208 : i32
      %dma_start3A_378 = tpu.memref_slice %arg6[%dma_start3A_376, %dma_start3A_377] : memref<256x256xf32, #tpu.memory_space<vmem>> -> memref<8x48xf32, #tpu.memory_space<vmem>>
      %dma_start3A_379 = arith.constant 208 : i32
      %dma_start3A_380 = arith.constant 208 : i32
      %dma_start3A_381 = tpu.memref_slice %arg2[%add3A_12, %dma_start3A_379, %dma_start3A_380] : memref<1024x256x256xf32, #tpu.memory_space<hbm>> -> memref<1x8x48xf32, #tpu.memory_space<hbm>>
      %dma_start3A_382 = tpu.memref_squeeze %dma_start3A_381 : memref<1x8x48xf32, #tpu.memory_space<hbm>> -> memref<8x48xf32, #tpu.memory_space<hbm>>
      %dma_start3A_383 = arith.constant 208 : i32
      %dma_start3A_384 = arith.constant 208 : i32
      %dma_start3A_385 = tpu.memref_slice %arg6[%dma_start3A_383, %dma_start3A_384] : memref<256x256xf32, #tpu.memory_space<vmem>> -> memref<8x48xf32, #tpu.memory_space<vmem>>
      %dma_start3A_386 = arith.constant 208 : i32
      %dma_start3A_387 = arith.constant 208 : i32
      %dma_start3A_388 = tpu.memref_slice %arg2[%add3A_12, %dma_start3A_386, %dma_start3A_387] : memref<1024x256x256xf32, #tpu.memory_space<hbm>> -> memref<1x8x48xf32, #tpu.memory_space<hbm>>
      %dma_start3A_389 = tpu.memref_squeeze %dma_start3A_388 : memref<1x8x48xf32, #tpu.memory_space<hbm>> -> memref<8x48xf32, #tpu.memory_space<hbm>>
      tpu.enqueue_dma source(%dma_start3A_389 : memref<8x48xf32, #tpu.memory_space<hbm>>) target(%dma_start3A_385 : memref<8x48xf32, #tpu.memory_space<vmem>>) target_semaphore(%arg10 : memref<!tpu.dma_semaphore, #tpu.memory_space<semaphore_mem>>)
      %dma_start3A_390 = arith.constant 216 : i32
      %dma_start3A_391 = arith.constant 216 : i32
      %dma_start3A_392 = tpu.memref_slice %arg6[%dma_start3A_390, %dma_start3A_391] : memref<256x256xf32, #tpu.memory_space<vmem>> -> memref<8x40xf32, #tpu.memory_space<vmem>>
      %dma_start3A_393 = arith.constant 216 : i32
      %dma_start3A_394 = arith.constant 216 : i32
      %dma_start3A_395 = tpu.memref_slice %arg2[%add3A_12, %dma_start3A_393, %dma_start3A_394] : memref<1024x256x256xf32, #tpu.memory_space<hbm>> -> memref<1x8x40xf32, #tpu.memory_space<hbm>>
      %dma_start3A_396 = tpu.memref_squeeze %dma_start3A_395 : memref<1x8x40xf32, #tpu.memory_space<hbm>> -> memref<8x40xf32, #tpu.memory_space<hbm>>
      %dma_start3A_397 = arith.constant 216 : i32
      %dma_start3A_398 = arith.constant 216 : i32
      %dma_start3A_399 = tpu.memref_slice %arg6[%dma_start3A_397, %dma_start3A_398] : memref<256x256xf32, #tpu.memory_space<vmem>> -> memref<8x40xf32, #tpu.memory_space<vmem>>
      %dma_start3A_400 = arith.constant 216 : i32
      %dma_start3A_401 = arith.constant 216 : i32
      %dma_start3A_402 = tpu.memref_slice %arg2[%add3A_12, %dma_start3A_400, %dma_start3A_401] : memref<1024x256x256xf32, #tpu.memory_space<hbm>> -> memref<1x8x40xf32, #tpu.memory_space<hbm>>
      %dma_start3A_403 = tpu.memref_squeeze %dma_start3A_402 : memref<1x8x40xf32, #tpu.memory_space<hbm>> -> memref<8x40xf32, #tpu.memory_space<hbm>>
      tpu.enqueue_dma source(%dma_start3A_403 : memref<8x40xf32, #tpu.memory_space<hbm>>) target(%dma_start3A_399 : memref<8x40xf32, #tpu.memory_space<vmem>>) target_semaphore(%arg10 : memref<!tpu.dma_semaphore, #tpu.memory_space<semaphore_mem>>)
      %dma_start3A_404 = arith.constant 224 : i32
      %dma_start3A_405 = arith.constant 224 : i32
      %dma_start3A_406 = tpu.memref_slice %arg6[%dma_start3A_404, %dma_start3A_405] : memref<256x256xf32, #tpu.memory_space<vmem>> -> memref<8x32xf32, #tpu.memory_space<vmem>>
      %dma_start3A_407 = arith.constant 224 : i32
      %dma_start3A_408 = arith.constant 224 : i32
      %dma_start3A_409 = tpu.memref_slice %arg2[%add3A_12, %dma_start3A_407, %dma_start3A_408] : memref<1024x256x256xf32, #tpu.memory_space<hbm>> -> memref<1x8x32xf32, #tpu.memory_space<hbm>>
      %dma_start3A_410 = tpu.memref_squeeze %dma_start3A_409 : memref<1x8x32xf32, #tpu.memory_space<hbm>> -> memref<8x32xf32, #tpu.memory_space<hbm>>
      %dma_start3A_411 = arith.constant 224 : i32
      %dma_start3A_412 = arith.constant 224 : i32
      %dma_start3A_413 = tpu.memref_slice %arg6[%dma_start3A_411, %dma_start3A_412] : memref<256x256xf32, #tpu.memory_space<vmem>> -> memref<8x32xf32, #tpu.memory_space<vmem>>
      %dma_start3A_414 = arith.constant 224 : i32
      %dma_start3A_415 = arith.constant 224 : i32
      %dma_start3A_416 = tpu.memref_slice %arg2[%add3A_12, %dma_start3A_414, %dma_start3A_415] : memref<1024x256x256xf32, #tpu.memory_space<hbm>> -> memref<1x8x32xf32, #tpu.memory_space<hbm>>
      %dma_start3A_417 = tpu.memref_squeeze %dma_start3A_416 : memref<1x8x32xf32, #tpu.memory_space<hbm>> -> memref<8x32xf32, #tpu.memory_space<hbm>>
      tpu.enqueue_dma source(%dma_start3A_417 : memref<8x32xf32, #tpu.memory_space<hbm>>) target(%dma_start3A_413 : memref<8x32xf32, #tpu.memory_space<vmem>>) target_semaphore(%arg10 : memref<!tpu.dma_semaphore, #tpu.memory_space<semaphore_mem>>)
      %dma_start3A_418 = arith.constant 232 : i32
      %dma_start3A_419 = arith.constant 232 : i32
      %dma_start3A_420 = tpu.memref_slice %arg6[%dma_start3A_418, %dma_start3A_419] : memref<256x256xf32, #tpu.memory_space<vmem>> -> memref<8x24xf32, #tpu.memory_space<vmem>>
      %dma_start3A_421 = arith.constant 232 : i32
      %dma_start3A_422 = arith.constant 232 : i32
      %dma_start3A_423 = tpu.memref_slice %arg2[%add3A_12, %dma_start3A_421, %dma_start3A_422] : memref<1024x256x256xf32, #tpu.memory_space<hbm>> -> memref<1x8x24xf32, #tpu.memory_space<hbm>>
      %dma_start3A_424 = tpu.memref_squeeze %dma_start3A_423 : memref<1x8x24xf32, #tpu.memory_space<hbm>> -> memref<8x24xf32, #tpu.memory_space<hbm>>
      %dma_start3A_425 = arith.constant 232 : i32
      %dma_start3A_426 = arith.constant 232 : i32
      %dma_start3A_427 = tpu.memref_slice %arg6[%dma_start3A_425, %dma_start3A_426] : memref<256x256xf32, #tpu.memory_space<vmem>> -> memref<8x24xf32, #tpu.memory_space<vmem>>
      %dma_start3A_428 = arith.constant 232 : i32
      %dma_start3A_429 = arith.constant 232 : i32
      %dma_start3A_430 = tpu.memref_slice %arg2[%add3A_12, %dma_start3A_428, %dma_start3A_429] : memref<1024x256x256xf32, #tpu.memory_space<hbm>> -> memref<1x8x24xf32, #tpu.memory_space<hbm>>
      %dma_start3A_431 = tpu.memref_squeeze %dma_start3A_430 : memref<1x8x24xf32, #tpu.memory_space<hbm>> -> memref<8x24xf32, #tpu.memory_space<hbm>>
      tpu.enqueue_dma source(%dma_start3A_431 : memref<8x24xf32, #tpu.memory_space<hbm>>) target(%dma_start3A_427 : memref<8x24xf32, #tpu.memory_space<vmem>>) target_semaphore(%arg10 : memref<!tpu.dma_semaphore, #tpu.memory_space<semaphore_mem>>)
      %dma_start3A_432 = arith.constant 240 : i32
      %dma_start3A_433 = arith.constant 240 : i32
      %dma_start3A_434 = tpu.memref_slice %arg6[%dma_start3A_432, %dma_start3A_433] : memref<256x256xf32, #tpu.memory_space<vmem>> -> memref<8x16xf32, #tpu.memory_space<vmem>>
      %dma_start3A_435 = arith.constant 240 : i32
      %dma_start3A_436 = arith.constant 240 : i32
      %dma_start3A_437 = tpu.memref_slice %arg2[%add3A_12, %dma_start3A_435, %dma_start3A_436] : memref<1024x256x256xf32, #tpu.memory_space<hbm>> -> memref<1x8x16xf32, #tpu.memory_space<hbm>>
      %dma_start3A_438 = tpu.memref_squeeze %dma_start3A_437 : memref<1x8x16xf32, #tpu.memory_space<hbm>> -> memref<8x16xf32, #tpu.memory_space<hbm>>
      %dma_start3A_439 = arith.constant 240 : i32
      %dma_start3A_440 = arith.constant 240 : i32
      %dma_start3A_441 = tpu.memref_slice %arg6[%dma_start3A_439, %dma_start3A_440] : memref<256x256xf32, #tpu.memory_space<vmem>> -> memref<8x16xf32, #tpu.memory_space<vmem>>
      %dma_start3A_442 = arith.constant 240 : i32
      %dma_start3A_443 = arith.constant 240 : i32
      %dma_start3A_444 = tpu.memref_slice %arg2[%add3A_12, %dma_start3A_442, %dma_start3A_443] : memref<1024x256x256xf32, #tpu.memory_space<hbm>> -> memref<1x8x16xf32, #tpu.memory_space<hbm>>
      %dma_start3A_445 = tpu.memref_squeeze %dma_start3A_444 : memref<1x8x16xf32, #tpu.memory_space<hbm>> -> memref<8x16xf32, #tpu.memory_space<hbm>>
      tpu.enqueue_dma source(%dma_start3A_445 : memref<8x16xf32, #tpu.memory_space<hbm>>) target(%dma_start3A_441 : memref<8x16xf32, #tpu.memory_space<vmem>>) target_semaphore(%arg10 : memref<!tpu.dma_semaphore, #tpu.memory_space<semaphore_mem>>)
      %dma_start3A_446 = arith.constant 248 : i32
      %dma_start3A_447 = arith.constant 248 : i32
      %dma_start3A_448 = tpu.memref_slice %arg6[%dma_start3A_446, %dma_start3A_447] : memref<256x256xf32, #tpu.memory_space<vmem>> -> memref<8x8xf32, #tpu.memory_space<vmem>>
      %dma_start3A_449 = arith.constant 248 : i32
      %dma_start3A_450 = arith.constant 248 : i32
      %dma_start3A_451 = tpu.memref_slice %arg2[%add3A_12, %dma_start3A_449, %dma_start3A_450] : memref<1024x256x256xf32, #tpu.memory_space<hbm>> -> memref<1x8x8xf32, #tpu.memory_space<hbm>>
      %dma_start3A_452 = tpu.memref_squeeze %dma_start3A_451 : memref<1x8x8xf32, #tpu.memory_space<hbm>> -> memref<8x8xf32, #tpu.memory_space<hbm>>
      %dma_start3A_453 = arith.constant 248 : i32
      %dma_start3A_454 = arith.constant 248 : i32
      %dma_start3A_455 = tpu.memref_slice %arg6[%dma_start3A_453, %dma_start3A_454] : memref<256x256xf32, #tpu.memory_space<vmem>> -> memref<8x8xf32, #tpu.memory_space<vmem>>
      %dma_start3A_456 = arith.constant 248 : i32
      %dma_start3A_457 = arith.constant 248 : i32
      %dma_start3A_458 = tpu.memref_slice %arg2[%add3A_12, %dma_start3A_456, %dma_start3A_457] : memref<1024x256x256xf32, #tpu.memory_space<hbm>> -> memref<1x8x8xf32, #tpu.memory_space<hbm>>
      %dma_start3A_459 = tpu.memref_squeeze %dma_start3A_458 : memref<1x8x8xf32, #tpu.memory_space<hbm>> -> memref<8x8xf32, #tpu.memory_space<hbm>>
      tpu.enqueue_dma source(%dma_start3A_459 : memref<8x8xf32, #tpu.memory_space<hbm>>) target(%dma_start3A_455 : memref<8x8xf32, #tpu.memory_space<vmem>>) target_semaphore(%arg10 : memref<!tpu.dma_semaphore, #tpu.memory_space<semaphore_mem>>)
      %dma_wait3A = arith.constant 0 : i32
      %dma_wait3A_460 = arith.constant 0 : i32
      %dma_wait3A_461 = tpu.memref_slice %arg6[%dma_wait3A, %dma_wait3A_460] : memref<256x256xf32, #tpu.memory_space<vmem>> -> memref<8x256xf32, #tpu.memory_space<vmem>>
      %dma_wait3A_462 = arith.constant 0 : i32
      %dma_wait3A_463 = arith.constant 0 : i32
      %dma_wait3A_464 = tpu.memref_slice %arg2[%add3A_12, %dma_wait3A_462, %dma_wait3A_463] : memref<1024x256x256xf32, #tpu.memory_space<hbm>> -> memref<1x8x256xf32, #tpu.memory_space<hbm>>
      %dma_wait3A_465 = tpu.memref_squeeze %dma_wait3A_464 : memref<1x8x256xf32, #tpu.memory_space<hbm>> -> memref<8x256xf32, #tpu.memory_space<hbm>>
      %dma_wait3A_466 = arith.constant 0 : i32
      %dma_wait3A_467 = arith.constant 0 : i32
      %dma_wait3A_468 = tpu.memref_slice %arg6[%dma_wait3A_466, %dma_wait3A_467] : memref<256x256xf32, #tpu.memory_space<vmem>> -> memref<8x256xf32, #tpu.memory_space<vmem>>
      %dma_wait3A_469 = arith.constant 0 : i32
      %dma_wait3A_470 = arith.constant 0 : i32
      %dma_wait3A_471 = tpu.memref_slice %arg2[%add3A_12, %dma_wait3A_469, %dma_wait3A_470] : memref<1024x256x256xf32, #tpu.memory_space<hbm>> -> memref<1x8x256xf32, #tpu.memory_space<hbm>>
      %dma_wait3A_472 = tpu.memref_squeeze %dma_wait3A_471 : memref<1x8x256xf32, #tpu.memory_space<hbm>> -> memref<8x256xf32, #tpu.memory_space<hbm>>
      tpu.wait_dma2 semaphore(%arg10 : memref<!tpu.dma_semaphore, #tpu.memory_space<semaphore_mem>>) src(%dma_wait3A_472 : memref<8x256xf32, #tpu.memory_space<hbm>>) dst(%dma_wait3A_468 : memref<8x256xf32, #tpu.memory_space<vmem>>)
      %dma_wait3A_473 = arith.constant 8 : i32
      %dma_wait3A_474 = arith.constant 8 : i32
      %dma_wait3A_475 = tpu.memref_slice %arg6[%dma_wait3A_473, %dma_wait3A_474] : memref<256x256xf32, #tpu.memory_space<vmem>> -> memref<8x248xf32, #tpu.memory_space<vmem>>
      %dma_wait3A_476 = arith.constant 8 : i32
      %dma_wait3A_477 = arith.constant 8 : i32
      %dma_wait3A_478 = tpu.memref_slice %arg2[%add3A_12, %dma_wait3A_476, %dma_wait3A_477] : memref<1024x256x256xf32, #tpu.memory_space<hbm>> -> memref<1x8x248xf32, #tpu.memory_space<hbm>>
      %dma_wait3A_479 = tpu.memref_squeeze %dma_wait3A_478 : memref<1x8x248xf32, #tpu.memory_space<hbm>> -> memref<8x248xf32, #tpu.memory_space<hbm>>
      %dma_wait3A_480 = arith.constant 8 : i32
      %dma_wait3A_481 = arith.constant 8 : i32
      %dma_wait3A_482 = tpu.memref_slice %arg6[%dma_wait3A_480, %dma_wait3A_481] : memref<256x256xf32, #tpu.memory_space<vmem>> -> memref<8x248xf32, #tpu.memory_space<vmem>>
      %dma_wait3A_483 = arith.constant 8 : i32
      %dma_wait3A_484 = arith.constant 8 : i32
      %dma_wait3A_485 = tpu.memref_slice %arg2[%add3A_12, %dma_wait3A_483, %dma_wait3A_484] : memref<1024x256x256xf32, #tpu.memory_space<hbm>> -> memref<1x8x248xf32, #tpu.memory_space<hbm>>
      %dma_wait3A_486 = tpu.memref_squeeze %dma_wait3A_485 : memref<1x8x248xf32, #tpu.memory_space<hbm>> -> memref<8x248xf32, #tpu.memory_space<hbm>>
      tpu.wait_dma2 semaphore(%arg10 : memref<!tpu.dma_semaphore, #tpu.memory_space<semaphore_mem>>) src(%dma_wait3A_486 : memref<8x248xf32, #tpu.memory_space<hbm>>) dst(%dma_wait3A_482 : memref<8x248xf32, #tpu.memory_space<vmem>>)
      %dma_wait3A_487 = arith.constant 16 : i32
      %dma_wait3A_488 = arith.constant 16 : i32
      %dma_wait3A_489 = tpu.memref_slice %arg6[%dma_wait3A_487, %dma_wait3A_488] : memref<256x256xf32, #tpu.memory_space<vmem>> -> memref<8x240xf32, #tpu.memory_space<vmem>>
      %dma_wait3A_490 = arith.constant 16 : i32
      %dma_wait3A_491 = arith.constant 16 : i32
      %dma_wait3A_492 = tpu.memref_slice %arg2[%add3A_12, %dma_wait3A_490, %dma_wait3A_491] : memref<1024x256x256xf32, #tpu.memory_space<hbm>> -> memref<1x8x240xf32, #tpu.memory_space<hbm>>
      %dma_wait3A_493 = tpu.memref_squeeze %dma_wait3A_492 : memref<1x8x240xf32, #tpu.memory_space<hbm>> -> memref<8x240xf32, #tpu.memory_space<hbm>>
      %dma_wait3A_494 = arith.constant 16 : i32
      %dma_wait3A_495 = arith.constant 16 : i32
      %dma_wait3A_496 = tpu.memref_slice %arg6[%dma_wait3A_494, %dma_wait3A_495] : memref<256x256xf32, #tpu.memory_space<vmem>> -> memref<8x240xf32, #tpu.memory_space<vmem>>
      %dma_wait3A_497 = arith.constant 16 : i32
      %dma_wait3A_498 = arith.constant 16 : i32
      %dma_wait3A_499 = tpu.memref_slice %arg2[%add3A_12, %dma_wait3A_497, %dma_wait3A_498] : memref<1024x256x256xf32, #tpu.memory_space<hbm>> -> memref<1x8x240xf32, #tpu.memory_space<hbm>>
      %dma_wait3A_500 = tpu.memref_squeeze %dma_wait3A_499 : memref<1x8x240xf32, #tpu.memory_space<hbm>> -> memref<8x240xf32, #tpu.memory_space<hbm>>
      tpu.wait_dma2 semaphore(%arg10 : memref<!tpu.dma_semaphore, #tpu.memory_space<semaphore_mem>>) src(%dma_wait3A_500 : memref<8x240xf32, #tpu.memory_space<hbm>>) dst(%dma_wait3A_496 : memref<8x240xf32, #tpu.memory_space<vmem>>)
      %dma_wait3A_501 = arith.constant 24 : i32
      %dma_wait3A_502 = arith.constant 24 : i32
      %dma_wait3A_503 = tpu.memref_slice %arg6[%dma_wait3A_501, %dma_wait3A_502] : memref<256x256xf32, #tpu.memory_space<vmem>> -> memref<8x232xf32, #tpu.memory_space<vmem>>
      %dma_wait3A_504 = arith.constant 24 : i32
      %dma_wait3A_505 = arith.constant 24 : i32
      %dma_wait3A_506 = tpu.memref_slice %arg2[%add3A_12, %dma_wait3A_504, %dma_wait3A_505] : memref<1024x256x256xf32, #tpu.memory_space<hbm>> -> memref<1x8x232xf32, #tpu.memory_space<hbm>>
      %dma_wait3A_507 = tpu.memref_squeeze %dma_wait3A_506 : memref<1x8x232xf32, #tpu.memory_space<hbm>> -> memref<8x232xf32, #tpu.memory_space<hbm>>
      %dma_wait3A_508 = arith.constant 24 : i32
      %dma_wait3A_509 = arith.constant 24 : i32
      %dma_wait3A_510 = tpu.memref_slice %arg6[%dma_wait3A_508, %dma_wait3A_509] : memref<256x256xf32, #tpu.memory_space<vmem>> -> memref<8x232xf32, #tpu.memory_space<vmem>>
      %dma_wait3A_511 = arith.constant 24 : i32
      %dma_wait3A_512 = arith.constant 24 : i32
      %dma_wait3A_513 = tpu.memref_slice %arg2[%add3A_12, %dma_wait3A_511, %dma_wait3A_512] : memref<1024x256x256xf32, #tpu.memory_space<hbm>> -> memref<1x8x232xf32, #tpu.memory_space<hbm>>
      %dma_wait3A_514 = tpu.memref_squeeze %dma_wait3A_513 : memref<1x8x232xf32, #tpu.memory_space<hbm>> -> memref<8x232xf32, #tpu.memory_space<hbm>>
      tpu.wait_dma2 semaphore(%arg10 : memref<!tpu.dma_semaphore, #tpu.memory_space<semaphore_mem>>) src(%dma_wait3A_514 : memref<8x232xf32, #tpu.memory_space<hbm>>) dst(%dma_wait3A_510 : memref<8x232xf32, #tpu.memory_space<vmem>>)
      %dma_wait3A_515 = arith.constant 32 : i32
      %dma_wait3A_516 = arith.constant 32 : i32
      %dma_wait3A_517 = tpu.memref_slice %arg6[%dma_wait3A_515, %dma_wait3A_516] : memref<256x256xf32, #tpu.memory_space<vmem>> -> memref<8x224xf32, #tpu.memory_space<vmem>>
      %dma_wait3A_518 = arith.constant 32 : i32
      %dma_wait3A_519 = arith.constant 32 : i32
      %dma_wait3A_520 = tpu.memref_slice %arg2[%add3A_12, %dma_wait3A_518, %dma_wait3A_519] : memref<1024x256x256xf32, #tpu.memory_space<hbm>> -> memref<1x8x224xf32, #tpu.memory_space<hbm>>
      %dma_wait3A_521 = tpu.memref_squeeze %dma_wait3A_520 : memref<1x8x224xf32, #tpu.memory_space<hbm>> -> memref<8x224xf32, #tpu.memory_space<hbm>>
      %dma_wait3A_522 = arith.constant 32 : i32
      %dma_wait3A_523 = arith.constant 32 : i32
      %dma_wait3A_524 = tpu.memref_slice %arg6[%dma_wait3A_522, %dma_wait3A_523] : memref<256x256xf32, #tpu.memory_space<vmem>> -> memref<8x224xf32, #tpu.memory_space<vmem>>
      %dma_wait3A_525 = arith.constant 32 : i32
      %dma_wait3A_526 = arith.constant 32 : i32
      %dma_wait3A_527 = tpu.memref_slice %arg2[%add3A_12, %dma_wait3A_525, %dma_wait3A_526] : memref<1024x256x256xf32, #tpu.memory_space<hbm>> -> memref<1x8x224xf32, #tpu.memory_space<hbm>>
      %dma_wait3A_528 = tpu.memref_squeeze %dma_wait3A_527 : memref<1x8x224xf32, #tpu.memory_space<hbm>> -> memref<8x224xf32, #tpu.memory_space<hbm>>
      tpu.wait_dma2 semaphore(%arg10 : memref<!tpu.dma_semaphore, #tpu.memory_space<semaphore_mem>>) src(%dma_wait3A_528 : memref<8x224xf32, #tpu.memory_space<hbm>>) dst(%dma_wait3A_524 : memref<8x224xf32, #tpu.memory_space<vmem>>)
      %dma_wait3A_529 = arith.constant 40 : i32
      %dma_wait3A_530 = arith.constant 40 : i32
      %dma_wait3A_531 = tpu.memref_slice %arg6[%dma_wait3A_529, %dma_wait3A_530] : memref<256x256xf32, #tpu.memory_space<vmem>> -> memref<8x216xf32, #tpu.memory_space<vmem>>
      %dma_wait3A_532 = arith.constant 40 : i32
      %dma_wait3A_533 = arith.constant 40 : i32
      %dma_wait3A_534 = tpu.memref_slice %arg2[%add3A_12, %dma_wait3A_532, %dma_wait3A_533] : memref<1024x256x256xf32, #tpu.memory_space<hbm>> -> memref<1x8x216xf32, #tpu.memory_space<hbm>>
      %dma_wait3A_535 = tpu.memref_squeeze %dma_wait3A_534 : memref<1x8x216xf32, #tpu.memory_space<hbm>> -> memref<8x216xf32, #tpu.memory_space<hbm>>
      %dma_wait3A_536 = arith.constant 40 : i32
      %dma_wait3A_537 = arith.constant 40 : i32
      %dma_wait3A_538 = tpu.memref_slice %arg6[%dma_wait3A_536, %dma_wait3A_537] : memref<256x256xf32, #tpu.memory_space<vmem>> -> memref<8x216xf32, #tpu.memory_space<vmem>>
      %dma_wait3A_539 = arith.constant 40 : i32
      %dma_wait3A_540 = arith.constant 40 : i32
      %dma_wait3A_541 = tpu.memref_slice %arg2[%add3A_12, %dma_wait3A_539, %dma_wait3A_540] : memref<1024x256x256xf32, #tpu.memory_space<hbm>> -> memref<1x8x216xf32, #tpu.memory_space<hbm>>
      %dma_wait3A_542 = tpu.memref_squeeze %dma_wait3A_541 : memref<1x8x216xf32, #tpu.memory_space<hbm>> -> memref<8x216xf32, #tpu.memory_space<hbm>>
      tpu.wait_dma2 semaphore(%arg10 : memref<!tpu.dma_semaphore, #tpu.memory_space<semaphore_mem>>) src(%dma_wait3A_542 : memref<8x216xf32, #tpu.memory_space<hbm>>) dst(%dma_wait3A_538 : memref<8x216xf32, #tpu.memory_space<vmem>>)
      %dma_wait3A_543 = arith.constant 48 : i32
      %dma_wait3A_544 = arith.constant 48 : i32
      %dma_wait3A_545 = tpu.memref_slice %arg6[%dma_wait3A_543, %dma_wait3A_544] : memref<256x256xf32, #tpu.memory_space<vmem>> -> memref<8x208xf32, #tpu.memory_space<vmem>>
      %dma_wait3A_546 = arith.constant 48 : i32
      %dma_wait3A_547 = arith.constant 48 : i32
      %dma_wait3A_548 = tpu.memref_slice %arg2[%add3A_12, %dma_wait3A_546, %dma_wait3A_547] : memref<1024x256x256xf32, #tpu.memory_space<hbm>> -> memref<1x8x208xf32, #tpu.memory_space<hbm>>
      %dma_wait3A_549 = tpu.memref_squeeze %dma_wait3A_548 : memref<1x8x208xf32, #tpu.memory_space<hbm>> -> memref<8x208xf32, #tpu.memory_space<hbm>>
      %dma_wait3A_550 = arith.constant 48 : i32
      %dma_wait3A_551 = arith.constant 48 : i32
      %dma_wait3A_552 = tpu.memref_slice %arg6[%dma_wait3A_550, %dma_wait3A_551] : memref<256x256xf32, #tpu.memory_space<vmem>> -> memref<8x208xf32, #tpu.memory_space<vmem>>
      %dma_wait3A_553 = arith.constant 48 : i32
      %dma_wait3A_554 = arith.constant 48 : i32
      %dma_wait3A_555 = tpu.memref_slice %arg2[%add3A_12, %dma_wait3A_553, %dma_wait3A_554] : memref<1024x256x256xf32, #tpu.memory_space<hbm>> -> memref<1x8x208xf32, #tpu.memory_space<hbm>>
      %dma_wait3A_556 = tpu.memref_squeeze %dma_wait3A_555 : memref<1x8x208xf32, #tpu.memory_space<hbm>> -> memref<8x208xf32, #tpu.memory_space<hbm>>
      tpu.wait_dma2 semaphore(%arg10 : memref<!tpu.dma_semaphore, #tpu.memory_space<semaphore_mem>>) src(%dma_wait3A_556 : memref<8x208xf32, #tpu.memory_space<hbm>>) dst(%dma_wait3A_552 : memref<8x208xf32, #tpu.memory_space<vmem>>)
      %dma_wait3A_557 = arith.constant 56 : i32
      %dma_wait3A_558 = arith.constant 56 : i32
      %dma_wait3A_559 = tpu.memref_slice %arg6[%dma_wait3A_557, %dma_wait3A_558] : memref<256x256xf32, #tpu.memory_space<vmem>> -> memref<8x200xf32, #tpu.memory_space<vmem>>
      %dma_wait3A_560 = arith.constant 56 : i32
      %dma_wait3A_561 = arith.constant 56 : i32
      %dma_wait3A_562 = tpu.memref_slice %arg2[%add3A_12, %dma_wait3A_560, %dma_wait3A_561] : memref<1024x256x256xf32, #tpu.memory_space<hbm>> -> memref<1x8x200xf32, #tpu.memory_space<hbm>>
      %dma_wait3A_563 = tpu.memref_squeeze %dma_wait3A_562 : memref<1x8x200xf32, #tpu.memory_space<hbm>> -> memref<8x200xf32, #tpu.memory_space<hbm>>
      %dma_wait3A_564 = arith.constant 56 : i32
      %dma_wait3A_565 = arith.constant 56 : i32
      %dma_wait3A_566 = tpu.memref_slice %arg6[%dma_wait3A_564, %dma_wait3A_565] : memref<256x256xf32, #tpu.memory_space<vmem>> -> memref<8x200xf32, #tpu.memory_space<vmem>>
      %dma_wait3A_567 = arith.constant 56 : i32
      %dma_wait3A_568 = arith.constant 56 : i32
      %dma_wait3A_569 = tpu.memref_slice %arg2[%add3A_12, %dma_wait3A_567, %dma_wait3A_568] : memref<1024x256x256xf32, #tpu.memory_space<hbm>> -> memref<1x8x200xf32, #tpu.memory_space<hbm>>
      %dma_wait3A_570 = tpu.memref_squeeze %dma_wait3A_569 : memref<1x8x200xf32, #tpu.memory_space<hbm>> -> memref<8x200xf32, #tpu.memory_space<hbm>>
      tpu.wait_dma2 semaphore(%arg10 : memref<!tpu.dma_semaphore, #tpu.memory_space<semaphore_mem>>) src(%dma_wait3A_570 : memref<8x200xf32, #tpu.memory_space<hbm>>) dst(%dma_wait3A_566 : memref<8x200xf32, #tpu.memory_space<vmem>>)
      %dma_wait3A_571 = arith.constant 64 : i32
      %dma_wait3A_572 = arith.constant 64 : i32
      %dma_wait3A_573 = tpu.memref_slice %arg6[%dma_wait3A_571, %dma_wait3A_572] : memref<256x256xf32, #tpu.memory_space<vmem>> -> memref<8x192xf32, #tpu.memory_space<vmem>>
      %dma_wait3A_574 = arith.constant 64 : i32
      %dma_wait3A_575 = arith.constant 64 : i32
      %dma_wait3A_576 = tpu.memref_slice %arg2[%add3A_12, %dma_wait3A_574, %dma_wait3A_575] : memref<1024x256x256xf32, #tpu.memory_space<hbm>> -> memref<1x8x192xf32, #tpu.memory_space<hbm>>
      %dma_wait3A_577 = tpu.memref_squeeze %dma_wait3A_576 : memref<1x8x192xf32, #tpu.memory_space<hbm>> -> memref<8x192xf32, #tpu.memory_space<hbm>>
      %dma_wait3A_578 = arith.constant 64 : i32
      %dma_wait3A_579 = arith.constant 64 : i32
      %dma_wait3A_580 = tpu.memref_slice %arg6[%dma_wait3A_578, %dma_wait3A_579] : memref<256x256xf32, #tpu.memory_space<vmem>> -> memref<8x192xf32, #tpu.memory_space<vmem>>
      %dma_wait3A_581 = arith.constant 64 : i32
      %dma_wait3A_582 = arith.constant 64 : i32
      %dma_wait3A_583 = tpu.memref_slice %arg2[%add3A_12, %dma_wait3A_581, %dma_wait3A_582] : memref<1024x256x256xf32, #tpu.memory_space<hbm>> -> memref<1x8x192xf32, #tpu.memory_space<hbm>>
      %dma_wait3A_584 = tpu.memref_squeeze %dma_wait3A_583 : memref<1x8x192xf32, #tpu.memory_space<hbm>> -> memref<8x192xf32, #tpu.memory_space<hbm>>
      tpu.wait_dma2 semaphore(%arg10 : memref<!tpu.dma_semaphore, #tpu.memory_space<semaphore_mem>>) src(%dma_wait3A_584 : memref<8x192xf32, #tpu.memory_space<hbm>>) dst(%dma_wait3A_580 : memref<8x192xf32, #tpu.memory_space<vmem>>)
      %dma_wait3A_585 = arith.constant 72 : i32
      %dma_wait3A_586 = arith.constant 72 : i32
      %dma_wait3A_587 = tpu.memref_slice %arg6[%dma_wait3A_585, %dma_wait3A_586] : memref<256x256xf32, #tpu.memory_space<vmem>> -> memref<8x184xf32, #tpu.memory_space<vmem>>
      %dma_wait3A_588 = arith.constant 72 : i32
      %dma_wait3A_589 = arith.constant 72 : i32
      %dma_wait3A_590 = tpu.memref_slice %arg2[%add3A_12, %dma_wait3A_588, %dma_wait3A_589] : memref<1024x256x256xf32, #tpu.memory_space<hbm>> -> memref<1x8x184xf32, #tpu.memory_space<hbm>>
      %dma_wait3A_591 = tpu.memref_squeeze %dma_wait3A_590 : memref<1x8x184xf32, #tpu.memory_space<hbm>> -> memref<8x184xf32, #tpu.memory_space<hbm>>
      %dma_wait3A_592 = arith.constant 72 : i32
      %dma_wait3A_593 = arith.constant 72 : i32
      %dma_wait3A_594 = tpu.memref_slice %arg6[%dma_wait3A_592, %dma_wait3A_593] : memref<256x256xf32, #tpu.memory_space<vmem>> -> memref<8x184xf32, #tpu.memory_space<vmem>>
      %dma_wait3A_595 = arith.constant 72 : i32
      %dma_wait3A_596 = arith.constant 72 : i32
      %dma_wait3A_597 = tpu.memref_slice %arg2[%add3A_12, %dma_wait3A_595, %dma_wait3A_596] : memref<1024x256x256xf32, #tpu.memory_space<hbm>> -> memref<1x8x184xf32, #tpu.memory_space<hbm>>
      %dma_wait3A_598 = tpu.memref_squeeze %dma_wait3A_597 : memref<1x8x184xf32, #tpu.memory_space<hbm>> -> memref<8x184xf32, #tpu.memory_space<hbm>>
      tpu.wait_dma2 semaphore(%arg10 : memref<!tpu.dma_semaphore, #tpu.memory_space<semaphore_mem>>) src(%dma_wait3A_598 : memref<8x184xf32, #tpu.memory_space<hbm>>) dst(%dma_wait3A_594 : memref<8x184xf32, #tpu.memory_space<vmem>>)
      %dma_wait3A_599 = arith.constant 80 : i32
      %dma_wait3A_600 = arith.constant 80 : i32
      %dma_wait3A_601 = tpu.memref_slice %arg6[%dma_wait3A_599, %dma_wait3A_600] : memref<256x256xf32, #tpu.memory_space<vmem>> -> memref<8x176xf32, #tpu.memory_space<vmem>>
      %dma_wait3A_602 = arith.constant 80 : i32
      %dma_wait3A_603 = arith.constant 80 : i32
      %dma_wait3A_604 = tpu.memref_slice %arg2[%add3A_12, %dma_wait3A_602, %dma_wait3A_603] : memref<1024x256x256xf32, #tpu.memory_space<hbm>> -> memref<1x8x176xf32, #tpu.memory_space<hbm>>
      %dma_wait3A_605 = tpu.memref_squeeze %dma_wait3A_604 : memref<1x8x176xf32, #tpu.memory_space<hbm>> -> memref<8x176xf32, #tpu.memory_space<hbm>>
      %dma_wait3A_606 = arith.constant 80 : i32
      %dma_wait3A_607 = arith.constant 80 : i32
      %dma_wait3A_608 = tpu.memref_slice %arg6[%dma_wait3A_606, %dma_wait3A_607] : memref<256x256xf32, #tpu.memory_space<vmem>> -> memref<8x176xf32, #tpu.memory_space<vmem>>
      %dma_wait3A_609 = arith.constant 80 : i32
      %dma_wait3A_610 = arith.constant 80 : i32
      %dma_wait3A_611 = tpu.memref_slice %arg2[%add3A_12, %dma_wait3A_609, %dma_wait3A_610] : memref<1024x256x256xf32, #tpu.memory_space<hbm>> -> memref<1x8x176xf32, #tpu.memory_space<hbm>>
      %dma_wait3A_612 = tpu.memref_squeeze %dma_wait3A_611 : memref<1x8x176xf32, #tpu.memory_space<hbm>> -> memref<8x176xf32, #tpu.memory_space<hbm>>
      tpu.wait_dma2 semaphore(%arg10 : memref<!tpu.dma_semaphore, #tpu.memory_space<semaphore_mem>>) src(%dma_wait3A_612 : memref<8x176xf32, #tpu.memory_space<hbm>>) dst(%dma_wait3A_608 : memref<8x176xf32, #tpu.memory_space<vmem>>)
      %dma_wait3A_613 = arith.constant 88 : i32
      %dma_wait3A_614 = arith.constant 88 : i32
      %dma_wait3A_615 = tpu.memref_slice %arg6[%dma_wait3A_613, %dma_wait3A_614] : memref<256x256xf32, #tpu.memory_space<vmem>> -> memref<8x168xf32, #tpu.memory_space<vmem>>
      %dma_wait3A_616 = arith.constant 88 : i32
      %dma_wait3A_617 = arith.constant 88 : i32
      %dma_wait3A_618 = tpu.memref_slice %arg2[%add3A_12, %dma_wait3A_616, %dma_wait3A_617] : memref<1024x256x256xf32, #tpu.memory_space<hbm>> -> memref<1x8x168xf32, #tpu.memory_space<hbm>>
      %dma_wait3A_619 = tpu.memref_squeeze %dma_wait3A_618 : memref<1x8x168xf32, #tpu.memory_space<hbm>> -> memref<8x168xf32, #tpu.memory_space<hbm>>
      %dma_wait3A_620 = arith.constant 88 : i32
      %dma_wait3A_621 = arith.constant 88 : i32
      %dma_wait3A_622 = tpu.memref_slice %arg6[%dma_wait3A_620, %dma_wait3A_621] : memref<256x256xf32, #tpu.memory_space<vmem>> -> memref<8x168xf32, #tpu.memory_space<vmem>>
      %dma_wait3A_623 = arith.constant 88 : i32
      %dma_wait3A_624 = arith.constant 88 : i32
      %dma_wait3A_625 = tpu.memref_slice %arg2[%add3A_12, %dma_wait3A_623, %dma_wait3A_624] : memref<1024x256x256xf32, #tpu.memory_space<hbm>> -> memref<1x8x168xf32, #tpu.memory_space<hbm>>
      %dma_wait3A_626 = tpu.memref_squeeze %dma_wait3A_625 : memref<1x8x168xf32, #tpu.memory_space<hbm>> -> memref<8x168xf32, #tpu.memory_space<hbm>>
      tpu.wait_dma2 semaphore(%arg10 : memref<!tpu.dma_semaphore, #tpu.memory_space<semaphore_mem>>) src(%dma_wait3A_626 : memref<8x168xf32, #tpu.memory_space<hbm>>) dst(%dma_wait3A_622 : memref<8x168xf32, #tpu.memory_space<vmem>>)
      %dma_wait3A_627 = arith.constant 96 : i32
      %dma_wait3A_628 = arith.constant 96 : i32
      %dma_wait3A_629 = tpu.memref_slice %arg6[%dma_wait3A_627, %dma_wait3A_628] : memref<256x256xf32, #tpu.memory_space<vmem>> -> memref<8x160xf32, #tpu.memory_space<vmem>>
      %dma_wait3A_630 = arith.constant 96 : i32
      %dma_wait3A_631 = arith.constant 96 : i32
      %dma_wait3A_632 = tpu.memref_slice %arg2[%add3A_12, %dma_wait3A_630, %dma_wait3A_631] : memref<1024x256x256xf32, #tpu.memory_space<hbm>> -> memref<1x8x160xf32, #tpu.memory_space<hbm>>
      %dma_wait3A_633 = tpu.memref_squeeze %dma_wait3A_632 : memref<1x8x160xf32, #tpu.memory_space<hbm>> -> memref<8x160xf32, #tpu.memory_space<hbm>>
      %dma_wait3A_634 = arith.constant 96 : i32
      %dma_wait3A_635 = arith.constant 96 : i32
      %dma_wait3A_636 = tpu.memref_slice %arg6[%dma_wait3A_634, %dma_wait3A_635] : memref<256x256xf32, #tpu.memory_space<vmem>> -> memref<8x160xf32, #tpu.memory_space<vmem>>
      %dma_wait3A_637 = arith.constant 96 : i32
      %dma_wait3A_638 = arith.constant 96 : i32
      %dma_wait3A_639 = tpu.memref_slice %arg2[%add3A_12, %dma_wait3A_637, %dma_wait3A_638] : memref<1024x256x256xf32, #tpu.memory_space<hbm>> -> memref<1x8x160xf32, #tpu.memory_space<hbm>>
      %dma_wait3A_640 = tpu.memref_squeeze %dma_wait3A_639 : memref<1x8x160xf32, #tpu.memory_space<hbm>> -> memref<8x160xf32, #tpu.memory_space<hbm>>
      tpu.wait_dma2 semaphore(%arg10 : memref<!tpu.dma_semaphore, #tpu.memory_space<semaphore_mem>>) src(%dma_wait3A_640 : memref<8x160xf32, #tpu.memory_space<hbm>>) dst(%dma_wait3A_636 : memref<8x160xf32, #tpu.memory_space<vmem>>)
      %dma_wait3A_641 = arith.constant 104 : i32
      %dma_wait3A_642 = arith.constant 104 : i32
      %dma_wait3A_643 = tpu.memref_slice %arg6[%dma_wait3A_641, %dma_wait3A_642] : memref<256x256xf32, #tpu.memory_space<vmem>> -> memref<8x152xf32, #tpu.memory_space<vmem>>
      %dma_wait3A_644 = arith.constant 104 : i32
      %dma_wait3A_645 = arith.constant 104 : i32
      %dma_wait3A_646 = tpu.memref_slice %arg2[%add3A_12, %dma_wait3A_644, %dma_wait3A_645] : memref<1024x256x256xf32, #tpu.memory_space<hbm>> -> memref<1x8x152xf32, #tpu.memory_space<hbm>>
      %dma_wait3A_647 = tpu.memref_squeeze %dma_wait3A_646 : memref<1x8x152xf32, #tpu.memory_space<hbm>> -> memref<8x152xf32, #tpu.memory_space<hbm>>
      %dma_wait3A_648 = arith.constant 104 : i32
      %dma_wait3A_649 = arith.constant 104 : i32
      %dma_wait3A_650 = tpu.memref_slice %arg6[%dma_wait3A_648, %dma_wait3A_649] : memref<256x256xf32, #tpu.memory_space<vmem>> -> memref<8x152xf32, #tpu.memory_space<vmem>>
      %dma_wait3A_651 = arith.constant 104 : i32
      %dma_wait3A_652 = arith.constant 104 : i32
      %dma_wait3A_653 = tpu.memref_slice %arg2[%add3A_12, %dma_wait3A_651, %dma_wait3A_652] : memref<1024x256x256xf32, #tpu.memory_space<hbm>> -> memref<1x8x152xf32, #tpu.memory_space<hbm>>
      %dma_wait3A_654 = tpu.memref_squeeze %dma_wait3A_653 : memref<1x8x152xf32, #tpu.memory_space<hbm>> -> memref<8x152xf32, #tpu.memory_space<hbm>>
      tpu.wait_dma2 semaphore(%arg10 : memref<!tpu.dma_semaphore, #tpu.memory_space<semaphore_mem>>) src(%dma_wait3A_654 : memref<8x152xf32, #tpu.memory_space<hbm>>) dst(%dma_wait3A_650 : memref<8x152xf32, #tpu.memory_space<vmem>>)
      %dma_wait3A_655 = arith.constant 112 : i32
      %dma_wait3A_656 = arith.constant 112 : i32
      %dma_wait3A_657 = tpu.memref_slice %arg6[%dma_wait3A_655, %dma_wait3A_656] : memref<256x256xf32, #tpu.memory_space<vmem>> -> memref<8x144xf32, #tpu.memory_space<vmem>>
      %dma_wait3A_658 = arith.constant 112 : i32
      %dma_wait3A_659 = arith.constant 112 : i32
      %dma_wait3A_660 = tpu.memref_slice %arg2[%add3A_12, %dma_wait3A_658, %dma_wait3A_659] : memref<1024x256x256xf32, #tpu.memory_space<hbm>> -> memref<1x8x144xf32, #tpu.memory_space<hbm>>
      %dma_wait3A_661 = tpu.memref_squeeze %dma_wait3A_660 : memref<1x8x144xf32, #tpu.memory_space<hbm>> -> memref<8x144xf32, #tpu.memory_space<hbm>>
      %dma_wait3A_662 = arith.constant 112 : i32
      %dma_wait3A_663 = arith.constant 112 : i32
      %dma_wait3A_664 = tpu.memref_slice %arg6[%dma_wait3A_662, %dma_wait3A_663] : memref<256x256xf32, #tpu.memory_space<vmem>> -> memref<8x144xf32, #tpu.memory_space<vmem>>
      %dma_wait3A_665 = arith.constant 112 : i32
      %dma_wait3A_666 = arith.constant 112 : i32
      %dma_wait3A_667 = tpu.memref_slice %arg2[%add3A_12, %dma_wait3A_665, %dma_wait3A_666] : memref<1024x256x256xf32, #tpu.memory_space<hbm>> -> memref<1x8x144xf32, #tpu.memory_space<hbm>>
      %dma_wait3A_668 = tpu.memref_squeeze %dma_wait3A_667 : memref<1x8x144xf32, #tpu.memory_space<hbm>> -> memref<8x144xf32, #tpu.memory_space<hbm>>
      tpu.wait_dma2 semaphore(%arg10 : memref<!tpu.dma_semaphore, #tpu.memory_space<semaphore_mem>>) src(%dma_wait3A_668 : memref<8x144xf32, #tpu.memory_space<hbm>>) dst(%dma_wait3A_664 : memref<8x144xf32, #tpu.memory_space<vmem>>)
      %dma_wait3A_669 = arith.constant 120 : i32
      %dma_wait3A_670 = arith.constant 120 : i32
      %dma_wait3A_671 = tpu.memref_slice %arg6[%dma_wait3A_669, %dma_wait3A_670] : memref<256x256xf32, #tpu.memory_space<vmem>> -> memref<8x136xf32, #tpu.memory_space<vmem>>
      %dma_wait3A_672 = arith.constant 120 : i32
      %dma_wait3A_673 = arith.constant 120 : i32
      %dma_wait3A_674 = tpu.memref_slice %arg2[%add3A_12, %dma_wait3A_672, %dma_wait3A_673] : memref<1024x256x256xf32, #tpu.memory_space<hbm>> -> memref<1x8x136xf32, #tpu.memory_space<hbm>>
      %dma_wait3A_675 = tpu.memref_squeeze %dma_wait3A_674 : memref<1x8x136xf32, #tpu.memory_space<hbm>> -> memref<8x136xf32, #tpu.memory_space<hbm>>
      %dma_wait3A_676 = arith.constant 120 : i32
      %dma_wait3A_677 = arith.constant 120 : i32
      %dma_wait3A_678 = tpu.memref_slice %arg6[%dma_wait3A_676, %dma_wait3A_677] : memref<256x256xf32, #tpu.memory_space<vmem>> -> memref<8x136xf32, #tpu.memory_space<vmem>>
      %dma_wait3A_679 = arith.constant 120 : i32
      %dma_wait3A_680 = arith.constant 120 : i32
      %dma_wait3A_681 = tpu.memref_slice %arg2[%add3A_12, %dma_wait3A_679, %dma_wait3A_680] : memref<1024x256x256xf32, #tpu.memory_space<hbm>> -> memref<1x8x136xf32, #tpu.memory_space<hbm>>
      %dma_wait3A_682 = tpu.memref_squeeze %dma_wait3A_681 : memref<1x8x136xf32, #tpu.memory_space<hbm>> -> memref<8x136xf32, #tpu.memory_space<hbm>>
      tpu.wait_dma2 semaphore(%arg10 : memref<!tpu.dma_semaphore, #tpu.memory_space<semaphore_mem>>) src(%dma_wait3A_682 : memref<8x136xf32, #tpu.memory_space<hbm>>) dst(%dma_wait3A_678 : memref<8x136xf32, #tpu.memory_space<vmem>>)
      %dma_wait3A_683 = arith.constant 128 : i32
      %dma_wait3A_684 = arith.constant 128 : i32
      %dma_wait3A_685 = tpu.memref_slice %arg6[%dma_wait3A_683, %dma_wait3A_684] : memref<256x256xf32, #tpu.memory_space<vmem>> -> memref<8x128xf32, #tpu.memory_space<vmem>>
      %dma_wait3A_686 = arith.constant 128 : i32
      %dma_wait3A_687 = arith.constant 128 : i32
      %dma_wait3A_688 = tpu.memref_slice %arg2[%add3A_12, %dma_wait3A_686, %dma_wait3A_687] : memref<1024x256x256xf32, #tpu.memory_space<hbm>> -> memref<1x8x128xf32, #tpu.memory_space<hbm>>
      %dma_wait3A_689 = tpu.memref_squeeze %dma_wait3A_688 : memref<1x8x128xf32, #tpu.memory_space<hbm>> -> memref<8x128xf32, #tpu.memory_space<hbm>>
      %dma_wait3A_690 = arith.constant 128 : i32
      %dma_wait3A_691 = arith.constant 128 : i32
      %dma_wait3A_692 = tpu.memref_slice %arg6[%dma_wait3A_690, %dma_wait3A_691] : memref<256x256xf32, #tpu.memory_space<vmem>> -> memref<8x128xf32, #tpu.memory_space<vmem>>
      %dma_wait3A_693 = arith.constant 128 : i32
      %dma_wait3A_694 = arith.constant 128 : i32
      %dma_wait3A_695 = tpu.memref_slice %arg2[%add3A_12, %dma_wait3A_693, %dma_wait3A_694] : memref<1024x256x256xf32, #tpu.memory_space<hbm>> -> memref<1x8x128xf32, #tpu.memory_space<hbm>>
      %dma_wait3A_696 = tpu.memref_squeeze %dma_wait3A_695 : memref<1x8x128xf32, #tpu.memory_space<hbm>> -> memref<8x128xf32, #tpu.memory_space<hbm>>
      tpu.wait_dma2 semaphore(%arg10 : memref<!tpu.dma_semaphore, #tpu.memory_space<semaphore_mem>>) src(%dma_wait3A_696 : memref<8x128xf32, #tpu.memory_space<hbm>>) dst(%dma_wait3A_692 : memref<8x128xf32, #tpu.memory_space<vmem>>)
      %dma_wait3A_697 = arith.constant 136 : i32
      %dma_wait3A_698 = arith.constant 136 : i32
      %dma_wait3A_699 = tpu.memref_slice %arg6[%dma_wait3A_697, %dma_wait3A_698] : memref<256x256xf32, #tpu.memory_space<vmem>> -> memref<8x120xf32, #tpu.memory_space<vmem>>
      %dma_wait3A_700 = arith.constant 136 : i32
      %dma_wait3A_701 = arith.constant 136 : i32
      %dma_wait3A_702 = tpu.memref_slice %arg2[%add3A_12, %dma_wait3A_700, %dma_wait3A_701] : memref<1024x256x256xf32, #tpu.memory_space<hbm>> -> memref<1x8x120xf32, #tpu.memory_space<hbm>>
      %dma_wait3A_703 = tpu.memref_squeeze %dma_wait3A_702 : memref<1x8x120xf32, #tpu.memory_space<hbm>> -> memref<8x120xf32, #tpu.memory_space<hbm>>
      %dma_wait3A_704 = arith.constant 136 : i32
      %dma_wait3A_705 = arith.constant 136 : i32
      %dma_wait3A_706 = tpu.memref_slice %arg6[%dma_wait3A_704, %dma_wait3A_705] : memref<256x256xf32, #tpu.memory_space<vmem>> -> memref<8x120xf32, #tpu.memory_space<vmem>>
      %dma_wait3A_707 = arith.constant 136 : i32
      %dma_wait3A_708 = arith.constant 136 : i32
      %dma_wait3A_709 = tpu.memref_slice %arg2[%add3A_12, %dma_wait3A_707, %dma_wait3A_708] : memref<1024x256x256xf32, #tpu.memory_space<hbm>> -> memref<1x8x120xf32, #tpu.memory_space<hbm>>
      %dma_wait3A_710 = tpu.memref_squeeze %dma_wait3A_709 : memref<1x8x120xf32, #tpu.memory_space<hbm>> -> memref<8x120xf32, #tpu.memory_space<hbm>>
      tpu.wait_dma2 semaphore(%arg10 : memref<!tpu.dma_semaphore, #tpu.memory_space<semaphore_mem>>) src(%dma_wait3A_710 : memref<8x120xf32, #tpu.memory_space<hbm>>) dst(%dma_wait3A_706 : memref<8x120xf32, #tpu.memory_space<vmem>>)
      %dma_wait3A_711 = arith.constant 144 : i32
      %dma_wait3A_712 = arith.constant 144 : i32
      %dma_wait3A_713 = tpu.memref_slice %arg6[%dma_wait3A_711, %dma_wait3A_712] : memref<256x256xf32, #tpu.memory_space<vmem>> -> memref<8x112xf32, #tpu.memory_space<vmem>>
      %dma_wait3A_714 = arith.constant 144 : i32
      %dma_wait3A_715 = arith.constant 144 : i32
      %dma_wait3A_716 = tpu.memref_slice %arg2[%add3A_12, %dma_wait3A_714, %dma_wait3A_715] : memref<1024x256x256xf32, #tpu.memory_space<hbm>> -> memref<1x8x112xf32, #tpu.memory_space<hbm>>
      %dma_wait3A_717 = tpu.memref_squeeze %dma_wait3A_716 : memref<1x8x112xf32, #tpu.memory_space<hbm>> -> memref<8x112xf32, #tpu.memory_space<hbm>>
      %dma_wait3A_718 = arith.constant 144 : i32
      %dma_wait3A_719 = arith.constant 144 : i32
      %dma_wait3A_720 = tpu.memref_slice %arg6[%dma_wait3A_718, %dma_wait3A_719] : memref<256x256xf32, #tpu.memory_space<vmem>> -> memref<8x112xf32, #tpu.memory_space<vmem>>
      %dma_wait3A_721 = arith.constant 144 : i32
      %dma_wait3A_722 = arith.constant 144 : i32
      %dma_wait3A_723 = tpu.memref_slice %arg2[%add3A_12, %dma_wait3A_721, %dma_wait3A_722] : memref<1024x256x256xf32, #tpu.memory_space<hbm>> -> memref<1x8x112xf32, #tpu.memory_space<hbm>>
      %dma_wait3A_724 = tpu.memref_squeeze %dma_wait3A_723 : memref<1x8x112xf32, #tpu.memory_space<hbm>> -> memref<8x112xf32, #tpu.memory_space<hbm>>
      tpu.wait_dma2 semaphore(%arg10 : memref<!tpu.dma_semaphore, #tpu.memory_space<semaphore_mem>>) src(%dma_wait3A_724 : memref<8x112xf32, #tpu.memory_space<hbm>>) dst(%dma_wait3A_720 : memref<8x112xf32, #tpu.memory_space<vmem>>)
      %dma_wait3A_725 = arith.constant 152 : i32
      %dma_wait3A_726 = arith.constant 152 : i32
      %dma_wait3A_727 = tpu.memref_slice %arg6[%dma_wait3A_725, %dma_wait3A_726] : memref<256x256xf32, #tpu.memory_space<vmem>> -> memref<8x104xf32, #tpu.memory_space<vmem>>
      %dma_wait3A_728 = arith.constant 152 : i32
      %dma_wait3A_729 = arith.constant 152 : i32
      %dma_wait3A_730 = tpu.memref_slice %arg2[%add3A_12, %dma_wait3A_728, %dma_wait3A_729] : memref<1024x256x256xf32, #tpu.memory_space<hbm>> -> memref<1x8x104xf32, #tpu.memory_space<hbm>>
      %dma_wait3A_731 = tpu.memref_squeeze %dma_wait3A_730 : memref<1x8x104xf32, #tpu.memory_space<hbm>> -> memref<8x104xf32, #tpu.memory_space<hbm>>
      %dma_wait3A_732 = arith.constant 152 : i32
      %dma_wait3A_733 = arith.constant 152 : i32
      %dma_wait3A_734 = tpu.memref_slice %arg6[%dma_wait3A_732, %dma_wait3A_733] : memref<256x256xf32, #tpu.memory_space<vmem>> -> memref<8x104xf32, #tpu.memory_space<vmem>>
      %dma_wait3A_735 = arith.constant 152 : i32
      %dma_wait3A_736 = arith.constant 152 : i32
      %dma_wait3A_737 = tpu.memref_slice %arg2[%add3A_12, %dma_wait3A_735, %dma_wait3A_736] : memref<1024x256x256xf32, #tpu.memory_space<hbm>> -> memref<1x8x104xf32, #tpu.memory_space<hbm>>
      %dma_wait3A_738 = tpu.memref_squeeze %dma_wait3A_737 : memref<1x8x104xf32, #tpu.memory_space<hbm>> -> memref<8x104xf32, #tpu.memory_space<hbm>>
      tpu.wait_dma2 semaphore(%arg10 : memref<!tpu.dma_semaphore, #tpu.memory_space<semaphore_mem>>) src(%dma_wait3A_738 : memref<8x104xf32, #tpu.memory_space<hbm>>) dst(%dma_wait3A_734 : memref<8x104xf32, #tpu.memory_space<vmem>>)
      %dma_wait3A_739 = arith.constant 160 : i32
      %dma_wait3A_740 = arith.constant 160 : i32
      %dma_wait3A_741 = tpu.memref_slice %arg6[%dma_wait3A_739, %dma_wait3A_740] : memref<256x256xf32, #tpu.memory_space<vmem>> -> memref<8x96xf32, #tpu.memory_space<vmem>>
      %dma_wait3A_742 = arith.constant 160 : i32
      %dma_wait3A_743 = arith.constant 160 : i32
      %dma_wait3A_744 = tpu.memref_slice %arg2[%add3A_12, %dma_wait3A_742, %dma_wait3A_743] : memref<1024x256x256xf32, #tpu.memory_space<hbm>> -> memref<1x8x96xf32, #tpu.memory_space<hbm>>
      %dma_wait3A_745 = tpu.memref_squeeze %dma_wait3A_744 : memref<1x8x96xf32, #tpu.memory_space<hbm>> -> memref<8x96xf32, #tpu.memory_space<hbm>>
      %dma_wait3A_746 = arith.constant 160 : i32
      %dma_wait3A_747 = arith.constant 160 : i32
      %dma_wait3A_748 = tpu.memref_slice %arg6[%dma_wait3A_746, %dma_wait3A_747] : memref<256x256xf32, #tpu.memory_space<vmem>> -> memref<8x96xf32, #tpu.memory_space<vmem>>
      %dma_wait3A_749 = arith.constant 160 : i32
      %dma_wait3A_750 = arith.constant 160 : i32
      %dma_wait3A_751 = tpu.memref_slice %arg2[%add3A_12, %dma_wait3A_749, %dma_wait3A_750] : memref<1024x256x256xf32, #tpu.memory_space<hbm>> -> memref<1x8x96xf32, #tpu.memory_space<hbm>>
      %dma_wait3A_752 = tpu.memref_squeeze %dma_wait3A_751 : memref<1x8x96xf32, #tpu.memory_space<hbm>> -> memref<8x96xf32, #tpu.memory_space<hbm>>
      tpu.wait_dma2 semaphore(%arg10 : memref<!tpu.dma_semaphore, #tpu.memory_space<semaphore_mem>>) src(%dma_wait3A_752 : memref<8x96xf32, #tpu.memory_space<hbm>>) dst(%dma_wait3A_748 : memref<8x96xf32, #tpu.memory_space<vmem>>)
      %dma_wait3A_753 = arith.constant 168 : i32
      %dma_wait3A_754 = arith.constant 168 : i32
      %dma_wait3A_755 = tpu.memref_slice %arg6[%dma_wait3A_753, %dma_wait3A_754] : memref<256x256xf32, #tpu.memory_space<vmem>> -> memref<8x88xf32, #tpu.memory_space<vmem>>
      %dma_wait3A_756 = arith.constant 168 : i32
      %dma_wait3A_757 = arith.constant 168 : i32
      %dma_wait3A_758 = tpu.memref_slice %arg2[%add3A_12, %dma_wait3A_756, %dma_wait3A_757] : memref<1024x256x256xf32, #tpu.memory_space<hbm>> -> memref<1x8x88xf32, #tpu.memory_space<hbm>>
      %dma_wait3A_759 = tpu.memref_squeeze %dma_wait3A_758 : memref<1x8x88xf32, #tpu.memory_space<hbm>> -> memref<8x88xf32, #tpu.memory_space<hbm>>
      %dma_wait3A_760 = arith.constant 168 : i32
      %dma_wait3A_761 = arith.constant 168 : i32
      %dma_wait3A_762 = tpu.memref_slice %arg6[%dma_wait3A_760, %dma_wait3A_761] : memref<256x256xf32, #tpu.memory_space<vmem>> -> memref<8x88xf32, #tpu.memory_space<vmem>>
      %dma_wait3A_763 = arith.constant 168 : i32
      %dma_wait3A_764 = arith.constant 168 : i32
      %dma_wait3A_765 = tpu.memref_slice %arg2[%add3A_12, %dma_wait3A_763, %dma_wait3A_764] : memref<1024x256x256xf32, #tpu.memory_space<hbm>> -> memref<1x8x88xf32, #tpu.memory_space<hbm>>
      %dma_wait3A_766 = tpu.memref_squeeze %dma_wait3A_765 : memref<1x8x88xf32, #tpu.memory_space<hbm>> -> memref<8x88xf32, #tpu.memory_space<hbm>>
      tpu.wait_dma2 semaphore(%arg10 : memref<!tpu.dma_semaphore, #tpu.memory_space<semaphore_mem>>) src(%dma_wait3A_766 : memref<8x88xf32, #tpu.memory_space<hbm>>) dst(%dma_wait3A_762 : memref<8x88xf32, #tpu.memory_space<vmem>>)
      %dma_wait3A_767 = arith.constant 176 : i32
      %dma_wait3A_768 = arith.constant 176 : i32
      %dma_wait3A_769 = tpu.memref_slice %arg6[%dma_wait3A_767, %dma_wait3A_768] : memref<256x256xf32, #tpu.memory_space<vmem>> -> memref<8x80xf32, #tpu.memory_space<vmem>>
      %dma_wait3A_770 = arith.constant 176 : i32
      %dma_wait3A_771 = arith.constant 176 : i32
      %dma_wait3A_772 = tpu.memref_slice %arg2[%add3A_12, %dma_wait3A_770, %dma_wait3A_771] : memref<1024x256x256xf32, #tpu.memory_space<hbm>> -> memref<1x8x80xf32, #tpu.memory_space<hbm>>
      %dma_wait3A_773 = tpu.memref_squeeze %dma_wait3A_772 : memref<1x8x80xf32, #tpu.memory_space<hbm>> -> memref<8x80xf32, #tpu.memory_space<hbm>>
      %dma_wait3A_774 = arith.constant 176 : i32
      %dma_wait3A_775 = arith.constant 176 : i32
      %dma_wait3A_776 = tpu.memref_slice %arg6[%dma_wait3A_774, %dma_wait3A_775] : memref<256x256xf32, #tpu.memory_space<vmem>> -> memref<8x80xf32, #tpu.memory_space<vmem>>
      %dma_wait3A_777 = arith.constant 176 : i32
      %dma_wait3A_778 = arith.constant 176 : i32
      %dma_wait3A_779 = tpu.memref_slice %arg2[%add3A_12, %dma_wait3A_777, %dma_wait3A_778] : memref<1024x256x256xf32, #tpu.memory_space<hbm>> -> memref<1x8x80xf32, #tpu.memory_space<hbm>>
      %dma_wait3A_780 = tpu.memref_squeeze %dma_wait3A_779 : memref<1x8x80xf32, #tpu.memory_space<hbm>> -> memref<8x80xf32, #tpu.memory_space<hbm>>
      tpu.wait_dma2 semaphore(%arg10 : memref<!tpu.dma_semaphore, #tpu.memory_space<semaphore_mem>>) src(%dma_wait3A_780 : memref<8x80xf32, #tpu.memory_space<hbm>>) dst(%dma_wait3A_776 : memref<8x80xf32, #tpu.memory_space<vmem>>)
      %dma_wait3A_781 = arith.constant 184 : i32
      %dma_wait3A_782 = arith.constant 184 : i32
      %dma_wait3A_783 = tpu.memref_slice %arg6[%dma_wait3A_781, %dma_wait3A_782] : memref<256x256xf32, #tpu.memory_space<vmem>> -> memref<8x72xf32, #tpu.memory_space<vmem>>
      %dma_wait3A_784 = arith.constant 184 : i32
      %dma_wait3A_785 = arith.constant 184 : i32
      %dma_wait3A_786 = tpu.memref_slice %arg2[%add3A_12, %dma_wait3A_784, %dma_wait3A_785] : memref<1024x256x256xf32, #tpu.memory_space<hbm>> -> memref<1x8x72xf32, #tpu.memory_space<hbm>>
      %dma_wait3A_787 = tpu.memref_squeeze %dma_wait3A_786 : memref<1x8x72xf32, #tpu.memory_space<hbm>> -> memref<8x72xf32, #tpu.memory_space<hbm>>
      %dma_wait3A_788 = arith.constant 184 : i32
      %dma_wait3A_789 = arith.constant 184 : i32
      %dma_wait3A_790 = tpu.memref_slice %arg6[%dma_wait3A_788, %dma_wait3A_789] : memref<256x256xf32, #tpu.memory_space<vmem>> -> memref<8x72xf32, #tpu.memory_space<vmem>>
      %dma_wait3A_791 = arith.constant 184 : i32
      %dma_wait3A_792 = arith.constant 184 : i32
      %dma_wait3A_793 = tpu.memref_slice %arg2[%add3A_12, %dma_wait3A_791, %dma_wait3A_792] : memref<1024x256x256xf32, #tpu.memory_space<hbm>> -> memref<1x8x72xf32, #tpu.memory_space<hbm>>
      %dma_wait3A_794 = tpu.memref_squeeze %dma_wait3A_793 : memref<1x8x72xf32, #tpu.memory_space<hbm>> -> memref<8x72xf32, #tpu.memory_space<hbm>>
      tpu.wait_dma2 semaphore(%arg10 : memref<!tpu.dma_semaphore, #tpu.memory_space<semaphore_mem>>) src(%dma_wait3A_794 : memref<8x72xf32, #tpu.memory_space<hbm>>) dst(%dma_wait3A_790 : memref<8x72xf32, #tpu.memory_space<vmem>>)
      %dma_wait3A_795 = arith.constant 192 : i32
      %dma_wait3A_796 = arith.constant 192 : i32
      %dma_wait3A_797 = tpu.memref_slice %arg6[%dma_wait3A_795, %dma_wait3A_796] : memref<256x256xf32, #tpu.memory_space<vmem>> -> memref<8x64xf32, #tpu.memory_space<vmem>>
      %dma_wait3A_798 = arith.constant 192 : i32
      %dma_wait3A_799 = arith.constant 192 : i32
      %dma_wait3A_800 = tpu.memref_slice %arg2[%add3A_12, %dma_wait3A_798, %dma_wait3A_799] : memref<1024x256x256xf32, #tpu.memory_space<hbm>> -> memref<1x8x64xf32, #tpu.memory_space<hbm>>
      %dma_wait3A_801 = tpu.memref_squeeze %dma_wait3A_800 : memref<1x8x64xf32, #tpu.memory_space<hbm>> -> memref<8x64xf32, #tpu.memory_space<hbm>>
      %dma_wait3A_802 = arith.constant 192 : i32
      %dma_wait3A_803 = arith.constant 192 : i32
      %dma_wait3A_804 = tpu.memref_slice %arg6[%dma_wait3A_802, %dma_wait3A_803] : memref<256x256xf32, #tpu.memory_space<vmem>> -> memref<8x64xf32, #tpu.memory_space<vmem>>
      %dma_wait3A_805 = arith.constant 192 : i32
      %dma_wait3A_806 = arith.constant 192 : i32
      %dma_wait3A_807 = tpu.memref_slice %arg2[%add3A_12, %dma_wait3A_805, %dma_wait3A_806] : memref<1024x256x256xf32, #tpu.memory_space<hbm>> -> memref<1x8x64xf32, #tpu.memory_space<hbm>>
      %dma_wait3A_808 = tpu.memref_squeeze %dma_wait3A_807 : memref<1x8x64xf32, #tpu.memory_space<hbm>> -> memref<8x64xf32, #tpu.memory_space<hbm>>
      tpu.wait_dma2 semaphore(%arg10 : memref<!tpu.dma_semaphore, #tpu.memory_space<semaphore_mem>>) src(%dma_wait3A_808 : memref<8x64xf32, #tpu.memory_space<hbm>>) dst(%dma_wait3A_804 : memref<8x64xf32, #tpu.memory_space<vmem>>)
      %dma_wait3A_809 = arith.constant 200 : i32
      %dma_wait3A_810 = arith.constant 200 : i32
      %dma_wait3A_811 = tpu.memref_slice %arg6[%dma_wait3A_809, %dma_wait3A_810] : memref<256x256xf32, #tpu.memory_space<vmem>> -> memref<8x56xf32, #tpu.memory_space<vmem>>
      %dma_wait3A_812 = arith.constant 200 : i32
      %dma_wait3A_813 = arith.constant 200 : i32
      %dma_wait3A_814 = tpu.memref_slice %arg2[%add3A_12, %dma_wait3A_812, %dma_wait3A_813] : memref<1024x256x256xf32, #tpu.memory_space<hbm>> -> memref<1x8x56xf32, #tpu.memory_space<hbm>>
      %dma_wait3A_815 = tpu.memref_squeeze %dma_wait3A_814 : memref<1x8x56xf32, #tpu.memory_space<hbm>> -> memref<8x56xf32, #tpu.memory_space<hbm>>
      %dma_wait3A_816 = arith.constant 200 : i32
      %dma_wait3A_817 = arith.constant 200 : i32
      %dma_wait3A_818 = tpu.memref_slice %arg6[%dma_wait3A_816, %dma_wait3A_817] : memref<256x256xf32, #tpu.memory_space<vmem>> -> memref<8x56xf32, #tpu.memory_space<vmem>>
      %dma_wait3A_819 = arith.constant 200 : i32
      %dma_wait3A_820 = arith.constant 200 : i32
      %dma_wait3A_821 = tpu.memref_slice %arg2[%add3A_12, %dma_wait3A_819, %dma_wait3A_820] : memref<1024x256x256xf32, #tpu.memory_space<hbm>> -> memref<1x8x56xf32, #tpu.memory_space<hbm>>
      %dma_wait3A_822 = tpu.memref_squeeze %dma_wait3A_821 : memref<1x8x56xf32, #tpu.memory_space<hbm>> -> memref<8x56xf32, #tpu.memory_space<hbm>>
      tpu.wait_dma2 semaphore(%arg10 : memref<!tpu.dma_semaphore, #tpu.memory_space<semaphore_mem>>) src(%dma_wait3A_822 : memref<8x56xf32, #tpu.memory_space<hbm>>) dst(%dma_wait3A_818 : memref<8x56xf32, #tpu.memory_space<vmem>>)
      %dma_wait3A_823 = arith.constant 208 : i32
      %dma_wait3A_824 = arith.constant 208 : i32
      %dma_wait3A_825 = tpu.memref_slice %arg6[%dma_wait3A_823, %dma_wait3A_824] : memref<256x256xf32, #tpu.memory_space<vmem>> -> memref<8x48xf32, #tpu.memory_space<vmem>>
      %dma_wait3A_826 = arith.constant 208 : i32
      %dma_wait3A_827 = arith.constant 208 : i32
      %dma_wait3A_828 = tpu.memref_slice %arg2[%add3A_12, %dma_wait3A_826, %dma_wait3A_827] : memref<1024x256x256xf32, #tpu.memory_space<hbm>> -> memref<1x8x48xf32, #tpu.memory_space<hbm>>
      %dma_wait3A_829 = tpu.memref_squeeze %dma_wait3A_828 : memref<1x8x48xf32, #tpu.memory_space<hbm>> -> memref<8x48xf32, #tpu.memory_space<hbm>>
      %dma_wait3A_830 = arith.constant 208 : i32
      %dma_wait3A_831 = arith.constant 208 : i32
      %dma_wait3A_832 = tpu.memref_slice %arg6[%dma_wait3A_830, %dma_wait3A_831] : memref<256x256xf32, #tpu.memory_space<vmem>> -> memref<8x48xf32, #tpu.memory_space<vmem>>
      %dma_wait3A_833 = arith.constant 208 : i32
      %dma_wait3A_834 = arith.constant 208 : i32
      %dma_wait3A_835 = tpu.memref_slice %arg2[%add3A_12, %dma_wait3A_833, %dma_wait3A_834] : memref<1024x256x256xf32, #tpu.memory_space<hbm>> -> memref<1x8x48xf32, #tpu.memory_space<hbm>>
      %dma_wait3A_836 = tpu.memref_squeeze %dma_wait3A_835 : memref<1x8x48xf32, #tpu.memory_space<hbm>> -> memref<8x48xf32, #tpu.memory_space<hbm>>
      tpu.wait_dma2 semaphore(%arg10 : memref<!tpu.dma_semaphore, #tpu.memory_space<semaphore_mem>>) src(%dma_wait3A_836 : memref<8x48xf32, #tpu.memory_space<hbm>>) dst(%dma_wait3A_832 : memref<8x48xf32, #tpu.memory_space<vmem>>)
      %dma_wait3A_837 = arith.constant 216 : i32
      %dma_wait3A_838 = arith.constant 216 : i32
      %dma_wait3A_839 = tpu.memref_slice %arg6[%dma_wait3A_837, %dma_wait3A_838] : memref<256x256xf32, #tpu.memory_space<vmem>> -> memref<8x40xf32, #tpu.memory_space<vmem>>
      %dma_wait3A_840 = arith.constant 216 : i32
      %dma_wait3A_841 = arith.constant 216 : i32
      %dma_wait3A_842 = tpu.memref_slice %arg2[%add3A_12, %dma_wait3A_840, %dma_wait3A_841] : memref<1024x256x256xf32, #tpu.memory_space<hbm>> -> memref<1x8x40xf32, #tpu.memory_space<hbm>>
      %dma_wait3A_843 = tpu.memref_squeeze %dma_wait3A_842 : memref<1x8x40xf32, #tpu.memory_space<hbm>> -> memref<8x40xf32, #tpu.memory_space<hbm>>
      %dma_wait3A_844 = arith.constant 216 : i32
      %dma_wait3A_845 = arith.constant 216 : i32
      %dma_wait3A_846 = tpu.memref_slice %arg6[%dma_wait3A_844, %dma_wait3A_845] : memref<256x256xf32, #tpu.memory_space<vmem>> -> memref<8x40xf32, #tpu.memory_space<vmem>>
      %dma_wait3A_847 = arith.constant 216 : i32
      %dma_wait3A_848 = arith.constant 216 : i32
      %dma_wait3A_849 = tpu.memref_slice %arg2[%add3A_12, %dma_wait3A_847, %dma_wait3A_848] : memref<1024x256x256xf32, #tpu.memory_space<hbm>> -> memref<1x8x40xf32, #tpu.memory_space<hbm>>
      %dma_wait3A_850 = tpu.memref_squeeze %dma_wait3A_849 : memref<1x8x40xf32, #tpu.memory_space<hbm>> -> memref<8x40xf32, #tpu.memory_space<hbm>>
      tpu.wait_dma2 semaphore(%arg10 : memref<!tpu.dma_semaphore, #tpu.memory_space<semaphore_mem>>) src(%dma_wait3A_850 : memref<8x40xf32, #tpu.memory_space<hbm>>) dst(%dma_wait3A_846 : memref<8x40xf32, #tpu.memory_space<vmem>>)
      %dma_wait3A_851 = arith.constant 224 : i32
      %dma_wait3A_852 = arith.constant 224 : i32
      %dma_wait3A_853 = tpu.memref_slice %arg6[%dma_wait3A_851, %dma_wait3A_852] : memref<256x256xf32, #tpu.memory_space<vmem>> -> memref<8x32xf32, #tpu.memory_space<vmem>>
      %dma_wait3A_854 = arith.constant 224 : i32
      %dma_wait3A_855 = arith.constant 224 : i32
      %dma_wait3A_856 = tpu.memref_slice %arg2[%add3A_12, %dma_wait3A_854, %dma_wait3A_855] : memref<1024x256x256xf32, #tpu.memory_space<hbm>> -> memref<1x8x32xf32, #tpu.memory_space<hbm>>
      %dma_wait3A_857 = tpu.memref_squeeze %dma_wait3A_856 : memref<1x8x32xf32, #tpu.memory_space<hbm>> -> memref<8x32xf32, #tpu.memory_space<hbm>>
      %dma_wait3A_858 = arith.constant 224 : i32
      %dma_wait3A_859 = arith.constant 224 : i32
      %dma_wait3A_860 = tpu.memref_slice %arg6[%dma_wait3A_858, %dma_wait3A_859] : memref<256x256xf32, #tpu.memory_space<vmem>> -> memref<8x32xf32, #tpu.memory_space<vmem>>
      %dma_wait3A_861 = arith.constant 224 : i32
      %dma_wait3A_862 = arith.constant 224 : i32
      %dma_wait3A_863 = tpu.memref_slice %arg2[%add3A_12, %dma_wait3A_861, %dma_wait3A_862] : memref<1024x256x256xf32, #tpu.memory_space<hbm>> -> memref<1x8x32xf32, #tpu.memory_space<hbm>>
      %dma_wait3A_864 = tpu.memref_squeeze %dma_wait3A_863 : memref<1x8x32xf32, #tpu.memory_space<hbm>> -> memref<8x32xf32, #tpu.memory_space<hbm>>
      tpu.wait_dma2 semaphore(%arg10 : memref<!tpu.dma_semaphore, #tpu.memory_space<semaphore_mem>>) src(%dma_wait3A_864 : memref<8x32xf32, #tpu.memory_space<hbm>>) dst(%dma_wait3A_860 : memref<8x32xf32, #tpu.memory_space<vmem>>)
      %dma_wait3A_865 = arith.constant 232 : i32
      %dma_wait3A_866 = arith.constant 232 : i32
      %dma_wait3A_867 = tpu.memref_slice %arg6[%dma_wait3A_865, %dma_wait3A_866] : memref<256x256xf32, #tpu.memory_space<vmem>> -> memref<8x24xf32, #tpu.memory_space<vmem>>
      %dma_wait3A_868 = arith.constant 232 : i32
      %dma_wait3A_869 = arith.constant 232 : i32
      %dma_wait3A_870 = tpu.memref_slice %arg2[%add3A_12, %dma_wait3A_868, %dma_wait3A_869] : memref<1024x256x256xf32, #tpu.memory_space<hbm>> -> memref<1x8x24xf32, #tpu.memory_space<hbm>>
      %dma_wait3A_871 = tpu.memref_squeeze %dma_wait3A_870 : memref<1x8x24xf32, #tpu.memory_space<hbm>> -> memref<8x24xf32, #tpu.memory_space<hbm>>
      %dma_wait3A_872 = arith.constant 232 : i32
      %dma_wait3A_873 = arith.constant 232 : i32
      %dma_wait3A_874 = tpu.memref_slice %arg6[%dma_wait3A_872, %dma_wait3A_873] : memref<256x256xf32, #tpu.memory_space<vmem>> -> memref<8x24xf32, #tpu.memory_space<vmem>>
      %dma_wait3A_875 = arith.constant 232 : i32
      %dma_wait3A_876 = arith.constant 232 : i32
      %dma_wait3A_877 = tpu.memref_slice %arg2[%add3A_12, %dma_wait3A_875, %dma_wait3A_876] : memref<1024x256x256xf32, #tpu.memory_space<hbm>> -> memref<1x8x24xf32, #tpu.memory_space<hbm>>
      %dma_wait3A_878 = tpu.memref_squeeze %dma_wait3A_877 : memref<1x8x24xf32, #tpu.memory_space<hbm>> -> memref<8x24xf32, #tpu.memory_space<hbm>>
      tpu.wait_dma2 semaphore(%arg10 : memref<!tpu.dma_semaphore, #tpu.memory_space<semaphore_mem>>) src(%dma_wait3A_878 : memref<8x24xf32, #tpu.memory_space<hbm>>) dst(%dma_wait3A_874 : memref<8x24xf32, #tpu.memory_space<vmem>>)
      %dma_wait3A_879 = arith.constant 240 : i32
      %dma_wait3A_880 = arith.constant 240 : i32
      %dma_wait3A_881 = tpu.memref_slice %arg6[%dma_wait3A_879, %dma_wait3A_880] : memref<256x256xf32, #tpu.memory_space<vmem>> -> memref<8x16xf32, #tpu.memory_space<vmem>>
      %dma_wait3A_882 = arith.constant 240 : i32
      %dma_wait3A_883 = arith.constant 240 : i32
      %dma_wait3A_884 = tpu.memref_slice %arg2[%add3A_12, %dma_wait3A_882, %dma_wait3A_883] : memref<1024x256x256xf32, #tpu.memory_space<hbm>> -> memref<1x8x16xf32, #tpu.memory_space<hbm>>
      %dma_wait3A_885 = tpu.memref_squeeze %dma_wait3A_884 : memref<1x8x16xf32, #tpu.memory_space<hbm>> -> memref<8x16xf32, #tpu.memory_space<hbm>>
      %dma_wait3A_886 = arith.constant 240 : i32
      %dma_wait3A_887 = arith.constant 240 : i32
      %dma_wait3A_888 = tpu.memref_slice %arg6[%dma_wait3A_886, %dma_wait3A_887] : memref<256x256xf32, #tpu.memory_space<vmem>> -> memref<8x16xf32, #tpu.memory_space<vmem>>
      %dma_wait3A_889 = arith.constant 240 : i32
      %dma_wait3A_890 = arith.constant 240 : i32
      %dma_wait3A_891 = tpu.memref_slice %arg2[%add3A_12, %dma_wait3A_889, %dma_wait3A_890] : memref<1024x256x256xf32, #tpu.memory_space<hbm>> -> memref<1x8x16xf32, #tpu.memory_space<hbm>>
      %dma_wait3A_892 = tpu.memref_squeeze %dma_wait3A_891 : memref<1x8x16xf32, #tpu.memory_space<hbm>> -> memref<8x16xf32, #tpu.memory_space<hbm>>
      tpu.wait_dma2 semaphore(%arg10 : memref<!tpu.dma_semaphore, #tpu.memory_space<semaphore_mem>>) src(%dma_wait3A_892 : memref<8x16xf32, #tpu.memory_space<hbm>>) dst(%dma_wait3A_888 : memref<8x16xf32, #tpu.memory_space<vmem>>)
      %dma_wait3A_893 = arith.constant 248 : i32
      %dma_wait3A_894 = arith.constant 248 : i32
      %dma_wait3A_895 = tpu.memref_slice %arg6[%dma_wait3A_893, %dma_wait3A_894] : memref<256x256xf32, #tpu.memory_space<vmem>> -> memref<8x8xf32, #tpu.memory_space<vmem>>
      %dma_wait3A_896 = arith.constant 248 : i32
      %dma_wait3A_897 = arith.constant 248 : i32
      %dma_wait3A_898 = tpu.memref_slice %arg2[%add3A_12, %dma_wait3A_896, %dma_wait3A_897] : memref<1024x256x256xf32, #tpu.memory_space<hbm>> -> memref<1x8x8xf32, #tpu.memory_space<hbm>>
      %dma_wait3A_899 = tpu.memref_squeeze %dma_wait3A_898 : memref<1x8x8xf32, #tpu.memory_space<hbm>> -> memref<8x8xf32, #tpu.memory_space<hbm>>
      %dma_wait3A_900 = arith.constant 248 : i32
      %dma_wait3A_901 = arith.constant 248 : i32
      %dma_wait3A_902 = tpu.memref_slice %arg6[%dma_wait3A_900, %dma_wait3A_901] : memref<256x256xf32, #tpu.memory_space<vmem>> -> memref<8x8xf32, #tpu.memory_space<vmem>>
      %dma_wait3A_903 = arith.constant 248 : i32
      %dma_wait3A_904 = arith.constant 248 : i32
      %dma_wait3A_905 = tpu.memref_slice %arg2[%add3A_12, %dma_wait3A_903, %dma_wait3A_904] : memref<1024x256x256xf32, #tpu.memory_space<hbm>> -> memref<1x8x8xf32, #tpu.memory_space<hbm>>
      %dma_wait3A_906 = tpu.memref_squeeze %dma_wait3A_905 : memref<1x8x8xf32, #tpu.memory_space<hbm>> -> memref<8x8xf32, #tpu.memory_space<hbm>>
      tpu.wait_dma2 semaphore(%arg10 : memref<!tpu.dma_semaphore, #tpu.memory_space<semaphore_mem>>) src(%dma_wait3A_906 : memref<8x8xf32, #tpu.memory_space<hbm>>) dst(%dma_wait3A_902 : memref<8x8xf32, #tpu.memory_space<vmem>>)
      %scan3A_907 = arith.constant 0 : i32
      %scan3A_908 = arith.constant 0 : i32
      %scan3A_909 = arith.constant 241 : i32
      %scan3A_910 = arith.addi %scan3A_908, %scan3A_909 : i32
      %scan3A_911 = arith.constant 1 : i32
      %scan3A_912 = scf.for %scan3A_987 = %scan3A_908 to %scan3A_910 step %scan3A_911 iter_args(%scan3A_988 = %scan3A_907) -> (i32)  : i32 {
        %sub3A = arith.constant 256 : i32
        %sub3A_989 = arith.subi %sub3A, %scan3A_987 : i32
        %jit3A = arith.constant 16 : i32
        %div3A = arith.divsi %sub3A_989, %jit3A : i32
        %sign3A = arith.constant 0 : i32
        %sign3A_990 = arith.cmpi sgt, %sub3A_989, %sign3A : i32
        %sign3A_991 = arith.extui %sign3A_990 : i1 to i32
        %sign3A_992 = arith.constant 0 : i32
        %sign3A_993 = arith.cmpi slt, %sub3A_989, %sign3A_992 : i32
        %sign3A_994 = arith.extui %sign3A_993 : i1 to i32
        %sign3A_995 = arith.subi %sign3A_991, %sign3A_994 : i32
        %sign3A_996 = arith.constant 0 : i32
        %sign3A_997 = arith.cmpi sgt, %jit3A, %sign3A_996 : i32
        %sign3A_998 = arith.extui %sign3A_997 : i1 to i32
        %sign3A_999 = arith.constant 0 : i32
        %sign3A_1000 = arith.cmpi slt, %jit3A, %sign3A_999 : i32
        %sign3A_1001 = arith.extui %sign3A_1000 : i1 to i32
        %sign3A_1002 = arith.subi %sign3A_998, %sign3A_1001 : i32
        %ne3A = arith.cmpi ne, %sign3A_995, %sign3A_1002 : i32
        %rem3A = arith.remsi %sub3A_989, %jit3A : i32
        %ne3A_1003 = arith.constant 0 : i32
        %ne3A_1004 = arith.cmpi ne, %rem3A, %ne3A_1003 : i32
        %and3A = arith.andi %ne3A, %ne3A_1004 : i1
        %sub3A_1005 = arith.constant 1 : i32
        %sub3A_1006 = arith.subi %div3A, %sub3A_1005 : i32
        %select_n3A = arith.select %and3A, %sub3A_1006, %div3A : i32
        %while3A = arith.constant 0 : i32
        %while3A_1007 = arith.constant 0 : i32
        %while3A_1008 = arith.subi %select_n3A, %while3A : i32
        %while3A_1009 = arith.addi %while3A, %while3A_1008 : i32
        %while3A_1010 = arith.constant 1 : i32
        %while3A_1011 = arith.divsi %while3A_1008, %while3A_1010 : i32
        %while3A_1012 = arith.muli %while3A_1011, %while3A_1010 : i32
        %while3A_1013 = arith.addi %while3A, %while3A_1012 : i32
        %while3A_1014 = arith.constant 1 : i32
        %while3A_1015 = scf.for %while3A_1027 = %while3A to %while3A_1013 step %while3A_1014 iter_args(%while3A_1028 = %while3A_1007) -> (i32)  : i32 {
          %mul3A_1029 = arith.constant 16 : i32
          %mul3A_1030 = arith.muli %mul3A_1029, %while3A_1027 : i32
          %add3A_1031 = arith.addi %scan3A_987, %mul3A_1030 : i32
          %get3A_1032 = arith.index_cast %scan3A_987 : i32 to index
          %get3A_1033 = arith.index_cast %add3A_1031 : i32 to index
          %get3A_1034 = tpu.vector_load %arg6[%get3A_1032, %get3A_1033] {strides = array<i32>} : memref<256x256xf32, #tpu.memory_space<vmem>>, vector<16xf32>,
          %mul3A_1035 = arith.constant 16 : i32
          %mul3A_1036 = arith.muli %mul3A_1035, %while3A_1027 : i32
          %add3A_1037 = arith.addi %scan3A_988, %mul3A_1036 : i32
          %swap3A_1038 = arith.index_cast %add3A_1037 : i32 to index
          %swap3A_1039 = tpu.vector_load %arg7[%swap3A_1038] {strides = array<i32>} : memref<32904xf32, #tpu.memory_space<vmem>>, vector<16xf32>,
          tpu.vector_store %arg7[%swap3A_1038], %get3A_1034 {strides = array<i32>} : memref<32904xf32, #tpu.memory_space<vmem>>, vector<16xf32>,
          %while3A_1040 = arith.constant 0 : i32
          scf.yield %while3A_1040 : i32
        }
        %while3A_1016 = arith.constant 1 : i32
        %while3A_1017 = scf.for %while3A_1027 = %while3A_1013 to %while3A_1009 step %while3A_1016 iter_args(%while3A_1028 = %while3A_1015) -> (i32)  : i32 {
          %mul3A_1029 = arith.constant 16 : i32
          %mul3A_1030 = arith.muli %mul3A_1029, %while3A_1027 : i32
          %add3A_1031 = arith.addi %scan3A_987, %mul3A_1030 : i32
          %get3A_1032 = arith.index_cast %scan3A_987 : i32 to index
          %get3A_1033 = arith.index_cast %add3A_1031 : i32 to index
          %get3A_1034 = tpu.vector_load %arg6[%get3A_1032, %get3A_1033] {strides = array<i32>} : memref<256x256xf32, #tpu.memory_space<vmem>>, vector<16xf32>,
          %mul3A_1035 = arith.constant 16 : i32
          %mul3A_1036 = arith.muli %mul3A_1035, %while3A_1027 : i32
          %add3A_1037 = arith.addi %scan3A_988, %mul3A_1036 : i32
          %swap3A_1038 = arith.index_cast %add3A_1037 : i32 to index
          %swap3A_1039 = tpu.vector_load %arg7[%swap3A_1038] {strides = array<i32>} : memref<32904xf32, #tpu.memory_space<vmem>>, vector<16xf32>,
          tpu.vector_store %arg7[%swap3A_1038], %get3A_1034 {strides = array<i32>} : memref<32904xf32, #tpu.memory_space<vmem>>, vector<16xf32>,
          %while3A_1040 = arith.constant 0 : i32
          scf.yield %while3A_1040 : i32
        }
        %get3A_1018 = arith.index_cast %scan3A_987 : i32 to index
        %get3A_1019 = arith.constant 240 : index
        %get3A_1020 = tpu.vector_load %arg6[%get3A_1018, %get3A_1019] {strides = array<i32>} : memref<256x256xf32, #tpu.memory_space<vmem>>, vector<16xf32>,
        %add3A_1021 = arith.addi %scan3A_988, %sub3A_989 : i32
        %sub3A_1022 = arith.constant 16 : i32
        %sub3A_1023 = arith.subi %add3A_1021, %sub3A_1022 : i32
        %swap3A_1024 = arith.index_cast %sub3A_1023 : i32 to index
        %swap3A_1025 = tpu.vector_load %arg7[%swap3A_1024] {strides = array<i32>} : memref<32904xf32, #tpu.memory_space<vmem>>, vector<16xf32>,
        tpu.vector_store %arg7[%swap3A_1024], %get3A_1020 {strides = array<i32>} : memref<32904xf32, #tpu.memory_space<vmem>>, vector<16xf32>,
        %add3A_1026 = arith.addi %scan3A_988, %sub3A_989 : i32
        scf.yield %add3A_1026 : i32
      }
      %scan3A_913 = arith.constant 241 : i32
      %get3A = arith.constant 0 : index
      %get3A_914 = tpu.vector_load %arg8[%get3A] {strides = array<i32>} : memref<128xi32, #tpu.memory_space<vmem>>, vector<16xi32>,
      %get3A_915 = arith.constant 0 : index
      %get3A_916 = tpu.vector_load %arg9[%get3A_915] {strides = array<i32>} : memref<128xi32, #tpu.memory_space<vmem>>, vector<16xi32>,
      %gather3A = tpu.vector_load_idx %arg6[%get3A_914, %get3A_916] : memref<256x256xf32, #tpu.memory_space<vmem>>[vector<16xi32>, vector<16xi32>], vector<16xf32>,
      %swap3A = arith.constant 32776 : index
      %swap3A_917 = tpu.vector_load %arg7[%swap3A] {strides = array<i32>} : memref<32904xf32, #tpu.memory_space<vmem>>, vector<16xf32>,
      tpu.vector_store %arg7[%swap3A], %gather3A {strides = array<i32>} : memref<32904xf32, #tpu.memory_space<vmem>>, vector<16xf32>,
      %get3A_918 = arith.constant 16 : index
      %get3A_919 = tpu.vector_load %arg8[%get3A_918] {strides = array<i32>} : memref<128xi32, #tpu.memory_space<vmem>>, vector<16xi32>,
      %get3A_920 = arith.constant 16 : index
      %get3A_921 = tpu.vector_load %arg9[%get3A_920] {strides = array<i32>} : memref<128xi32, #tpu.memory_space<vmem>>, vector<16xi32>,
      %gather3A_922 = tpu.vector_load_idx %arg6[%get3A_919, %get3A_921] : memref<256x256xf32, #tpu.memory_space<vmem>>[vector<16xi32>, vector<16xi32>], vector<16xf32>,
      %swap3A_923 = arith.constant 32792 : index
      %swap3A_924 = tpu.vector_load %arg7[%swap3A_923] {strides = array<i32>} : memref<32904xf32, #tpu.memory_space<vmem>>, vector<16xf32>,
      tpu.vector_store %arg7[%swap3A_923], %gather3A_922 {strides = array<i32>} : memref<32904xf32, #tpu.memory_space<vmem>>, vector<16xf32>,
      %get3A_925 = arith.constant 32 : index
      %get3A_926 = tpu.vector_load %arg8[%get3A_925] {strides = array<i32>} : memref<128xi32, #tpu.memory_space<vmem>>, vector<16xi32>,
      %get3A_927 = arith.constant 32 : index
      %get3A_928 = tpu.vector_load %arg9[%get3A_927] {strides = array<i32>} : memref<128xi32, #tpu.memory_space<vmem>>, vector<16xi32>,
      %gather3A_929 = tpu.vector_load_idx %arg6[%get3A_926, %get3A_928] : memref<256x256xf32, #tpu.memory_space<vmem>>[vector<16xi32>, vector<16xi32>], vector<16xf32>,
      %swap3A_930 = arith.constant 32808 : index
      %swap3A_931 = tpu.vector_load %arg7[%swap3A_930] {strides = array<i32>} : memref<32904xf32, #tpu.memory_space<vmem>>, vector<16xf32>,
      tpu.vector_store %arg7[%swap3A_930], %gather3A_929 {strides = array<i32>} : memref<32904xf32, #tpu.memory_space<vmem>>, vector<16xf32>,
      %get3A_932 = arith.constant 48 : index
      %get3A_933 = tpu.vector_load %arg8[%get3A_932] {strides = array<i32>} : memref<128xi32, #tpu.memory_space<vmem>>, vector<16xi32>,
      %get3A_934 = arith.constant 48 : index
      %get3A_935 = tpu.vector_load %arg9[%get3A_934] {strides = array<i32>} : memref<128xi32, #tpu.memory_space<vmem>>, vector<16xi32>,
      %gather3A_936 = tpu.vector_load_idx %arg6[%get3A_933, %get3A_935] : memref<256x256xf32, #tpu.memory_space<vmem>>[vector<16xi32>, vector<16xi32>], vector<16xf32>,
      %swap3A_937 = arith.constant 32824 : index
      %swap3A_938 = tpu.vector_load %arg7[%swap3A_937] {strides = array<i32>} : memref<32904xf32, #tpu.memory_space<vmem>>, vector<16xf32>,
      tpu.vector_store %arg7[%swap3A_937], %gather3A_936 {strides = array<i32>} : memref<32904xf32, #tpu.memory_space<vmem>>, vector<16xf32>,
      %get3A_939 = arith.constant 64 : index
      %get3A_940 = tpu.vector_load %arg8[%get3A_939] {strides = array<i32>} : memref<128xi32, #tpu.memory_space<vmem>>, vector<16xi32>,
      %get3A_941 = arith.constant 64 : index
      %get3A_942 = tpu.vector_load %arg9[%get3A_941] {strides = array<i32>} : memref<128xi32, #tpu.memory_space<vmem>>, vector<16xi32>,
      %gather3A_943 = tpu.vector_load_idx %arg6[%get3A_940, %get3A_942] : memref<256x256xf32, #tpu.memory_space<vmem>>[vector<16xi32>, vector<16xi32>], vector<16xf32>,
      %swap3A_944 = arith.constant 32840 : index
      %swap3A_945 = tpu.vector_load %arg7[%swap3A_944] {strides = array<i32>} : memref<32904xf32, #tpu.memory_space<vmem>>, vector<16xf32>,
      tpu.vector_store %arg7[%swap3A_944], %gather3A_943 {strides = array<i32>} : memref<32904xf32, #tpu.memory_space<vmem>>, vector<16xf32>,
      %get3A_946 = arith.constant 80 : index
      %get3A_947 = tpu.vector_load %arg8[%get3A_946] {strides = array<i32>} : memref<128xi32, #tpu.memory_space<vmem>>, vector<16xi32>,
      %get3A_948 = arith.constant 80 : index
      %get3A_949 = tpu.vector_load %arg9[%get3A_948] {strides = array<i32>} : memref<128xi32, #tpu.memory_space<vmem>>, vector<16xi32>,
      %gather3A_950 = tpu.vector_load_idx %arg6[%get3A_947, %get3A_949] : memref<256x256xf32, #tpu.memory_space<vmem>>[vector<16xi32>, vector<16xi32>], vector<16xf32>,
      %swap3A_951 = arith.constant 32856 : index
      %swap3A_952 = tpu.vector_load %arg7[%swap3A_951] {strides = array<i32>} : memref<32904xf32, #tpu.memory_space<vmem>>, vector<16xf32>,
      tpu.vector_store %arg7[%swap3A_951], %gather3A_950 {strides = array<i32>} : memref<32904xf32, #tpu.memory_space<vmem>>, vector<16xf32>,
      %get3A_953 = arith.constant 96 : index
      %get3A_954 = tpu.vector_load %arg8[%get3A_953] {strides = array<i32>} : memref<128xi32, #tpu.memory_space<vmem>>, vector<16xi32>,
      %get3A_955 = arith.constant 96 : index
      %get3A_956 = tpu.vector_load %arg9[%get3A_955] {strides = array<i32>} : memref<128xi32, #tpu.memory_space<vmem>>, vector<16xi32>,
      %gather3A_957 = tpu.vector_load_idx %arg6[%get3A_954, %get3A_956] : memref<256x256xf32, #tpu.memory_space<vmem>>[vector<16xi32>, vector<16xi32>], vector<16xf32>,
      %swap3A_958 = arith.constant 32872 : index
      %swap3A_959 = tpu.vector_load %arg7[%swap3A_958] {strides = array<i32>} : memref<32904xf32, #tpu.memory_space<vmem>>, vector<16xf32>,
      tpu.vector_store %arg7[%swap3A_958], %gather3A_957 {strides = array<i32>} : memref<32904xf32, #tpu.memory_space<vmem>>, vector<16xf32>,
      %get3A_960 = arith.constant 112 : index
      %get3A_961 = tpu.vector_load %arg8[%get3A_960] {strides = array<i32>} : memref<128xi32, #tpu.memory_space<vmem>>, vector<16xi32>,
      %get3A_962 = arith.constant 112 : index
      %get3A_963 = tpu.vector_load %arg9[%get3A_962] {strides = array<i32>} : memref<128xi32, #tpu.memory_space<vmem>>, vector<16xi32>,
      %gather3A_964 = tpu.vector_load_idx %arg6[%get3A_961, %get3A_963] : memref<256x256xf32, #tpu.memory_space<vmem>>[vector<16xi32>, vector<16xi32>], vector<16xf32>,
      %swap3A_965 = arith.constant 32888 : index
      %swap3A_966 = tpu.vector_load %arg7[%swap3A_965] {strides = array<i32>} : memref<32904xf32, #tpu.memory_space<vmem>>, vector<16xf32>,
      tpu.vector_store %arg7[%swap3A_965], %gather3A_964 {strides = array<i32>} : memref<32904xf32, #tpu.memory_space<vmem>>, vector<16xf32>,
      %dma_start3A_967 = arith.constant 0 : i32
      %dma_start3A_968 = tpu.memref_slice %arg7[%dma_start3A_967] : memref<32904xf32, #tpu.memory_space<vmem>> -> memref<32896xf32, #tpu.memory_space<vmem>>
      %dma_start3A_969 = arith.constant 0 : i32
      %dma_start3A_970 = tpu.memref_slice %arg5[%add3A_12, %dma_start3A_969] : memref<1024x32896xf32, #tpu.memory_space<hbm>> -> memref<1x32896xf32, #tpu.memory_space<hbm>>
      %dma_start3A_971 = tpu.memref_squeeze %dma_start3A_970 : memref<1x32896xf32, #tpu.memory_space<hbm>> -> memref<32896xf32, #tpu.memory_space<hbm>>
      %dma_start3A_972 = arith.constant 0 : i32
      %dma_start3A_973 = tpu.memref_slice %arg5[%add3A_12, %dma_start3A_972] : memref<1024x32896xf32, #tpu.memory_space<hbm>> -> memref<1x32896xf32, #tpu.memory_space<hbm>>
      %dma_start3A_974 = tpu.memref_squeeze %dma_start3A_973 : memref<1x32896xf32, #tpu.memory_space<hbm>> -> memref<32896xf32, #tpu.memory_space<hbm>>
      %dma_start3A_975 = arith.constant 0 : i32
      %dma_start3A_976 = tpu.memref_slice %arg7[%dma_start3A_975] : memref<32904xf32, #tpu.memory_space<vmem>> -> memref<32896xf32, #tpu.memory_space<vmem>>
      tpu.enqueue_dma source(%dma_start3A_976 : memref<32896xf32, #tpu.memory_space<vmem>>) target(%dma_start3A_974 : memref<32896xf32, #tpu.memory_space<hbm>>) target_semaphore(%arg11 : memref<!tpu.dma_semaphore, #tpu.memory_space<semaphore_mem>>)
      %dma_wait3A_977 = arith.constant 0 : i32
      %dma_wait3A_978 = tpu.memref_slice %arg7[%dma_wait3A_977] : memref<32904xf32, #tpu.memory_space<vmem>> -> memref<32896xf32, #tpu.memory_space<vmem>>
      %dma_wait3A_979 = arith.constant 0 : i32
      %dma_wait3A_980 = tpu.memref_slice %arg5[%add3A_12, %dma_wait3A_979] : memref<1024x32896xf32, #tpu.memory_space<hbm>> -> memref<1x32896xf32, #tpu.memory_space<hbm>>
      %dma_wait3A_981 = tpu.memref_squeeze %dma_wait3A_980 : memref<1x32896xf32, #tpu.memory_space<hbm>> -> memref<32896xf32, #tpu.memory_space<hbm>>
      %dma_wait3A_982 = arith.constant 0 : i32
      %dma_wait3A_983 = tpu.memref_slice %arg5[%add3A_12, %dma_wait3A_982] : memref<1024x32896xf32, #tpu.memory_space<hbm>> -> memref<1x32896xf32, #tpu.memory_space<hbm>>
      %dma_wait3A_984 = tpu.memref_squeeze %dma_wait3A_983 : memref<1x32896xf32, #tpu.memory_space<hbm>> -> memref<32896xf32, #tpu.memory_space<hbm>>
      %dma_wait3A_985 = arith.constant 0 : i32
      %dma_wait3A_986 = tpu.memref_slice %arg7[%dma_wait3A_985] : memref<32904xf32, #tpu.memory_space<vmem>> -> memref<32896xf32, #tpu.memory_space<vmem>>
      tpu.wait_dma2 semaphore(%arg11 : memref<!tpu.dma_semaphore, #tpu.memory_space<semaphore_mem>>) src(%dma_wait3A_986 : memref<32896xf32, #tpu.memory_space<vmem>>) dst(%dma_wait3A_984 : memref<32896xf32, #tpu.memory_space<hbm>>)
    }
    %scan3A_6 = arith.constant 32 : i32
    return
  }
}

</mosaic_0001>

<sc_bundles>
// kernel: kernel.3.cloned.1.call-start
scs
__scs_entry_jumppad:
0x0: {  	(pc) =	sbr.rel $0x88, $3  }
0x1: {  	(tag) =	ssettag $0x0;
	lr =	simm.s32 $0x1  }
0x2: {  	[smem:$0x3FA0] =	sst lr;
	_ =	strace $0xD0000000  }
0x3: {  	_ = 	snop  }
0x4: {  	_ = 	snop  }
0x5: {  	_ = 	snop  }
0x6: {  	_ = 	snop  }
0x7: {  	_ = 	snop  }
__scs_overlays_trampoline_lowered:
0x8: {  	[smem:$0x3FAF] =	sst s0  }
0x9: {  	[smem:$0x3FB0] =	sst s1  }
0xa: {  	[smem:$0x3FB1] =	sst s2  }
0xb: {  	[smem:$0x3FB2] =	sst s3  }
0xc: {  	[smem:$0x3FB3] =	sst s4  }
0xd: {  	[smem:$0x3FB4] =	sst s5  }
0xe: {  	[smem:$0x3FB5] =	sst s6  }
0xf: {  	[smem:$0x3FB6] =	sst s7  }
0x10: {  	[smem:$0x3FB7] =	sst s8  }
0x11: {  	[smem:$0x3FB8] =	sst s9;
	s0 =	simm.s32 @!p0 $0x0  }
0x12: {  	s1 =	sld [smem:$0x3F9E];
	s0 =	simm.s32 @p0 $0x1  }
0x13: {  	[smem:$0x3FB9] =	sst s0;
	s0 =	simm.s32 @!p1 $0x0  }
0x14: {  	s2 =	sld [smem:$0x3F9D];
	s0 =	simm.s32 @p1 $0x1  }
0x15: {  	[smem:$0x3FBA] =	sst s0;
	s0 =	simm.s32 @!p2 $0x0  }
0x16: {  	s3 =	sld [smem:$0x3FDB];
	s0 =	simm.s32 @p2 $0x1  }
0x17: {  	s4 =	simm.s32 $0x1BF5;
	[smem:$0x3FBC] =	sst s0  }
0x18: {  	s0 =	sld [smem:$0x3F9F];
	_ =	swait.ge [sflag:s4], $0x0  }
0x19: {  	s7 =	sld [smem:$0x3FA0]  }
0x1a: {  	s8 =	sadd.s32 $0xFFFFE003, lr  }
0x1b: {  	s9 =	sadd.s32 $0xFFFFFEF7, lr;
	s5 =	simm.s32 $0xFFFFFFFF;
	p2 =	slt.u32 s8, $0xFFFFF086  }
0x1c: {  	p1 =	slt.u32 s9, $0xF7A;
	s5 =	simm.s32 @!p2 $0x0  }
0x1d: {  	s5 =	simm.s32 @p1 $0x1;
	p0 =	seq.s32 s7, s2  }
0x1e: {  	s7 =	smul.u32 @!p0 $0xF7A, s2;
	p2 =	seq.s32 @!p0 s5, $0x0  }
0x1f: {  	s9 =	smul.u32 $0xF7A, s1;
	s8 =	simm.s32 @!p0 $0x1BF5;
	p2 =	por !p2, p0  }
0x20: {  	[sflag:s8] =	ssyncset.s32 @!p0 $0xFFFFF086;
	s6 =	sadd.s32 @!p0 s3, s7;
	s7 =	simm.s32 @!p0 $0x108  }
0x21: {  	s3 =	sadd.s32 s3, s9;
	s6 =	sadd.s32 @!p0 $0x88, s6;
	s7 =	simm.s32 @p2 $0x1082  }
0x22: {  	[simem:s7], [sflag:s8] =	dma.local @!p0 [hbm:s6], $0xF7A  }
0x23: {  	s9 =	sor.u32 $0xD0000000, s2;
	s6 =	simm.s32 $0x108;
	_ =	swait.ge @!p0 [sflag:s8], $0x0  }
0x24: {  	s3 =	sadd.s32 $0x88, s3;
	s6 =	simm.s32 @!p1 $0x1082;
	[sflag:s4] =	ssyncset.s32 $0xFFFFF086  }
0x25: {  	[simem:s6], [sflag:s4] =	dma.local [hbm:s3], $0xF7A  }
0x26: {  	[smem:$0x3FA0] =	sst s1;
	(tag) =	ssettag s2;
	_ =	strace s9  }
0x27: {  	s1 =	sld [smem:$0x3FB0]  }
0x28: {  	s2 =	sld [smem:$0x3FB1]  }
0x29: {  	s4 =	sld [smem:$0x3FB3]  }
0x2a: {  	p0 =	seq.s32 s5, $0x0;
	s5 =	sld [smem:$0x3FB4]  }
0x2b: {  	s6 =	sld [smem:$0x3FB5]  }
0x2c: {  	s7 =	sld [smem:$0x3FB6]  }
0x2d: {  	s3 =	simm.s32 $0x108;
	s8 =	sld [smem:$0x3FB7]  }
0x2e: {  	s3 =	simm.s32 @!p0 $0x1082;
	s9 =	sld [smem:$0x3FB8]  }
0x2f: {  	lr =	sadd.s32 s0, s3;
	s0 =	sld [smem:$0x3FAF]  }
0x30: {  	s3 =	sld [smem:$0x3FB2]  }
0x31: {  	[smem:$0x3FBB] =	sst s10  }
0x32: {  	s10 =	sld [smem:$0x3FB9];
	_ =	sdelay $0x3  }
0x33: {  	p0 =	seq.s32 s10, $0x1;
	s10 =	sld [smem:$0x3FBB];
	_ =	sdelay $0x3  }
0x34: {  	[smem:$0x3FBB] =	sst s10  }
0x35: {  	s10 =	sld [smem:$0x3FBA];
	_ =	sdelay $0x3  }
0x36: {  	p1 =	seq.s32 s10, $0x1;
	s10 =	sld [smem:$0x3FBB];
	_ =	sdelay $0x3  }
0x37: {  	[smem:$0x3FBB] =	sst s10  }
0x38: {  	s10 =	sld [smem:$0x3FBC]  }
0x39: {  	_ = 	snop;
	(pc) =	sbr.ind lr, $3  }
0x3a: {  	_ = 	snop  }
0x3b: {  	_ = 	snop  }
0x3c: {  	p2 =	seq.s32 s10, $0x1;
	s10 =	sld [smem:$0x3FBB]  }
0x3d: {  	_ =	shalt  }
0x3e: {  	_ =	shalt  }
0x3f: {  	_ =	shalt  }
0x40: {  	_ =	shalt  }
0x41: {  	_ =	shalt  }
0x42: {  	_ =	shalt  }
0x43: {  	_ =	shalt  }
0x44: {  	_ =	shalt  }
0x45: {  	_ =	shalt  }
0x46: {  	_ =	shalt  }
0x47: {  	_ =	shalt  }
0x48: {  	_ =	shalt  }
0x49: {  	_ =	shalt  }
0x4a: {  	_ =	shalt  }
0x4b: {  	_ =	shalt  }
0x4c: {  	_ =	shalt  }
0x4d: {  	_ =	shalt  }
0x4e: {  	_ =	shalt  }
0x4f: {  	_ =	shalt  }
0x50: {  	_ =	shalt  }
0x51: {  	_ =	shalt  }
0x52: {  	_ =	shalt  }
0x53: {  	_ =	shalt  }
0x54: {  	_ =	shalt  }
0x55: {  	_ =	shalt  }
0x56: {  	_ =	shalt  }
0x57: {  	_ =	shalt  }
0x58: {  	_ =	shalt  }
0x59: {  	_ =	shalt  }
0x5a: {  	_ =	shalt  }
0x5b: {  	_ =	shalt  }
0x5c: {  	_ =	shalt  }
0x5d: {  	_ =	shalt  }
0x5e: {  	_ =	shalt  }
0x5f: {  	_ =	shalt  }
0x60: {  	_ =	shalt  }
0x61: {  	_ =	shalt  }
0x62: {  	_ =	shalt  }
0x63: {  	_ =	shalt  }
0x64: {  	_ =	shalt  }
0x65: {  	_ =	shalt  }
0x66: {  	_ =	shalt  }
0x67: {  	_ =	shalt  }
0x68: {  	_ =	shalt  }
0x69: {  	_ =	shalt  }
0x6a: {  	_ =	shalt  }
0x6b: {  	_ =	shalt  }
0x6c: {  	_ =	shalt  }
0x6d: {  	_ =	shalt  }
0x6e: {  	_ =	shalt  }
0x6f: {  	_ =	shalt  }
0x70: {  	_ =	shalt  }
0x71: {  	_ =	shalt  }
0x72: {  	_ =	shalt  }
0x73: {  	_ =	shalt  }
0x74: {  	_ =	shalt  }
0x75: {  	_ =	shalt  }
0x76: {  	_ =	shalt  }
0x77: {  	_ =	shalt  }
0x78: {  	_ =	shalt  }
0x79: {  	_ =	shalt  }
0x7a: {  	_ =	shalt  }
0x7b: {  	_ =	shalt  }
0x7c: {  	_ =	shalt  }
0x7d: {  	_ =	shalt  }
0x7e: {  	_ =	shalt  }
0x7f: {  	_ =	shalt  }
0x80: {  	_ =	shalt  }
0x81: {  	_ =	shalt  }
0x82: {  	_ =	shalt  }
0x83: {  	_ =	shalt  }
0x84: {  	_ =	shalt  }
0x85: {  	_ =	shalt  }
0x86: {  	_ =	shalt  }
0x87: {  	_ =	shalt  }
.Lfunc_end0:
.L_simem_size_0:
called_computation.1_lowered:
.L_overlay_start_0:
0x88: {  	s2 =	sld [smem:$0x3FD9]  }
0x89: {  	s3 =	sld [smem:$0x3FFE];
	_ =	sdelay $0x1  }
0x8a: {  	s1 =	srdreg.scid  }
0x8b: {  	s0 =	sand.u32 $0x1, s1  }
0x8c: {  	s17 =	sshll.u32 s0, $0xA;
	s2 =	sadd.s32 s3, s2  }
0x8d: {  	s2 =	sadd.s32 s2, s17  }
0x8e: {  	[smem:$0x3FC7] =	sst s2  }
0x8f: {  	_ = 	snop  }
0x90: {  	s2 =	sld [smem:$0x3FD0];
	(tm) =	ssettm $0x1  }
0x91: {  	s18 =	sld [smem:$0x3FFB];
	_ =	sdelay $0x3  }
0x92: {  	_ =	strace s18  }
0x93: {  	s3 =	sld [smem:$0x3FFC];
	_ =	sdelay $0x3  }
0x94: {  	_ =	strace s3  }
0x95: {  	s3 =	sld [smem:$0x3FFD];
	_ =	sdelay $0x3  }
0x96: {  	_ =	strace s3  }
0x97: {  	_ =	strace $0x8FFFFFFF  }
0x98: {  	s19 =	sld [smem:$0x3FDB];
	_ =	sdelay $0x1  }
0x99: {  	s4 =	simm.s32 $_scs_section_size  }
0x9a: {  	s5 =	simm.s32 $_size__tile_overlayer_lowered;
	s6 =	simm.s32 $_tile_overlayer_lowered  }
0x9b: {  	s22 =	simm.s32 $0x1BFF;
	s21 =	sshll.u32 s6, $0x1;
	s3 =	sadd.s32 s4, s19  }
0x9c: {  	s7 =	simm.s32 $0x0;
	s20 =	sshll.u32 s5, $0x1;
	s5 =	sadd.s32 s21, s3  }
0x9d: {  	[timem:s7], [sflag:s22] =	dma.local [hbm:s5], s20  }
0x9e: {  	_ =	swait.ge [sflag:s22], s20  }
0x9f: {  	s4 =	ssub.s32 $0x0, s20;
	[sflag:s22] =	ssyncset.done $0x0  }
0xa0: {  	[sflag:s22] =	ssyncadd.s32 s4;
	_ =	sdelay $0x1  }
0xa1: {  	s23 =	simm.s32 $0x1B8B  }
0xa2: {  	_ =	swait.ge [sflag:s23], $0x1  }
0xa3: {  	[sflag:s23] =	ssyncset.done $0x0  }
0xa4: {  	s25 =	simm.s32 $0x1B8E;
	s24 =	sld [smem:$0x3FFE];
	[sflag:s23] =	ssyncadd.s32 $0xFFFFFFFF  }
0xa5: {  	s26 =	simm.s32 $execute0_lowered;
	[smem:$0x3FD2] =	sst s25  }
0xa6: {  	s5 =	sshll.u32 s26, $0x1;
	_ =	strace $0x80000049;
	[dreg:$0x1] =	wrdreg $0xFFFFFFFF  }
0xa7: {  	s28 =	simm.s32 $_size_execute0_lowered;
	s3 =	sadd.s32 s3, s5;
	[dreg:$0x0] =	wrdreg $0x0  }
0xa8: {  	s5 =	sshll.u32 s28, $0x1;
	[dreg:$0x2] =	wrdreg s3  }
0xa9: {  	[dreg:$0x3] =	wrdreg s5  }
0xaa: {  	[dreg:$0x4] =	wrdreg $0xC0  }
0xab: {  	_ =	task [dreg:s7], $0x5FFFF  }
0xac: {  	[dreg:$0x1] =	wrdreg $0xFFFFFFFF  }
0xad: {  	[dreg:$0x0] =	wrdreg $0x60  }
0xae: {  	[dreg:$0x2] =	wrdreg s24  }
0xaf: {  	[dreg:$0x3] =	wrdreg s2  }
0xb0: {  	[dreg:$0x4] =	wrdreg $0x9  }
0xb1: {  	_ =	task.clear_ibuf [dreg:s7], $0x5FFFF;
	_ =	strace $0x90000049  }
0xb2: {  	s29 =	simm.s32 $0x9;
	_ =	strace $0x8000004B  }
0xb3: {  	_ =	swait.ge [sflag:s29], $0x1  }
0xb4: {  	[sflag:s29] =	ssyncadd.s32 $0xFFFFFFFF  }
0xb5: {  	_ =	strace $0x9000004B  }
0xb6: {  	_ =	sfence  }
0xb7: {  	s30 =	sld [smem:$0x0];
	_ =	sdelay $0x2  }
0xb8: {  	s31 =	sshll.u32 s1, $0xD;
	s1 =	sshrl.u32 s1, $0x2  }
0xb9: {  	s3 =	sand.u32 $0x4000, s31;
	s1 =	sadd.s32 s1, s30  }
0xba: {  	s0 =	sor.u32 s3, s0;
	s1 =	sshll.u32 s1, $0x11  }
0xbb: {  	s0 =	sor.u32 s1, s0  }
0xbc: {  	s0 =	sadd.s32 $0x8F2B, s0  }
0xbd: {  	[sflag:s0] =	ssyncadd.remote.s32 $0x1  }
0xbe: {  	_ =	sfence.sel $0xFFFF  }
0xbf: {  	[dreg:$0x0] =	wrdreg $0xFFFFFFFF;
	(pc) =	sbr.abs _section_cstart, $3  }
0xc0: {  	[dreg:$0x1] =	wrdreg $0xFFFFFFFF  }
0xc1: {  	_ =	task.clear_ibuf [dreg:s7], $0x2FFFF;
	_ =	strace $0x9FFFFFFF  }
0xc2: {  	(tm) =	ssettm $0x7FFFFFFF  }
0xc3: {  	_ =	shalt  }
tec
execute0_lowered:
.L_overlay_start_1:
0x0: {  	(tag) =	ssettag $0x1  }
0x1: {  	s8 =	rddreg [dreg:$0x0];
	s2 =	simm.s32 $0x0  }
0x2: {  	[smem:$0x7FF] =	sst s2;
	s1 =	sadd.s32 $0xC00, s8  }
0x3: {  	s6 =	sadd.s32 $0x800C00, s8;
	_ =	strace $0x8000004A;
	[dreg:$0x3] =	wrdreg s1  }
0x4: {  	s3 =	sadd.s32 $0x800E00, s8;
	[dreg:$0x4] =	wrdreg s6  }
0x5: {  	s11 =	sadd.s32 $0xD01, s8;
	[dreg:$0x5] =	wrdreg s3  }
0x6: {  	s12 =	sadd.s32 $0xE02, s8;
	[dreg:$0x7] =	wrdreg s11  }
0x7: {  	s13 =	sadd.s32 $0xF03, s8;
	[dreg:$0x8] =	wrdreg s12  }
0x8: {  	s14 =	sadd.s32 $0x1004, s8;
	[dreg:$0x9] =	wrdreg s13  }
0x9: {  	s15 =	sadd.s32 $0x1105, s8;
	[dreg:$0xa] =	wrdreg s14  }
0xa: {  	s0 =	srdreg.scid;
	s16 =	sadd.s32 $0x1206, s8;
	[dreg:$0xb] =	wrdreg s15  }
0xb: {  	s4 =	stileid.u32;
	s17 =	sadd.s32 $0x1307, s8;
	[dreg:$0xc] =	wrdreg s16  }
0xc: {  	s0 =	sand.u32 $0x1, s0;
	s18 =	sadd.s32 $0x1408, s8;
	[dreg:$0xd] =	wrdreg s17  }
0xd: {  	s10 =	sshll.u32 s4, $0x6;
	s19 =	sadd.s32 $0x1509, s8;
	[dreg:$0xe] =	wrdreg s18  }
0xe: {  	s20 =	sadd.s32 $0x160A, s8;
	s21 =	sadd.s32 $0x170B, s8;
	[dreg:$0xf] =	wrdreg s19  }
0xf: {  	s22 =	sadd.s32 $0x180C, s8;
	s23 =	sadd.s32 $0x190D, s8;
	[dreg:$0x10] =	wrdreg s20  }
0x10: {  	s24 =	sadd.s32 $0x1A0E, s8;
	s25 =	sadd.s32 $0x1B0F, s8;
	[dreg:$0x11] =	wrdreg s21  }
0x11: {  	s26 =	sadd.s32 $0x1C10, s8;
	s28 =	sadd.s32 $0x2014, s8;
	[dreg:$0x12] =	wrdreg s22  }
0x12: {  	s29 =	sadd.s32 $0x2115, s8;
	s30 =	sadd.s32 $0x2216, s8;
	[dreg:$0x13] =	wrdreg s23  }
0x13: {  	s31 =	sadd.s32 $0x2317, s8;
	s5 =	sadd.s32 $0x271B, s8;
	[dreg:$0x14] =	wrdreg s24  }
0x14: {  	s4 =	sadd.s32 $0x281C, s8;
	s7 =	ssub.s32 $0x2, s0;
	[dreg:$0x15] =	wrdreg s25  }
0x15: {  	s0 =	sshll.u32 s0, $0x5;
	[dreg:$0x16] =	wrdreg s26;
	s24 =	sadd.s32 $0x1D11, s8  }
0x16: {  	s25 =	sadd.s32 $0x1E12, s8;
	s26 =	sadd.s32 $0x1F13, s8;
	s3 =	sadd.s32 $0x2519, s8  }
.Ltmp0:
0x17: {  	s1 =	sadd.s32 $0x261A, s8;
	s6 =	sadd.s32 $0x291D, s8;
	(pc) =	sbr.rel .LBB2_1-.Ltmp0, $4  }
0x18: {  	s12 =	simm.s32 $0x0;
	s9 =	sshrl.u32 s7, $0x1;
	s0 =	sor.u32 s0, s10  }
0x19: {  	s10 =	simm.s32 $0x2;
	s9 =	ssub.s32 s7, s9;
	[dreg:$0x6] =	wrdreg s0  }
0x1a: {  	s0 =	sadd.s32 $0x2418, s8;
	s7 =	sadd.s32 $0x2A1E, s8;
	s9 =	smax.u32 s9, $0x1  }
0x1b: {  	s8 =	sadd.s32 $0x2B1F, s8;
	[dreg:$0x17] =	wrdreg s9;
	s9 =	simm.s32 $0x1  }
.LBB2_8:
0x1c: {  	s12 =	rddreg [dreg:$0x18]  }
0x1d: {  	s11 =	rddreg [dreg:$0x17];
	s12 =	sadd.s32 $0x1, s12  }
0x1e: {  	p0 =	sne.s32 s12, s11  }
.Ltmp1:
0x1f: {  	_ = 	snop;
	(pc) =	sbr.rel @!p0 .LBB2_9-.Ltmp1, $1  }
0x20: {  	_ =	sdelay $0x3  }
.LBB2_1:
0x21: {  	[dreg:$0x18] =	wrdreg s12  }
0x22: {  	s11 =	rddreg [dreg:$0x1];
	s21 =	simm.s32 $0x18088;
	s22 =	simm.s32 $0x3  }
0x23: {  	[tilespmem:s21], [sflag:$0x3] =	stream.linear.gather [hbm4b:s11+s2], $0x80, $0x38;
	[tilespmem:$0x18188] =	vst v63  }
0x24: {  	_ =	swait.ge [sflag:s22], $0x80  }
0x25: {  	s13 =	simm.s32 $0x18108;
	[sflag:s22] =	ssyncset.done $0x0  }
.Ltmp2:
0x26: {  	s23 =	rddreg [dreg:$0x4];
	[sflag:s22] =	ssyncadd.s32 $0xFFFFFF80;
	(pc) =	sbr.rel .LBB2_2-.Ltmp2, $4  }
0x27: {  	[tilespmem:s13], [sflag:$0x3] =	stream.linear.gather [hbm4b:s23+s2], $0x80, $0x38;
	[tilespmem:$0x18188] =	vst v63  }
0x28: {  	_ =	swait.ge [sflag:s22], $0x80  }
0x29: {  	[sflag:s22] =	ssyncset.done $0x0  }
0x2a: {  	s11 =	simm.s32 $0x0;
	[sflag:s22] =	ssyncadd.s32 $0xFFFFFF80  }
.LBB2_7:
0x2b: {  	v0 =	vld [tilespmem:$0x18088]  }
0x2c: {  	v1 =	vld [tilespmem:$0x18108];
	_ =	sdelay $0x4  }
0x2d: {  	v3 =	vld [tilespmem:$0x18098];
	v2 =	vand.u32 $0xFFFFFFF8, v1;
	v0 =	vshll.u32 v0, $0x8  }
0x2e: {  	v42 =	vld [tilespmem:$0x18118];
	v1 =	vand.u32 $0x7, v1;
	v0 =	vadd.s32 v0, v2  }
0x2f: {  	v0 =	vor.u32 v1, v0;
	_ =	sdelay $0x2  }
0x30: {  	v44 =	vld [tilespmem:$0x180A8]  }
0x31: {  	v45 =	vld [tilespmem:$0x18128];
	v43 =	vand.u32 $0xFFFFFFF8, v42;
	v3 =	vshll.u32 v3, $0x8  }
0x32: {  	v2 =	vand.u32 $0x7, v42;
	v1 =	vadd.s32 v3, v43;
	v0 =	vld.idx.msk [tilespmem:v0+s2+$0x0], $0xffff  }
0x33: {  	v1 =	vor.u32 v2, v1;
	_ =	sdelay $0x2  }
0x34: {  	v4 =	vld [tilespmem:$0x180B8]  }
0x35: {  	v47 =	vld [tilespmem:$0x18138];
	v46 =	vand.u32 $0xFFFFFFF8, v45;
	v2 =	vshll.u32 v44, $0x8;
	[tilespmem:$0x18008] =	vst v0  }
0x36: {  	v3 =	vand.u32 $0x7, v45;
	v0 =	vld.idx.msk [tilespmem:v1+s2+$0x0], $0xffff;
	v1 =	vadd.s32 v2, v46  }
0x37: {  	v1 =	vor.u32 v3, v1;
	_ =	sdelay $0x2  }
0x38: {  	v50 =	vld [tilespmem:$0x180C8]  }
0x39: {  	v51 =	vld [tilespmem:$0x18148];
	v48 =	vand.u32 $0xFFFFFFF8, v47;
	v49 =	vshll.u32 v4, $0x8;
	[tilespmem:$0x18018] =	vst v0  }
0x3a: {  	v2 =	vand.u32 $0x7, v47;
	v0 =	vadd.s32 v49, v48;
	v1 =	vld.idx.msk [tilespmem:v1+s2+$0x0], $0xffff  }
0x3b: {  	v0 =	vor.u32 v2, v0;
	_ =	sdelay $0x2  }
0x3c: {  	v53 =	vld [tilespmem:$0x180D8]  }
0x3d: {  	v54 =	vld [tilespmem:$0x18158];
	v52 =	vand.u32 $0xFFFFFFF8, v51;
	v2 =	vshll.u32 v50, $0x8;
	[tilespmem:$0x18028] =	vst v1  }
0x3e: {  	v3 =	vand.u32 $0x7, v51;
	v1 =	vadd.s32 v2, v52;
	v0 =	vld.idx.msk [tilespmem:v0+s2+$0x0], $0xffff  }
0x3f: {  	v1 =	vor.u32 v3, v1;
	_ =	sdelay $0x2  }
0x40: {  	v57 =	vld [tilespmem:$0x180E8]  }
0x41: {  	v58 =	vld [tilespmem:$0x18168];
	v55 =	vand.u32 $0xFFFFFFF8, v54;
	v56 =	vshll.u32 v53, $0x8;
	[tilespmem:$0x18038] =	vst v0  }
0x42: {  	v2 =	vand.u32 $0x7, v54;
	v0 =	vadd.s32 v56, v55;
	v1 =	vld.idx.msk [tilespmem:v1+s2+$0x0], $0xffff  }
0x43: {  	v0 =	vor.u32 v2, v0;
	_ =	sdelay $0x2  }
0x44: {  	v60 =	vld [tilespmem:$0x180F8]  }
0x45: {  	v61 =	vld [tilespmem:$0x18178];
	v59 =	vand.u32 $0xFFFFFFF8, v58;
	v2 =	vshll.u32 v57, $0x8;
	[tilespmem:$0x18048] =	vst v1  }
0x46: {  	v3 =	vand.u32 $0x7, v58;
	v1 =	vadd.s32 v2, v59;
	v0 =	vld.idx.msk [tilespmem:v0+s2+$0x0], $0xffff  }
0x47: {  	v1 =	vor.u32 v3, v1;
	_ =	sdelay $0x3  }
0x48: {  	v62 =	vand.u32 $0xFFFFFFF8, v61;
	v63 =	vshll.u32 v60, $0x8;
	[tilespmem:$0x18058] =	vst v0  }
0x49: {  	v2 =	vand.u32 $0x7, v61;
	v0 =	vadd.s32 v63, v62;
	v1 =	vld.idx.msk [tilespmem:v1+s2+$0x0], $0xffff  }
0x4a: {  	v0 =	vor.u32 v2, v0;
	_ =	sdelay $0x3  }
0x4b: {  	[tilespmem:$0x18068] =	vst v1  }
0x4c: {  	v0 =	vld.idx.msk [tilespmem:v0+s2+$0x0], $0xffff;
	_ =	sdelay $0x2  }
0x4d: {  	s12 =	smul.u32 $0x1010, s12;
	s11 =	sadd.s32 $0x1, s11  }
0x4e: {  	s13 =	rddreg [dreg:$0x5];
	p0 =	sne.s32 s11, $0x20  }
.Ltmp3:
0x4f: {  	s23 =	simm.s32 $0x10000;
	s12 =	sadd.s32 s13, s12;
	[tilespmem:$0x18078] =	vst v0;
	(pc) =	sbr.rel @!p0 .LBB2_8-.Ltmp3, $4  }
0x50: {  	[hbm4b:s12+s2] =	stream.linear.scatter [tilespmem:s23], [sflag:$0x2], $0x8080, $0x38;
	[tilespmem:$0x18188] =	vst v63  }
0x51: {  	_ =	swait.ge [sflag:s10], $0x8080  }
0x52: {  	[sflag:s10] =	ssyncset.done $0x0  }
0x53: {  	[sflag:s10] =	ssyncadd.s32 $0xFFFF7F80  }
.LBB2_2:
0x54: {  	s12 =	rddreg [dreg:$0x6]  }
0x55: {  	s12 =	sadd.s32 s12, s11  }
0x56: {  	s13 =	rddreg [dreg:$0x3];
	s14 =	sshll.u32 s12, $0xD  }
0x57: {  	s18 =	rddreg [dreg:$0x7];
	s15 =	sadd.s32 s13, s14;
	s13 =	simm.s32 $0x0  }
0x58: {  	[tilespmem:s13], [sflag:$0x1] =	stream.linear.gather [hbm4b:s15+s13], $0x800, $0x38;
	[tilespmem:$0x18188] =	vst v63  }
0x59: {  	s16 =	simm.s32 $0x808;
	s15 =	sadd.s32 s14, s18  }
0x5a: {  	[tilespmem:s16], [sflag:$0x1] =	stream.linear.gather [hbm4b:s15+s13], $0xF8, $0x38;
	[tilespmem:$0x18188] =	vst v63  }
0x5b: {  	s17 =	simm.s32 $0x908;
	s19 =	sadd.s32 $0x20, s15  }
0x5c: {  	[tilespmem:s17], [sflag:$0x1] =	stream.linear.gather [hbm4b:s19+s13], $0xF8, $0x38;
	[tilespmem:$0x18188] =	vst v63  }
0x5d: {  	s21 =	simm.s32 $0xA08;
	s20 =	sadd.s32 $0x40, s15  }
0x5e: {  	[tilespmem:s21], [sflag:$0x1] =	stream.linear.gather [hbm4b:s20+s13], $0xF8, $0x38;
	[tilespmem:$0x18188] =	vst v63  }
0x5f: {  	s23 =	simm.s32 $0xB08;
	s22 =	sadd.s32 $0x60, s15  }
0x60: {  	[tilespmem:s23], [sflag:$0x1] =	stream.linear.gather [hbm4b:s22+s13], $0xF8, $0x38;
	[tilespmem:$0x18188] =	vst v63  }
0x61: {  	s18 =	simm.s32 $0xC08;
	s17 =	sadd.s32 $0x80, s15  }
0x62: {  	[tilespmem:s18], [sflag:$0x1] =	stream.linear.gather [hbm4b:s17+s13], $0xF8, $0x38;
	[tilespmem:$0x18188] =	vst v63  }
0x63: {  	s19 =	sadd.s32 $0xA0, s15;
	s20 =	simm.s32 $0xD08  }
0x64: {  	[tilespmem:s20], [sflag:$0x1] =	stream.linear.gather [hbm4b:s19+s13], $0xF8, $0x38;
	[tilespmem:$0x18188] =	vst v63  }
0x65: {  	s21 =	sadd.s32 $0xC0, s15;
	s22 =	simm.s32 $0xE08  }
0x66: {  	[tilespmem:s22], [sflag:$0x1] =	stream.linear.gather [hbm4b:s21+s13], $0xF8, $0x38;
	[tilespmem:$0x18188] =	vst v63  }
0x67: {  	s16 =	rddreg [dreg:$0x8];
	s15 =	sadd.s32 $0xE0, s15;
	s23 =	simm.s32 $0xF08  }
0x68: {  	[tilespmem:s23], [sflag:$0x1] =	stream.linear.gather [hbm4b:s15+s13], $0xF8, $0x38;
	[tilespmem:$0x18188] =	vst v63  }
0x69: {  	s17 =	simm.s32 $0x1010;
	s15 =	sadd.s32 s14, s16  }
0x6a: {  	[tilespmem:s17], [sflag:$0x1] =	stream.linear.gather [hbm4b:s15+s13], $0xF0, $0x38;
	[tilespmem:$0x18188] =	vst v63  }
0x6b: {  	s19 =	simm.s32 $0x1110;
	s18 =	sadd.s32 $0x20, s15  }
0x6c: {  	[tilespmem:s19], [sflag:$0x1] =	stream.linear.gather [hbm4b:s18+s13], $0xF0, $0x38;
	[tilespmem:$0x18188] =	vst v63  }
0x6d: {  	s21 =	simm.s32 $0x1210;
	s20 =	sadd.s32 $0x40, s15  }
0x6e: {  	[tilespmem:s21], [sflag:$0x1] =	stream.linear.gather [hbm4b:s20+s13], $0xF0, $0x38;
	[tilespmem:$0x18188] =	vst v63  }
0x6f: {  	s23 =	simm.s32 $0x1310;
	s22 =	sadd.s32 $0x60, s15  }
0x70: {  	[tilespmem:s23], [sflag:$0x1] =	stream.linear.gather [hbm4b:s22+s13], $0xF0, $0x38;
	[tilespmem:$0x18188] =	vst v63  }
0x71: {  	s17 =	sadd.s32 $0x80, s15;
	s18 =	simm.s32 $0x1410  }
0x72: {  	[tilespmem:s18], [sflag:$0x1] =	stream.linear.gather [hbm4b:s17+s13], $0xF0, $0x38;
	[tilespmem:$0x18188] =	vst v63  }
0x73: {  	s19 =	sadd.s32 $0xA0, s15;
	s20 =	simm.s32 $0x1510  }
0x74: {  	[tilespmem:s20], [sflag:$0x1] =	stream.linear.gather [hbm4b:s19+s13], $0xF0, $0x38;
	[tilespmem:$0x18188] =	vst v63  }
0x75: {  	s21 =	sadd.s32 $0xC0, s15;
	s22 =	simm.s32 $0x1610  }
0x76: {  	[tilespmem:s22], [sflag:$0x1] =	stream.linear.gather [hbm4b:s21+s13], $0xF0, $0x38;
	[tilespmem:$0x18188] =	vst v63  }
0x77: {  	s16 =	rddreg [dreg:$0x9];
	s15 =	sadd.s32 $0xE0, s15;
	s23 =	simm.s32 $0x1710  }
0x78: {  	[tilespmem:s23], [sflag:$0x1] =	stream.linear.gather [hbm4b:s15+s13], $0xF0, $0x38;
	[tilespmem:$0x18188] =	vst v63  }
0x79: {  	s17 =	simm.s32 $0x1818;
	s15 =	sadd.s32 s14, s16  }
0x7a: {  	[tilespmem:s17], [sflag:$0x1] =	stream.linear.gather [hbm4b:s15+s13], $0xE8, $0x38;
	[tilespmem:$0x18188] =	vst v63  }
0x7b: {  	s19 =	simm.s32 $0x1918;
	s18 =	sadd.s32 $0x20, s15  }
0x7c: {  	[tilespmem:s19], [sflag:$0x1] =	stream.linear.gather [hbm4b:s18+s13], $0xE8, $0x38;
	[tilespmem:$0x18188] =	vst v63  }
0x7d: {  	s21 =	simm.s32 $0x1A18;
	s20 =	sadd.s32 $0x40, s15  }
0x7e: {  	[tilespmem:s21], [sflag:$0x1] =	stream.linear.gather [hbm4b:s20+s13], $0xE8, $0x38;
	[tilespmem:$0x18188] =	vst v63  }
0x7f: {  	s23 =	simm.s32 $0x1B18;
	s22 =	sadd.s32 $0x60, s15  }
0x80: {  	[tilespmem:s23], [sflag:$0x1] =	stream.linear.gather [hbm4b:s22+s13], $0xE8, $0x38;
	[tilespmem:$0x18188] =	vst v63  }
0x81: {  	s17 =	sadd.s32 $0x80, s15;
	s18 =	simm.s32 $0x1C18  }
0x82: {  	[tilespmem:s18], [sflag:$0x1] =	stream.linear.gather [hbm4b:s17+s13], $0xE8, $0x38;
	[tilespmem:$0x18188] =	vst v63  }
0x83: {  	s19 =	sadd.s32 $0xA0, s15;
	s20 =	simm.s32 $0x1D18  }
0x84: {  	[tilespmem:s20], [sflag:$0x1] =	stream.linear.gather [hbm4b:s19+s13], $0xE8, $0x38;
	[tilespmem:$0x18188] =	vst v63  }
0x85: {  	s21 =	sadd.s32 $0xC0, s15;
	s22 =	simm.s32 $0x1E18  }
0x86: {  	[tilespmem:s22], [sflag:$0x1] =	stream.linear.gather [hbm4b:s21+s13], $0xE8, $0x38;
	[tilespmem:$0x18188] =	vst v63  }
0x87: {  	s16 =	rddreg [dreg:$0xa];
	s15 =	sadd.s32 $0xE0, s15;
	s23 =	simm.s32 $0x1F18  }
0x88: {  	[tilespmem:s23], [sflag:$0x1] =	stream.linear.gather [hbm4b:s15+s13], $0xE8, $0x38;
	[tilespmem:$0x18188] =	vst v63  }
0x89: {  	s17 =	simm.s32 $0x2020;
	s15 =	sadd.s32 s14, s16  }
0x8a: {  	[tilespmem:s17], [sflag:$0x1] =	stream.linear.gather [hbm4b:s15+s13], $0xE0, $0x38;
	[tilespmem:$0x18188] =	vst v63  }
0x8b: {  	s19 =	simm.s32 $0x2120;
	s18 =	sadd.s32 $0x20, s15  }
0x8c: {  	[tilespmem:s19], [sflag:$0x1] =	stream.linear.gather [hbm4b:s18+s13], $0xE0, $0x38;
	[tilespmem:$0x18188] =	vst v63  }
0x8d: {  	s21 =	simm.s32 $0x2220;
	s20 =	sadd.s32 $0x40, s15  }
0x8e: {  	[tilespmem:s21], [sflag:$0x1] =	stream.linear.gather [hbm4b:s20+s13], $0xE0, $0x38;
	[tilespmem:$0x18188] =	vst v63  }
0x8f: {  	s23 =	simm.s32 $0x2320;
	s22 =	sadd.s32 $0x60, s15  }
0x90: {  	[tilespmem:s23], [sflag:$0x1] =	stream.linear.gather [hbm4b:s22+s13], $0xE0, $0x38;
	[tilespmem:$0x18188] =	vst v63  }
0x91: {  	s17 =	sadd.s32 $0x80, s15;
	s18 =	simm.s32 $0x2420  }
0x92: {  	[tilespmem:s18], [sflag:$0x1] =	stream.linear.gather [hbm4b:s17+s13], $0xE0, $0x38;
	[tilespmem:$0x18188] =	vst v63  }
0x93: {  	s19 =	sadd.s32 $0xA0, s15;
	s20 =	simm.s32 $0x2520  }
0x94: {  	[tilespmem:s20], [sflag:$0x1] =	stream.linear.gather [hbm4b:s19+s13], $0xE0, $0x38;
	[tilespmem:$0x18188] =	vst v63  }
0x95: {  	s21 =	sadd.s32 $0xC0, s15;
	s22 =	simm.s32 $0x2620  }
0x96: {  	[tilespmem:s22], [sflag:$0x1] =	stream.linear.gather [hbm4b:s21+s13], $0xE0, $0x38;
	[tilespmem:$0x18188] =	vst v63  }
0x97: {  	s16 =	rddreg [dreg:$0xb];
	s15 =	sadd.s32 $0xE0, s15;
	s23 =	simm.s32 $0x2720  }
0x98: {  	[tilespmem:s23], [sflag:$0x1] =	stream.linear.gather [hbm4b:s15+s13], $0xE0, $0x38;
	[tilespmem:$0x18188] =	vst v63  }
0x99: {  	s17 =	simm.s32 $0x2828;
	s15 =	sadd.s32 s14, s16  }
0x9a: {  	[tilespmem:s17], [sflag:$0x1] =	stream.linear.gather [hbm4b:s15+s13], $0xD8, $0x38;
	[tilespmem:$0x18188] =	vst v63  }
0x9b: {  	s19 =	simm.s32 $0x2928;
	s18 =	sadd.s32 $0x20, s15  }
0x9c: {  	[tilespmem:s19], [sflag:$0x1] =	stream.linear.gather [hbm4b:s18+s13], $0xD8, $0x38;
	[tilespmem:$0x18188] =	vst v63  }
0x9d: {  	s21 =	simm.s32 $0x2A28;
	s20 =	sadd.s32 $0x40, s15  }
0x9e: {  	[tilespmem:s21], [sflag:$0x1] =	stream.linear.gather [hbm4b:s20+s13], $0xD8, $0x38;
	[tilespmem:$0x18188] =	vst v63  }
0x9f: {  	s23 =	simm.s32 $0x2B28;
	s22 =	sadd.s32 $0x60, s15  }
0xa0: {  	[tilespmem:s23], [sflag:$0x1] =	stream.linear.gather [hbm4b:s22+s13], $0xD8, $0x38;
	[tilespmem:$0x18188] =	vst v63  }
0xa1: {  	s17 =	sadd.s32 $0x80, s15;
	s18 =	simm.s32 $0x2C28  }
0xa2: {  	[tilespmem:s18], [sflag:$0x1] =	stream.linear.gather [hbm4b:s17+s13], $0xD8, $0x38;
	[tilespmem:$0x18188] =	vst v63  }
0xa3: {  	s19 =	sadd.s32 $0xA0, s15;
	s20 =	simm.s32 $0x2D28  }
0xa4: {  	[tilespmem:s20], [sflag:$0x1] =	stream.linear.gather [hbm4b:s19+s13], $0xD8, $0x38;
	[tilespmem:$0x18188] =	vst v63  }
0xa5: {  	s21 =	sadd.s32 $0xC0, s15;
	s22 =	simm.s32 $0x2E28  }
0xa6: {  	[tilespmem:s22], [sflag:$0x1] =	stream.linear.gather [hbm4b:s21+s13], $0xD8, $0x38;
	[tilespmem:$0x18188] =	vst v63  }
0xa7: {  	s16 =	rddreg [dreg:$0xc];
	s15 =	sadd.s32 $0xE0, s15;
	s23 =	simm.s32 $0x2F28  }
0xa8: {  	[tilespmem:s23], [sflag:$0x1] =	stream.linear.gather [hbm4b:s15+s13], $0xD8, $0x38;
	[tilespmem:$0x18188] =	vst v63  }
0xa9: {  	s17 =	simm.s32 $0x3030;
	s15 =	sadd.s32 s14, s16  }
0xaa: {  	[tilespmem:s17], [sflag:$0x1] =	stream.linear.gather [hbm4b:s15+s13], $0xD0, $0x38;
	[tilespmem:$0x18188] =	vst v63  }
0xab: {  	s19 =	simm.s32 $0x3130;
	s18 =	sadd.s32 $0x20, s15  }
0xac: {  	[tilespmem:s19], [sflag:$0x1] =	stream.linear.gather [hbm4b:s18+s13], $0xD0, $0x38;
	[tilespmem:$0x18188] =	vst v63  }
0xad: {  	s21 =	simm.s32 $0x3230;
	s20 =	sadd.s32 $0x40, s15  }
0xae: {  	[tilespmem:s21], [sflag:$0x1] =	stream.linear.gather [hbm4b:s20+s13], $0xD0, $0x38;
	[tilespmem:$0x18188] =	vst v63  }
0xaf: {  	s23 =	simm.s32 $0x3330;
	s22 =	sadd.s32 $0x60, s15  }
0xb0: {  	[tilespmem:s23], [sflag:$0x1] =	stream.linear.gather [hbm4b:s22+s13], $0xD0, $0x38;
	[tilespmem:$0x18188] =	vst v63  }
0xb1: {  	s17 =	sadd.s32 $0x80, s15;
	s18 =	simm.s32 $0x3430  }
0xb2: {  	[tilespmem:s18], [sflag:$0x1] =	stream.linear.gather [hbm4b:s17+s13], $0xD0, $0x38;
	[tilespmem:$0x18188] =	vst v63  }
0xb3: {  	s19 =	sadd.s32 $0xA0, s15;
	s20 =	simm.s32 $0x3530  }
0xb4: {  	[tilespmem:s20], [sflag:$0x1] =	stream.linear.gather [hbm4b:s19+s13], $0xD0, $0x38;
	[tilespmem:$0x18188] =	vst v63  }
0xb5: {  	s21 =	sadd.s32 $0xC0, s15;
	s22 =	simm.s32 $0x3630  }
0xb6: {  	[tilespmem:s22], [sflag:$0x1] =	stream.linear.gather [hbm4b:s21+s13], $0xD0, $0x38;
	[tilespmem:$0x18188] =	vst v63  }
0xb7: {  	s16 =	rddreg [dreg:$0xd];
	s15 =	sadd.s32 $0xE0, s15;
	s23 =	simm.s32 $0x3730  }
0xb8: {  	[tilespmem:s23], [sflag:$0x1] =	stream.linear.gather [hbm4b:s15+s13], $0xD0, $0x38;
	[tilespmem:$0x18188] =	vst v63  }
0xb9: {  	s17 =	simm.s32 $0x3838;
	s15 =	sadd.s32 s14, s16  }
0xba: {  	[tilespmem:s17], [sflag:$0x1] =	stream.linear.gather [hbm4b:s15+s13], $0xC8, $0x38;
	[tilespmem:$0x18188] =	vst v63  }
0xbb: {  	s19 =	simm.s32 $0x3938;
	s18 =	sadd.s32 $0x20, s15  }
0xbc: {  	[tilespmem:s19], [sflag:$0x1] =	stream.linear.gather [hbm4b:s18+s13], $0xC8, $0x38;
	[tilespmem:$0x18188] =	vst v63  }
0xbd: {  	s21 =	simm.s32 $0x3A38;
	s20 =	sadd.s32 $0x40, s15  }
0xbe: {  	[tilespmem:s21], [sflag:$0x1] =	stream.linear.gather [hbm4b:s20+s13], $0xC8, $0x38;
	[tilespmem:$0x18188] =	vst v63  }
0xbf: {  	s23 =	simm.s32 $0x3B38;
	s22 =	sadd.s32 $0x60, s15  }
0xc0: {  	[tilespmem:s23], [sflag:$0x1] =	stream.linear.gather [hbm4b:s22+s13], $0xC8, $0x38;
	[tilespmem:$0x18188] =	vst v63  }
0xc1: {  	s17 =	sadd.s32 $0x80, s15;
	s18 =	simm.s32 $0x3C38  }
0xc2: {  	[tilespmem:s18], [sflag:$0x1] =	stream.linear.gather [hbm4b:s17+s13], $0xC8, $0x38;
	[tilespmem:$0x18188] =	vst v63  }
0xc3: {  	s19 =	sadd.s32 $0xA0, s15;
	s20 =	simm.s32 $0x3D38  }
0xc4: {  	[tilespmem:s20], [sflag:$0x1] =	stream.linear.gather [hbm4b:s19+s13], $0xC8, $0x38;
	[tilespmem:$0x18188] =	vst v63  }
0xc5: {  	s21 =	sadd.s32 $0xC0, s15;
	s22 =	simm.s32 $0x3E38  }
0xc6: {  	[tilespmem:s22], [sflag:$0x1] =	stream.linear.gather [hbm4b:s21+s13], $0xC8, $0x38;
	[tilespmem:$0x18188] =	vst v63  }
0xc7: {  	s16 =	rddreg [dreg:$0xe];
	s15 =	sadd.s32 $0xE0, s15;
	s23 =	simm.s32 $0x3F38  }
0xc8: {  	[tilespmem:s23], [sflag:$0x1] =	stream.linear.gather [hbm4b:s15+s13], $0xC8, $0x38;
	[tilespmem:$0x18188] =	vst v63  }
0xc9: {  	s17 =	simm.s32 $0x4040;
	s15 =	sadd.s32 s14, s16  }
0xca: {  	[tilespmem:s17], [sflag:$0x1] =	stream.linear.gather [hbm4b:s15+s13], $0xC0, $0x38;
	[tilespmem:$0x18188] =	vst v63  }
0xcb: {  	s19 =	simm.s32 $0x4140;
	s18 =	sadd.s32 $0x20, s15  }
0xcc: {  	[tilespmem:s19], [sflag:$0x1] =	stream.linear.gather [hbm4b:s18+s13], $0xC0, $0x38;
	[tilespmem:$0x18188] =	vst v63  }
0xcd: {  	s21 =	simm.s32 $0x4240;
	s20 =	sadd.s32 $0x40, s15  }
0xce: {  	[tilespmem:s21], [sflag:$0x1] =	stream.linear.gather [hbm4b:s20+s13], $0xC0, $0x38;
	[tilespmem:$0x18188] =	vst v63  }
0xcf: {  	s23 =	simm.s32 $0x4340;
	s22 =	sadd.s32 $0x60, s15  }
0xd0: {  	[tilespmem:s23], [sflag:$0x1] =	stream.linear.gather [hbm4b:s22+s13], $0xC0, $0x38;
	[tilespmem:$0x18188] =	vst v63  }
0xd1: {  	s17 =	sadd.s32 $0x80, s15;
	s18 =	simm.s32 $0x4440  }
0xd2: {  	[tilespmem:s18], [sflag:$0x1] =	stream.linear.gather [hbm4b:s17+s13], $0xC0, $0x38;
	[tilespmem:$0x18188] =	vst v63  }
0xd3: {  	s19 =	sadd.s32 $0xA0, s15;
	s20 =	simm.s32 $0x4540  }
0xd4: {  	[tilespmem:s20], [sflag:$0x1] =	stream.linear.gather [hbm4b:s19+s13], $0xC0, $0x38;
	[tilespmem:$0x18188] =	vst v63  }
0xd5: {  	s21 =	sadd.s32 $0xC0, s15;
	s22 =	simm.s32 $0x4640  }
0xd6: {  	[tilespmem:s22], [sflag:$0x1] =	stream.linear.gather [hbm4b:s21+s13], $0xC0, $0x38;
	[tilespmem:$0x18188] =	vst v63  }
0xd7: {  	s16 =	rddreg [dreg:$0xf];
	s15 =	sadd.s32 $0xE0, s15;
	s23 =	simm.s32 $0x4740  }
0xd8: {  	[tilespmem:s23], [sflag:$0x1] =	stream.linear.gather [hbm4b:s15+s13], $0xC0, $0x38;
	[tilespmem:$0x18188] =	vst v63  }
0xd9: {  	s17 =	simm.s32 $0x4848;
	s15 =	sadd.s32 s14, s16  }
0xda: {  	[tilespmem:s17], [sflag:$0x1] =	stream.linear.gather [hbm4b:s15+s13], $0xB8, $0x38;
	[tilespmem:$0x18188] =	vst v63  }
0xdb: {  	s19 =	simm.s32 $0x4948;
	s18 =	sadd.s32 $0x20, s15  }
0xdc: {  	[tilespmem:s19], [sflag:$0x1] =	stream.linear.gather [hbm4b:s18+s13], $0xB8, $0x38;
	[tilespmem:$0x18188] =	vst v63  }
0xdd: {  	s21 =	simm.s32 $0x4A48;
	s20 =	sadd.s32 $0x40, s15  }
0xde: {  	[tilespmem:s21], [sflag:$0x1] =	stream.linear.gather [hbm4b:s20+s13], $0xB8, $0x38;
	[tilespmem:$0x18188] =	vst v63  }
0xdf: {  	s23 =	simm.s32 $0x4B48;
	s22 =	sadd.s32 $0x60, s15  }
0xe0: {  	[tilespmem:s23], [sflag:$0x1] =	stream.linear.gather [hbm4b:s22+s13], $0xB8, $0x38;
	[tilespmem:$0x18188] =	vst v63  }
0xe1: {  	s17 =	sadd.s32 $0x80, s15;
	s18 =	simm.s32 $0x4C48  }
0xe2: {  	[tilespmem:s18], [sflag:$0x1] =	stream.linear.gather [hbm4b:s17+s13], $0xB8, $0x38;
	[tilespmem:$0x18188] =	vst v63  }
0xe3: {  	s19 =	sadd.s32 $0xA0, s15;
	s20 =	simm.s32 $0x4D48  }
0xe4: {  	[tilespmem:s20], [sflag:$0x1] =	stream.linear.gather [hbm4b:s19+s13], $0xB8, $0x38;
	[tilespmem:$0x18188] =	vst v63  }
0xe5: {  	s21 =	sadd.s32 $0xC0, s15;
	s22 =	simm.s32 $0x4E48  }
0xe6: {  	[tilespmem:s22], [sflag:$0x1] =	stream.linear.gather [hbm4b:s21+s13], $0xB8, $0x38;
	[tilespmem:$0x18188] =	vst v63  }
0xe7: {  	s16 =	rddreg [dreg:$0x10];
	s15 =	sadd.s32 $0xE0, s15;
	s23 =	simm.s32 $0x4F48  }
0xe8: {  	[tilespmem:s23], [sflag:$0x1] =	stream.linear.gather [hbm4b:s15+s13], $0xB8, $0x38;
	[tilespmem:$0x18188] =	vst v63  }
0xe9: {  	s17 =	simm.s32 $0x5050;
	s15 =	sadd.s32 s14, s16  }
0xea: {  	[tilespmem:s17], [sflag:$0x1] =	stream.linear.gather [hbm4b:s15+s13], $0xB0, $0x38;
	[tilespmem:$0x18188] =	vst v63  }
0xeb: {  	s19 =	simm.s32 $0x5150;
	s18 =	sadd.s32 $0x20, s15  }
0xec: {  	[tilespmem:s19], [sflag:$0x1] =	stream.linear.gather [hbm4b:s18+s13], $0xB0, $0x38;
	[tilespmem:$0x18188] =	vst v63  }
0xed: {  	s21 =	simm.s32 $0x5250;
	s20 =	sadd.s32 $0x40, s15  }
0xee: {  	[tilespmem:s21], [sflag:$0x1] =	stream.linear.gather [hbm4b:s20+s13], $0xB0, $0x38;
	[tilespmem:$0x18188] =	vst v63  }
0xef: {  	s23 =	simm.s32 $0x5350;
	s22 =	sadd.s32 $0x60, s15  }
0xf0: {  	[tilespmem:s23], [sflag:$0x1] =	stream.linear.gather [hbm4b:s22+s13], $0xB0, $0x38;
	[tilespmem:$0x18188] =	vst v63  }
0xf1: {  	s17 =	sadd.s32 $0x80, s15;
	s18 =	simm.s32 $0x5450  }
0xf2: {  	[tilespmem:s18], [sflag:$0x1] =	stream.linear.gather [hbm4b:s17+s13], $0xB0, $0x38;
	[tilespmem:$0x18188] =	vst v63  }
0xf3: {  	s19 =	sadd.s32 $0xA0, s15;
	s20 =	simm.s32 $0x5550  }
0xf4: {  	[tilespmem:s20], [sflag:$0x1] =	stream.linear.gather [hbm4b:s19+s13], $0xB0, $0x38;
	[tilespmem:$0x18188] =	vst v63  }
0xf5: {  	s21 =	sadd.s32 $0xC0, s15;
	s22 =	simm.s32 $0x5650  }
0xf6: {  	[tilespmem:s22], [sflag:$0x1] =	stream.linear.gather [hbm4b:s21+s13], $0xB0, $0x38;
	[tilespmem:$0x18188] =	vst v63  }
0xf7: {  	s16 =	rddreg [dreg:$0x11];
	s15 =	sadd.s32 $0xE0, s15;
	s23 =	simm.s32 $0x5750  }
0xf8: {  	[tilespmem:s23], [sflag:$0x1] =	stream.linear.gather [hbm4b:s15+s13], $0xB0, $0x38;
	[tilespmem:$0x18188] =	vst v63  }
0xf9: {  	s17 =	simm.s32 $0x5858;
	s15 =	sadd.s32 s14, s16  }
0xfa: {  	[tilespmem:s17], [sflag:$0x1] =	stream.linear.gather [hbm4b:s15+s13], $0xA8, $0x38;
	[tilespmem:$0x18188] =	vst v63  }
0xfb: {  	s19 =	simm.s32 $0x5958;
	s18 =	sadd.s32 $0x20, s15  }
0xfc: {  	[tilespmem:s19], [sflag:$0x1] =	stream.linear.gather [hbm4b:s18+s13], $0xA8, $0x38;
	[tilespmem:$0x18188] =	vst v63  }
0xfd: {  	s21 =	simm.s32 $0x5A58;
	s20 =	sadd.s32 $0x40, s15  }
0xfe: {  	[tilespmem:s21], [sflag:$0x1] =	stream.linear.gather [hbm4b:s20+s13], $0xA8, $0x38;
	[tilespmem:$0x18188] =	vst v63  }
0xff: {  	s23 =	simm.s32 $0x5B58;
	s22 =	sadd.s32 $0x60, s15  }
0x100: {  	[tilespmem:s23], [sflag:$0x1] =	stream.linear.gather [hbm4b:s22+s13], $0xA8, $0x38;
	[tilespmem:$0x18188] =	vst v63  }
0x101: {  	s17 =	sadd.s32 $0x80, s15;
	s18 =	simm.s32 $0x5C58  }
0x102: {  	[tilespmem:s18], [sflag:$0x1] =	stream.linear.gather [hbm4b:s17+s13], $0xA8, $0x38;
	[tilespmem:$0x18188] =	vst v63  }
0x103: {  	s19 =	sadd.s32 $0xA0, s15;
	s20 =	simm.s32 $0x5D58  }
0x104: {  	[tilespmem:s20], [sflag:$0x1] =	stream.linear.gather [hbm4b:s19+s13], $0xA8, $0x38;
	[tilespmem:$0x18188] =	vst v63  }
0x105: {  	s21 =	sadd.s32 $0xC0, s15;
	s22 =	simm.s32 $0x5E58  }
0x106: {  	[tilespmem:s22], [sflag:$0x1] =	stream.linear.gather [hbm4b:s21+s13], $0xA8, $0x38;
	[tilespmem:$0x18188] =	vst v63  }
0x107: {  	s16 =	rddreg [dreg:$0x12];
	s15 =	sadd.s32 $0xE0, s15;
	s23 =	simm.s32 $0x5F58  }
0x108: {  	[tilespmem:s23], [sflag:$0x1] =	stream.linear.gather [hbm4b:s15+s13], $0xA8, $0x38;
	[tilespmem:$0x18188] =	vst v63  }
0x109: {  	s17 =	simm.s32 $0x6060;
	s15 =	sadd.s32 s14, s16  }
0x10a: {  	[tilespmem:s17], [sflag:$0x1] =	stream.linear.gather [hbm4b:s15+s13], $0xA0, $0x38;
	[tilespmem:$0x18188] =	vst v63  }
0x10b: {  	s19 =	simm.s32 $0x6160;
	s18 =	sadd.s32 $0x20, s15  }
0x10c: {  	[tilespmem:s19], [sflag:$0x1] =	stream.linear.gather [hbm4b:s18+s13], $0xA0, $0x38;
	[tilespmem:$0x18188] =	vst v63  }
0x10d: {  	s21 =	simm.s32 $0x6260;
	s20 =	sadd.s32 $0x40, s15  }
0x10e: {  	[tilespmem:s21], [sflag:$0x1] =	stream.linear.gather [hbm4b:s20+s13], $0xA0, $0x38;
	[tilespmem:$0x18188] =	vst v63  }
0x10f: {  	s23 =	simm.s32 $0x6360;
	s22 =	sadd.s32 $0x60, s15  }
0x110: {  	[tilespmem:s23], [sflag:$0x1] =	stream.linear.gather [hbm4b:s22+s13], $0xA0, $0x38;
	[tilespmem:$0x18188] =	vst v63  }
0x111: {  	s17 =	sadd.s32 $0x80, s15;
	s18 =	simm.s32 $0x6460  }
0x112: {  	[tilespmem:s18], [sflag:$0x1] =	stream.linear.gather [hbm4b:s17+s13], $0xA0, $0x38;
	[tilespmem:$0x18188] =	vst v63  }
0x113: {  	s19 =	sadd.s32 $0xA0, s15;
	s20 =	simm.s32 $0x6560  }
0x114: {  	[tilespmem:s20], [sflag:$0x1] =	stream.linear.gather [hbm4b:s19+s13], $0xA0, $0x38;
	[tilespmem:$0x18188] =	vst v63  }
0x115: {  	s21 =	sadd.s32 $0xC0, s15;
	s22 =	simm.s32 $0x6660  }
0x116: {  	[tilespmem:s22], [sflag:$0x1] =	stream.linear.gather [hbm4b:s21+s13], $0xA0, $0x38;
	[tilespmem:$0x18188] =	vst v63  }
0x117: {  	s16 =	rddreg [dreg:$0x13];
	s15 =	sadd.s32 $0xE0, s15;
	s23 =	simm.s32 $0x6760  }
0x118: {  	[tilespmem:s23], [sflag:$0x1] =	stream.linear.gather [hbm4b:s15+s13], $0xA0, $0x38;
	[tilespmem:$0x18188] =	vst v63  }
0x119: {  	s17 =	simm.s32 $0x6868;
	s15 =	sadd.s32 s14, s16  }
0x11a: {  	[tilespmem:s17], [sflag:$0x1] =	stream.linear.gather [hbm4b:s15+s13], $0x98, $0x38;
	[tilespmem:$0x18188] =	vst v63  }
0x11b: {  	s19 =	simm.s32 $0x6968;
	s18 =	sadd.s32 $0x20, s15  }
0x11c: {  	[tilespmem:s19], [sflag:$0x1] =	stream.linear.gather [hbm4b:s18+s13], $0x98, $0x38;
	[tilespmem:$0x18188] =	vst v63  }
0x11d: {  	s21 =	simm.s32 $0x6A68;
	s20 =	sadd.s32 $0x40, s15  }
0x11e: {  	[tilespmem:s21], [sflag:$0x1] =	stream.linear.gather [hbm4b:s20+s13], $0x98, $0x38;
	[tilespmem:$0x18188] =	vst v63  }
0x11f: {  	s23 =	simm.s32 $0x6B68;
	s22 =	sadd.s32 $0x60, s15  }
0x120: {  	[tilespmem:s23], [sflag:$0x1] =	stream.linear.gather [hbm4b:s22+s13], $0x98, $0x38;
	[tilespmem:$0x18188] =	vst v63  }
0x121: {  	s17 =	sadd.s32 $0x80, s15;
	s18 =	simm.s32 $0x6C68  }
0x122: {  	[tilespmem:s18], [sflag:$0x1] =	stream.linear.gather [hbm4b:s17+s13], $0x98, $0x38;
	[tilespmem:$0x18188] =	vst v63  }
0x123: {  	s19 =	sadd.s32 $0xA0, s15;
	s20 =	simm.s32 $0x6D68  }
0x124: {  	[tilespmem:s20], [sflag:$0x1] =	stream.linear.gather [hbm4b:s19+s13], $0x98, $0x38;
	[tilespmem:$0x18188] =	vst v63  }
0x125: {  	s21 =	sadd.s32 $0xC0, s15;
	s22 =	simm.s32 $0x6E68  }
0x126: {  	[tilespmem:s22], [sflag:$0x1] =	stream.linear.gather [hbm4b:s21+s13], $0x98, $0x38;
	[tilespmem:$0x18188] =	vst v63  }
0x127: {  	s16 =	rddreg [dreg:$0x14];
	s15 =	sadd.s32 $0xE0, s15;
	s23 =	simm.s32 $0x6F68  }
0x128: {  	[tilespmem:s23], [sflag:$0x1] =	stream.linear.gather [hbm4b:s15+s13], $0x98, $0x38;
	[tilespmem:$0x18188] =	vst v63  }
0x129: {  	s17 =	simm.s32 $0x7070;
	s15 =	sadd.s32 s14, s16  }
0x12a: {  	[tilespmem:s17], [sflag:$0x1] =	stream.linear.gather [hbm4b:s15+s13], $0x90, $0x38;
	[tilespmem:$0x18188] =	vst v63  }
0x12b: {  	s19 =	simm.s32 $0x7170;
	s18 =	sadd.s32 $0x20, s15  }
0x12c: {  	[tilespmem:s19], [sflag:$0x1] =	stream.linear.gather [hbm4b:s18+s13], $0x90, $0x38;
	[tilespmem:$0x18188] =	vst v63  }
0x12d: {  	s21 =	simm.s32 $0x7270;
	s20 =	sadd.s32 $0x40, s15  }
0x12e: {  	[tilespmem:s21], [sflag:$0x1] =	stream.linear.gather [hbm4b:s20+s13], $0x90, $0x38;
	[tilespmem:$0x18188] =	vst v63  }
0x12f: {  	s23 =	simm.s32 $0x7370;
	s22 =	sadd.s32 $0x60, s15  }
0x130: {  	[tilespmem:s23], [sflag:$0x1] =	stream.linear.gather [hbm4b:s22+s13], $0x90, $0x38;
	[tilespmem:$0x18188] =	vst v63  }
0x131: {  	s17 =	sadd.s32 $0x80, s15;
	s18 =	simm.s32 $0x7470  }
0x132: {  	[tilespmem:s18], [sflag:$0x1] =	stream.linear.gather [hbm4b:s17+s13], $0x90, $0x38;
	[tilespmem:$0x18188] =	vst v63  }
0x133: {  	s19 =	sadd.s32 $0xA0, s15;
	s20 =	simm.s32 $0x7570  }
0x134: {  	[tilespmem:s20], [sflag:$0x1] =	stream.linear.gather [hbm4b:s19+s13], $0x90, $0x38;
	[tilespmem:$0x18188] =	vst v63  }
0x135: {  	s21 =	sadd.s32 $0xC0, s15;
	s22 =	simm.s32 $0x7670  }
0x136: {  	[tilespmem:s22], [sflag:$0x1] =	stream.linear.gather [hbm4b:s21+s13], $0x90, $0x38;
	[tilespmem:$0x18188] =	vst v63  }
0x137: {  	s16 =	rddreg [dreg:$0x15];
	s15 =	sadd.s32 $0xE0, s15;
	s23 =	simm.s32 $0x7770  }
0x138: {  	[tilespmem:s23], [sflag:$0x1] =	stream.linear.gather [hbm4b:s15+s13], $0x90, $0x38;
	[tilespmem:$0x18188] =	vst v63  }
0x139: {  	s17 =	simm.s32 $0x7878;
	s15 =	sadd.s32 s14, s16  }
0x13a: {  	[tilespmem:s17], [sflag:$0x1] =	stream.linear.gather [hbm4b:s15+s13], $0x88, $0x38;
	[tilespmem:$0x18188] =	vst v63  }
0x13b: {  	s19 =	simm.s32 $0x7978;
	s18 =	sadd.s32 $0x20, s15  }
0x13c: {  	[tilespmem:s19], [sflag:$0x1] =	stream.linear.gather [hbm4b:s18+s13], $0x88, $0x38;
	[tilespmem:$0x18188] =	vst v63  }
0x13d: {  	s21 =	simm.s32 $0x7A78;
	s20 =	sadd.s32 $0x40, s15  }
0x13e: {  	[tilespmem:s21], [sflag:$0x1] =	stream.linear.gather [hbm4b:s20+s13], $0x88, $0x38;
	[tilespmem:$0x18188] =	vst v63  }
0x13f: {  	s23 =	simm.s32 $0x7B78;
	s22 =	sadd.s32 $0x60, s15  }
0x140: {  	[tilespmem:s23], [sflag:$0x1] =	stream.linear.gather [hbm4b:s22+s13], $0x88, $0x38;
	[tilespmem:$0x18188] =	vst v63  }
0x141: {  	s17 =	sadd.s32 $0x80, s15;
	s18 =	simm.s32 $0x7C78  }
0x142: {  	[tilespmem:s18], [sflag:$0x1] =	stream.linear.gather [hbm4b:s17+s13], $0x88, $0x38;
	[tilespmem:$0x18188] =	vst v63  }
0x143: {  	s19 =	sadd.s32 $0xA0, s15;
	s20 =	simm.s32 $0x7D78  }
0x144: {  	[tilespmem:s20], [sflag:$0x1] =	stream.linear.gather [hbm4b:s19+s13], $0x88, $0x38;
	[tilespmem:$0x18188] =	vst v63  }
0x145: {  	s21 =	sadd.s32 $0xC0, s15;
	s22 =	simm.s32 $0x7E78  }
0x146: {  	[tilespmem:s22], [sflag:$0x1] =	stream.linear.gather [hbm4b:s21+s13], $0x88, $0x38;
	[tilespmem:$0x18188] =	vst v63  }
0x147: {  	s16 =	rddreg [dreg:$0x16];
	s15 =	sadd.s32 $0xE0, s15;
	s23 =	simm.s32 $0x7F78  }
0x148: {  	[tilespmem:s23], [sflag:$0x1] =	stream.linear.gather [hbm4b:s15+s13], $0x88, $0x38;
	[tilespmem:$0x18188] =	vst v63  }
0x149: {  	s17 =	simm.s32 $0x8080;
	s15 =	sadd.s32 s14, s16  }
0x14a: {  	[tilespmem:s17], [sflag:$0x1] =	stream.linear.gather [hbm4b:s15+s13], $0x80, $0x38;
	[tilespmem:$0x18188] =	vst v63  }
0x14b: {  	s19 =	simm.s32 $0x8180;
	s18 =	sadd.s32 $0x20, s15  }
0x14c: {  	[tilespmem:s19], [sflag:$0x1] =	stream.linear.gather [hbm4b:s18+s13], $0x80, $0x38;
	[tilespmem:$0x18188] =	vst v63  }
0x14d: {  	s21 =	simm.s32 $0x8280;
	s20 =	sadd.s32 $0x40, s15  }
0x14e: {  	[tilespmem:s21], [sflag:$0x1] =	stream.linear.gather [hbm4b:s20+s13], $0x80, $0x38;
	[tilespmem:$0x18188] =	vst v63  }
0x14f: {  	s23 =	simm.s32 $0x8380;
	s22 =	sadd.s32 $0x60, s15  }
0x150: {  	[tilespmem:s23], [sflag:$0x1] =	stream.linear.gather [hbm4b:s22+s13], $0x80, $0x38;
	[tilespmem:$0x18188] =	vst v63  }
0x151: {  	s17 =	sadd.s32 $0x80, s15;
	s18 =	simm.s32 $0x8480  }
0x152: {  	[tilespmem:s18], [sflag:$0x1] =	stream.linear.gather [hbm4b:s17+s13], $0x80, $0x38;
	[tilespmem:$0x18188] =	vst v63  }
0x153: {  	s19 =	sadd.s32 $0xA0, s15;
	s20 =	simm.s32 $0x8580  }
0x154: {  	[tilespmem:s20], [sflag:$0x1] =	stream.linear.gather [hbm4b:s19+s13], $0x80, $0x38;
	[tilespmem:$0x18188] =	vst v63  }
0x155: {  	s21 =	sadd.s32 $0xC0, s15;
	s22 =	simm.s32 $0x8680  }
0x156: {  	[tilespmem:s22], [sflag:$0x1] =	stream.linear.gather [hbm4b:s21+s13], $0x80, $0x38;
	[tilespmem:$0x18188] =	vst v63  }
0x157: {  	s15 =	sadd.s32 $0xE0, s15;
	s23 =	simm.s32 $0x8780  }
0x158: {  	[tilespmem:s23], [sflag:$0x1] =	stream.linear.gather [hbm4b:s15+s13], $0x80, $0x38;
	[tilespmem:$0x18188] =	vst v63  }
0x159: {  	s17 =	simm.s32 $0x8888;
	s15 =	sadd.s32 s14, s24  }
0x15a: {  	[tilespmem:s17], [sflag:$0x1] =	stream.linear.gather [hbm4b:s15+s13], $0x78, $0x38;
	[tilespmem:$0x18188] =	vst v63  }
0x15b: {  	s19 =	simm.s32 $0x8988;
	s18 =	sadd.s32 $0x20, s15  }
0x15c: {  	[tilespmem:s19], [sflag:$0x1] =	stream.linear.gather [hbm4b:s18+s13], $0x78, $0x38;
	[tilespmem:$0x18188] =	vst v63  }
0x15d: {  	s21 =	simm.s32 $0x8A88;
	s20 =	sadd.s32 $0x40, s15  }
0x15e: {  	[tilespmem:s21], [sflag:$0x1] =	stream.linear.gather [hbm4b:s20+s13], $0x78, $0x38;
	[tilespmem:$0x18188] =	vst v63  }
0x15f: {  	s23 =	simm.s32 $0x8B88;
	s22 =	sadd.s32 $0x60, s15  }
0x160: {  	[tilespmem:s23], [sflag:$0x1] =	stream.linear.gather [hbm4b:s22+s13], $0x78, $0x38;
	[tilespmem:$0x18188] =	vst v63  }
0x161: {  	s17 =	sadd.s32 $0x80, s15;
	s18 =	simm.s32 $0x8C88  }
0x162: {  	[tilespmem:s18], [sflag:$0x1] =	stream.linear.gather [hbm4b:s17+s13], $0x78, $0x38;
	[tilespmem:$0x18188] =	vst v63  }
0x163: {  	s19 =	sadd.s32 $0xA0, s15;
	s20 =	simm.s32 $0x8D88  }
0x164: {  	[tilespmem:s20], [sflag:$0x1] =	stream.linear.gather [hbm4b:s19+s13], $0x78, $0x38;
	[tilespmem:$0x18188] =	vst v63  }
0x165: {  	s21 =	sadd.s32 $0xC0, s15;
	s22 =	simm.s32 $0x8E88  }
0x166: {  	[tilespmem:s22], [sflag:$0x1] =	stream.linear.gather [hbm4b:s21+s13], $0x78, $0x38;
	[tilespmem:$0x18188] =	vst v63  }
0x167: {  	s15 =	sadd.s32 $0xE0, s15;
	s23 =	simm.s32 $0x8F88  }
0x168: {  	[tilespmem:s23], [sflag:$0x1] =	stream.linear.gather [hbm4b:s15+s13], $0x78, $0x38;
	[tilespmem:$0x18188] =	vst v63  }
0x169: {  	s17 =	simm.s32 $0x9090;
	s15 =	sadd.s32 s14, s25  }
0x16a: {  	[tilespmem:s17], [sflag:$0x1] =	stream.linear.gather [hbm4b:s15+s13], $0x70, $0x38;
	[tilespmem:$0x18188] =	vst v63  }
0x16b: {  	s19 =	simm.s32 $0x9190;
	s18 =	sadd.s32 $0x20, s15  }
0x16c: {  	[tilespmem:s19], [sflag:$0x1] =	stream.linear.gather [hbm4b:s18+s13], $0x70, $0x38;
	[tilespmem:$0x18188] =	vst v63  }
0x16d: {  	s21 =	simm.s32 $0x9290;
	s20 =	sadd.s32 $0x40, s15  }
0x16e: {  	[tilespmem:s21], [sflag:$0x1] =	stream.linear.gather [hbm4b:s20+s13], $0x70, $0x38;
	[tilespmem:$0x18188] =	vst v63  }
0x16f: {  	s23 =	simm.s32 $0x9390;
	s22 =	sadd.s32 $0x60, s15  }
0x170: {  	[tilespmem:s23], [sflag:$0x1] =	stream.linear.gather [hbm4b:s22+s13], $0x70, $0x38;
	[tilespmem:$0x18188] =	vst v63  }
0x171: {  	s17 =	sadd.s32 $0x80, s15;
	s18 =	simm.s32 $0x9490  }
0x172: {  	[tilespmem:s18], [sflag:$0x1] =	stream.linear.gather [hbm4b:s17+s13], $0x70, $0x38;
	[tilespmem:$0x18188] =	vst v63  }
0x173: {  	s19 =	sadd.s32 $0xA0, s15;
	s20 =	simm.s32 $0x9590  }
0x174: {  	[tilespmem:s20], [sflag:$0x1] =	stream.linear.gather [hbm4b:s19+s13], $0x70, $0x38;
	[tilespmem:$0x18188] =	vst v63  }
0x175: {  	s21 =	sadd.s32 $0xC0, s15;
	s22 =	simm.s32 $0x9690  }
0x176: {  	[tilespmem:s22], [sflag:$0x1] =	stream.linear.gather [hbm4b:s21+s13], $0x70, $0x38;
	[tilespmem:$0x18188] =	vst v63  }
0x177: {  	s15 =	sadd.s32 $0xE0, s15;
	s23 =	simm.s32 $0x9790  }
0x178: {  	[tilespmem:s23], [sflag:$0x1] =	stream.linear.gather [hbm4b:s15+s13], $0x70, $0x38;
	[tilespmem:$0x18188] =	vst v63  }
0x179: {  	s17 =	simm.s32 $0x9898;
	s15 =	sadd.s32 s14, s26  }
0x17a: {  	[tilespmem:s17], [sflag:$0x1] =	stream.linear.gather [hbm4b:s15+s13], $0x68, $0x38;
	[tilespmem:$0x18188] =	vst v63  }
0x17b: {  	s19 =	simm.s32 $0x9998;
	s18 =	sadd.s32 $0x20, s15  }
0x17c: {  	[tilespmem:s19], [sflag:$0x1] =	stream.linear.gather [hbm4b:s18+s13], $0x68, $0x38;
	[tilespmem:$0x18188] =	vst v63  }
0x17d: {  	s21 =	simm.s32 $0x9A98;
	s20 =	sadd.s32 $0x40, s15  }
0x17e: {  	[tilespmem:s21], [sflag:$0x1] =	stream.linear.gather [hbm4b:s20+s13], $0x68, $0x38;
	[tilespmem:$0x18188] =	vst v63  }
0x17f: {  	s23 =	simm.s32 $0x9B98;
	s22 =	sadd.s32 $0x60, s15  }
0x180: {  	[tilespmem:s23], [sflag:$0x1] =	stream.linear.gather [hbm4b:s22+s13], $0x68, $0x38;
	[tilespmem:$0x18188] =	vst v63  }
0x181: {  	s17 =	sadd.s32 $0x80, s15;
	s18 =	simm.s32 $0x9C98  }
0x182: {  	[tilespmem:s18], [sflag:$0x1] =	stream.linear.gather [hbm4b:s17+s13], $0x68, $0x38;
	[tilespmem:$0x18188] =	vst v63  }
0x183: {  	s19 =	sadd.s32 $0xA0, s15;
	s20 =	simm.s32 $0x9D98  }
0x184: {  	[tilespmem:s20], [sflag:$0x1] =	stream.linear.gather [hbm4b:s19+s13], $0x68, $0x38;
	[tilespmem:$0x18188] =	vst v63  }
0x185: {  	s21 =	sadd.s32 $0xC0, s15;
	s22 =	simm.s32 $0x9E98  }
0x186: {  	[tilespmem:s22], [sflag:$0x1] =	stream.linear.gather [hbm4b:s21+s13], $0x68, $0x38;
	[tilespmem:$0x18188] =	vst v63  }
0x187: {  	s15 =	sadd.s32 $0xE0, s15;
	s23 =	simm.s32 $0x9F98  }
0x188: {  	[tilespmem:s23], [sflag:$0x1] =	stream.linear.gather [hbm4b:s15+s13], $0x68, $0x38;
	[tilespmem:$0x18188] =	vst v63  }
0x189: {  	s17 =	simm.s32 $0xA0A0;
	s15 =	sadd.s32 s14, s28  }
0x18a: {  	[tilespmem:s17], [sflag:$0x1] =	stream.linear.gather [hbm4b:s15+s13], $0x60, $0x38;
	[tilespmem:$0x18188] =	vst v63  }
0x18b: {  	s19 =	simm.s32 $0xA1A0;
	s18 =	sadd.s32 $0x20, s15  }
0x18c: {  	[tilespmem:s19], [sflag:$0x1] =	stream.linear.gather [hbm4b:s18+s13], $0x60, $0x38;
	[tilespmem:$0x18188] =	vst v63  }
0x18d: {  	s21 =	simm.s32 $0xA2A0;
	s20 =	sadd.s32 $0x40, s15  }
0x18e: {  	[tilespmem:s21], [sflag:$0x1] =	stream.linear.gather [hbm4b:s20+s13], $0x60, $0x38;
	[tilespmem:$0x18188] =	vst v63  }
0x18f: {  	s23 =	simm.s32 $0xA3A0;
	s22 =	sadd.s32 $0x60, s15  }
0x190: {  	[tilespmem:s23], [sflag:$0x1] =	stream.linear.gather [hbm4b:s22+s13], $0x60, $0x38;
	[tilespmem:$0x18188] =	vst v63  }
0x191: {  	s17 =	sadd.s32 $0x80, s15;
	s18 =	simm.s32 $0xA4A0  }
0x192: {  	[tilespmem:s18], [sflag:$0x1] =	stream.linear.gather [hbm4b:s17+s13], $0x60, $0x38;
	[tilespmem:$0x18188] =	vst v63  }
0x193: {  	s19 =	sadd.s32 $0xA0, s15;
	s20 =	simm.s32 $0xA5A0  }
0x194: {  	[tilespmem:s20], [sflag:$0x1] =	stream.linear.gather [hbm4b:s19+s13], $0x60, $0x38;
	[tilespmem:$0x18188] =	vst v63  }
0x195: {  	s21 =	sadd.s32 $0xC0, s15;
	s22 =	simm.s32 $0xA6A0  }
0x196: {  	[tilespmem:s22], [sflag:$0x1] =	stream.linear.gather [hbm4b:s21+s13], $0x60, $0x38;
	[tilespmem:$0x18188] =	vst v63  }
0x197: {  	s15 =	sadd.s32 $0xE0, s15;
	s23 =	simm.s32 $0xA7A0  }
0x198: {  	[tilespmem:s23], [sflag:$0x1] =	stream.linear.gather [hbm4b:s15+s13], $0x60, $0x38;
	[tilespmem:$0x18188] =	vst v63  }
0x199: {  	s17 =	simm.s32 $0xA8A8;
	s15 =	sadd.s32 s14, s29  }
0x19a: {  	[tilespmem:s17], [sflag:$0x1] =	stream.linear.gather [hbm4b:s15+s13], $0x58, $0x38;
	[tilespmem:$0x18188] =	vst v63  }
0x19b: {  	s19 =	simm.s32 $0xA9A8;
	s18 =	sadd.s32 $0x20, s15  }
0x19c: {  	[tilespmem:s19], [sflag:$0x1] =	stream.linear.gather [hbm4b:s18+s13], $0x58, $0x38;
	[tilespmem:$0x18188] =	vst v63  }
0x19d: {  	s21 =	simm.s32 $0xAAA8;
	s20 =	sadd.s32 $0x40, s15  }
0x19e: {  	[tilespmem:s21], [sflag:$0x1] =	stream.linear.gather [hbm4b:s20+s13], $0x58, $0x38;
	[tilespmem:$0x18188] =	vst v63  }
0x19f: {  	s23 =	simm.s32 $0xABA8;
	s22 =	sadd.s32 $0x60, s15  }
0x1a0: {  	[tilespmem:s23], [sflag:$0x1] =	stream.linear.gather [hbm4b:s22+s13], $0x58, $0x38;
	[tilespmem:$0x18188] =	vst v63  }
0x1a1: {  	s17 =	sadd.s32 $0x80, s15;
	s18 =	simm.s32 $0xACA8  }
0x1a2: {  	[tilespmem:s18], [sflag:$0x1] =	stream.linear.gather [hbm4b:s17+s13], $0x58, $0x38;
	[tilespmem:$0x18188] =	vst v63  }
0x1a3: {  	s19 =	sadd.s32 $0xA0, s15;
	s20 =	simm.s32 $0xADA8  }
0x1a4: {  	[tilespmem:s20], [sflag:$0x1] =	stream.linear.gather [hbm4b:s19+s13], $0x58, $0x38;
	[tilespmem:$0x18188] =	vst v63  }
0x1a5: {  	s21 =	sadd.s32 $0xC0, s15;
	s22 =	simm.s32 $0xAEA8  }
0x1a6: {  	[tilespmem:s22], [sflag:$0x1] =	stream.linear.gather [hbm4b:s21+s13], $0x58, $0x38;
	[tilespmem:$0x18188] =	vst v63  }
0x1a7: {  	s15 =	sadd.s32 $0xE0, s15;
	s23 =	simm.s32 $0xAFA8  }
0x1a8: {  	[tilespmem:s23], [sflag:$0x1] =	stream.linear.gather [hbm4b:s15+s13], $0x58, $0x38;
	[tilespmem:$0x18188] =	vst v63  }
0x1a9: {  	s17 =	simm.s32 $0xB0B0;
	s15 =	sadd.s32 s14, s30  }
0x1aa: {  	[tilespmem:s17], [sflag:$0x1] =	stream.linear.gather [hbm4b:s15+s13], $0x50, $0x38;
	[tilespmem:$0x18188] =	vst v63  }
0x1ab: {  	s19 =	simm.s32 $0xB1B0;
	s18 =	sadd.s32 $0x20, s15  }
0x1ac: {  	[tilespmem:s19], [sflag:$0x1] =	stream.linear.gather [hbm4b:s18+s13], $0x50, $0x38;
	[tilespmem:$0x18188] =	vst v63  }
0x1ad: {  	s21 =	simm.s32 $0xB2B0;
	s20 =	sadd.s32 $0x40, s15  }
0x1ae: {  	[tilespmem:s21], [sflag:$0x1] =	stream.linear.gather [hbm4b:s20+s13], $0x50, $0x38;
	[tilespmem:$0x18188] =	vst v63  }
0x1af: {  	s23 =	simm.s32 $0xB3B0;
	s22 =	sadd.s32 $0x60, s15  }
0x1b0: {  	[tilespmem:s23], [sflag:$0x1] =	stream.linear.gather [hbm4b:s22+s13], $0x50, $0x38;
	[tilespmem:$0x18188] =	vst v63  }
0x1b1: {  	s17 =	sadd.s32 $0x80, s15;
	s18 =	simm.s32 $0xB4B0  }
0x1b2: {  	[tilespmem:s18], [sflag:$0x1] =	stream.linear.gather [hbm4b:s17+s13], $0x50, $0x38;
	[tilespmem:$0x18188] =	vst v63  }
0x1b3: {  	s19 =	sadd.s32 $0xA0, s15;
	s20 =	simm.s32 $0xB5B0  }
0x1b4: {  	[tilespmem:s20], [sflag:$0x1] =	stream.linear.gather [hbm4b:s19+s13], $0x50, $0x38;
	[tilespmem:$0x18188] =	vst v63  }
0x1b5: {  	s21 =	sadd.s32 $0xC0, s15;
	s22 =	simm.s32 $0xB6B0  }
0x1b6: {  	[tilespmem:s22], [sflag:$0x1] =	stream.linear.gather [hbm4b:s21+s13], $0x50, $0x38;
	[tilespmem:$0x18188] =	vst v63  }
0x1b7: {  	s15 =	sadd.s32 $0xE0, s15;
	s23 =	simm.s32 $0xB7B0  }
0x1b8: {  	[tilespmem:s23], [sflag:$0x1] =	stream.linear.gather [hbm4b:s15+s13], $0x50, $0x38;
	[tilespmem:$0x18188] =	vst v63  }
0x1b9: {  	s17 =	simm.s32 $0xB8B8;
	s15 =	sadd.s32 s14, s31  }
0x1ba: {  	[tilespmem:s17], [sflag:$0x1] =	stream.linear.gather [hbm4b:s15+s13], $0x48, $0x38;
	[tilespmem:$0x18188] =	vst v63  }
0x1bb: {  	s19 =	simm.s32 $0xB9B8;
	s18 =	sadd.s32 $0x20, s15  }
0x1bc: {  	[tilespmem:s19], [sflag:$0x1] =	stream.linear.gather [hbm4b:s18+s13], $0x48, $0x38;
	[tilespmem:$0x18188] =	vst v63  }
0x1bd: {  	s21 =	simm.s32 $0xBAB8;
	s20 =	sadd.s32 $0x40, s15  }
0x1be: {  	[tilespmem:s21], [sflag:$0x1] =	stream.linear.gather [hbm4b:s20+s13], $0x48, $0x38;
	[tilespmem:$0x18188] =	vst v63  }
0x1bf: {  	s23 =	simm.s32 $0xBBB8;
	s22 =	sadd.s32 $0x60, s15  }
0x1c0: {  	[tilespmem:s23], [sflag:$0x1] =	stream.linear.gather [hbm4b:s22+s13], $0x48, $0x38;
	[tilespmem:$0x18188] =	vst v63  }
0x1c1: {  	s17 =	sadd.s32 $0x80, s15;
	s18 =	simm.s32 $0xBCB8  }
0x1c2: {  	[tilespmem:s18], [sflag:$0x1] =	stream.linear.gather [hbm4b:s17+s13], $0x48, $0x38;
	[tilespmem:$0x18188] =	vst v63  }
0x1c3: {  	s19 =	sadd.s32 $0xA0, s15;
	s20 =	simm.s32 $0xBDB8  }
0x1c4: {  	[tilespmem:s20], [sflag:$0x1] =	stream.linear.gather [hbm4b:s19+s13], $0x48, $0x38;
	[tilespmem:$0x18188] =	vst v63  }
0x1c5: {  	s21 =	sadd.s32 $0xC0, s15;
	s22 =	simm.s32 $0xBEB8  }
0x1c6: {  	[tilespmem:s22], [sflag:$0x1] =	stream.linear.gather [hbm4b:s21+s13], $0x48, $0x38;
	[tilespmem:$0x18188] =	vst v63  }
0x1c7: {  	s15 =	sadd.s32 $0xE0, s15;
	s23 =	simm.s32 $0xBFB8  }
0x1c8: {  	[tilespmem:s23], [sflag:$0x1] =	stream.linear.gather [hbm4b:s15+s13], $0x48, $0x38;
	[tilespmem:$0x18188] =	vst v63  }
0x1c9: {  	s17 =	simm.s32 $0xC0C0;
	s15 =	sadd.s32 s14, s0  }
0x1ca: {  	[tilespmem:s17], [sflag:$0x1] =	stream.linear.gather [hbm4b:s15+s13], $0x40, $0x38;
	[tilespmem:$0x18188] =	vst v63  }
0x1cb: {  	s19 =	simm.s32 $0xC1C0;
	s18 =	sadd.s32 $0x20, s15  }
0x1cc: {  	[tilespmem:s19], [sflag:$0x1] =	stream.linear.gather [hbm4b:s18+s13], $0x40, $0x38;
	[tilespmem:$0x18188] =	vst v63  }
0x1cd: {  	s21 =	simm.s32 $0xC2C0;
	s20 =	sadd.s32 $0x40, s15  }
0x1ce: {  	[tilespmem:s21], [sflag:$0x1] =	stream.linear.gather [hbm4b:s20+s13], $0x40, $0x38;
	[tilespmem:$0x18188] =	vst v63  }
0x1cf: {  	s23 =	simm.s32 $0xC3C0;
	s22 =	sadd.s32 $0x60, s15  }
0x1d0: {  	[tilespmem:s23], [sflag:$0x1] =	stream.linear.gather [hbm4b:s22+s13], $0x40, $0x38;
	[tilespmem:$0x18188] =	vst v63  }
0x1d1: {  	s17 =	sadd.s32 $0x80, s15;
	s18 =	simm.s32 $0xC4C0  }
0x1d2: {  	[tilespmem:s18], [sflag:$0x1] =	stream.linear.gather [hbm4b:s17+s13], $0x40, $0x38;
	[tilespmem:$0x18188] =	vst v63  }
0x1d3: {  	s19 =	sadd.s32 $0xA0, s15;
	s20 =	simm.s32 $0xC5C0  }
0x1d4: {  	[tilespmem:s20], [sflag:$0x1] =	stream.linear.gather [hbm4b:s19+s13], $0x40, $0x38;
	[tilespmem:$0x18188] =	vst v63  }
0x1d5: {  	s21 =	sadd.s32 $0xC0, s15;
	s22 =	simm.s32 $0xC6C0  }
0x1d6: {  	[tilespmem:s22], [sflag:$0x1] =	stream.linear.gather [hbm4b:s21+s13], $0x40, $0x38;
	[tilespmem:$0x18188] =	vst v63  }
0x1d7: {  	s15 =	sadd.s32 $0xE0, s15;
	s23 =	simm.s32 $0xC7C0  }
0x1d8: {  	[tilespmem:s23], [sflag:$0x1] =	stream.linear.gather [hbm4b:s15+s13], $0x40, $0x38;
	[tilespmem:$0x18188] =	vst v63  }
0x1d9: {  	s17 =	simm.s32 $0xC8C8;
	s15 =	sadd.s32 s14, s3  }
0x1da: {  	[tilespmem:s17], [sflag:$0x1] =	stream.linear.gather [hbm4b:s15+s13], $0x38, $0x38;
	[tilespmem:$0x18188] =	vst v63  }
0x1db: {  	s19 =	simm.s32 $0xC9C8;
	s18 =	sadd.s32 $0x20, s15  }
0x1dc: {  	[tilespmem:s19], [sflag:$0x1] =	stream.linear.gather [hbm4b:s18+s13], $0x38, $0x38;
	[tilespmem:$0x18188] =	vst v63  }
0x1dd: {  	s21 =	simm.s32 $0xCAC8;
	s20 =	sadd.s32 $0x40, s15  }
0x1de: {  	[tilespmem:s21], [sflag:$0x1] =	stream.linear.gather [hbm4b:s20+s13], $0x38, $0x38;
	[tilespmem:$0x18188] =	vst v63  }
0x1df: {  	s23 =	simm.s32 $0xCBC8;
	s22 =	sadd.s32 $0x60, s15  }
0x1e0: {  	[tilespmem:s23], [sflag:$0x1] =	stream.linear.gather [hbm4b:s22+s13], $0x38, $0x38;
	[tilespmem:$0x18188] =	vst v63  }
0x1e1: {  	s17 =	sadd.s32 $0x80, s15;
	s18 =	simm.s32 $0xCCC8  }
0x1e2: {  	[tilespmem:s18], [sflag:$0x1] =	stream.linear.gather [hbm4b:s17+s13], $0x38, $0x38;
	[tilespmem:$0x18188] =	vst v63  }
0x1e3: {  	s19 =	sadd.s32 $0xA0, s15;
	s20 =	simm.s32 $0xCDC8  }
0x1e4: {  	[tilespmem:s20], [sflag:$0x1] =	stream.linear.gather [hbm4b:s19+s13], $0x38, $0x38;
	[tilespmem:$0x18188] =	vst v63  }
0x1e5: {  	s21 =	sadd.s32 $0xC0, s15;
	s22 =	simm.s32 $0xCEC8  }
0x1e6: {  	[tilespmem:s22], [sflag:$0x1] =	stream.linear.gather [hbm4b:s21+s13], $0x38, $0x38;
	[tilespmem:$0x18188] =	vst v63  }
0x1e7: {  	s15 =	sadd.s32 $0xE0, s15;
	s23 =	simm.s32 $0xCFC8  }
0x1e8: {  	[tilespmem:s23], [sflag:$0x1] =	stream.linear.gather [hbm4b:s15+s13], $0x38, $0x38;
	[tilespmem:$0x18188] =	vst v63  }
0x1e9: {  	s17 =	simm.s32 $0xD0D0;
	s15 =	sadd.s32 s14, s1  }
0x1ea: {  	[tilespmem:s17], [sflag:$0x1] =	stream.linear.gather [hbm4b:s15+s13], $0x30, $0x38;
	[tilespmem:$0x18188] =	vst v63  }
0x1eb: {  	s19 =	simm.s32 $0xD1D0;
	s18 =	sadd.s32 $0x20, s15  }
0x1ec: {  	[tilespmem:s19], [sflag:$0x1] =	stream.linear.gather [hbm4b:s18+s13], $0x30, $0x38;
	[tilespmem:$0x18188] =	vst v63  }
0x1ed: {  	s21 =	simm.s32 $0xD2D0;
	s20 =	sadd.s32 $0x40, s15  }
0x1ee: {  	[tilespmem:s21], [sflag:$0x1] =	stream.linear.gather [hbm4b:s20+s13], $0x30, $0x38;
	[tilespmem:$0x18188] =	vst v63  }
0x1ef: {  	s23 =	simm.s32 $0xD3D0;
	s22 =	sadd.s32 $0x60, s15  }
0x1f0: {  	[tilespmem:s23], [sflag:$0x1] =	stream.linear.gather [hbm4b:s22+s13], $0x30, $0x38;
	[tilespmem:$0x18188] =	vst v63  }
0x1f1: {  	s17 =	sadd.s32 $0x80, s15;
	s18 =	simm.s32 $0xD4D0  }
0x1f2: {  	[tilespmem:s18], [sflag:$0x1] =	stream.linear.gather [hbm4b:s17+s13], $0x30, $0x38;
	[tilespmem:$0x18188] =	vst v63  }
0x1f3: {  	s19 =	sadd.s32 $0xA0, s15;
	s20 =	simm.s32 $0xD5D0  }
0x1f4: {  	[tilespmem:s20], [sflag:$0x1] =	stream.linear.gather [hbm4b:s19+s13], $0x30, $0x38;
	[tilespmem:$0x18188] =	vst v63  }
0x1f5: {  	s21 =	sadd.s32 $0xC0, s15;
	s22 =	simm.s32 $0xD6D0  }
0x1f6: {  	[tilespmem:s22], [sflag:$0x1] =	stream.linear.gather [hbm4b:s21+s13], $0x30, $0x38;
	[tilespmem:$0x18188] =	vst v63  }
0x1f7: {  	s15 =	sadd.s32 $0xE0, s15;
	s23 =	simm.s32 $0xD7D0  }
0x1f8: {  	[tilespmem:s23], [sflag:$0x1] =	stream.linear.gather [hbm4b:s15+s13], $0x30, $0x38;
	[tilespmem:$0x18188] =	vst v63  }
0x1f9: {  	s17 =	simm.s32 $0xD8D8;
	s15 =	sadd.s32 s14, s5  }
0x1fa: {  	[tilespmem:s17], [sflag:$0x1] =	stream.linear.gather [hbm4b:s15+s13], $0x28, $0x38;
	[tilespmem:$0x18188] =	vst v63  }
0x1fb: {  	s19 =	simm.s32 $0xD9D8;
	s18 =	sadd.s32 $0x20, s15  }
0x1fc: {  	[tilespmem:s19], [sflag:$0x1] =	stream.linear.gather [hbm4b:s18+s13], $0x28, $0x38;
	[tilespmem:$0x18188] =	vst v63  }
0x1fd: {  	s21 =	simm.s32 $0xDAD8;
	s20 =	sadd.s32 $0x40, s15  }
0x1fe: {  	[tilespmem:s21], [sflag:$0x1] =	stream.linear.gather [hbm4b:s20+s13], $0x28, $0x38;
	[tilespmem:$0x18188] =	vst v63  }
0x1ff: {  	s23 =	simm.s32 $0xDBD8;
	s22 =	sadd.s32 $0x60, s15  }
0x200: {  	[tilespmem:s23], [sflag:$0x1] =	stream.linear.gather [hbm4b:s22+s13], $0x28, $0x38;
	[tilespmem:$0x18188] =	vst v63  }
0x201: {  	s17 =	sadd.s32 $0x80, s15;
	s18 =	simm.s32 $0xDCD8  }
0x202: {  	[tilespmem:s18], [sflag:$0x1] =	stream.linear.gather [hbm4b:s17+s13], $0x28, $0x38;
	[tilespmem:$0x18188] =	vst v63  }
0x203: {  	s19 =	sadd.s32 $0xA0, s15;
	s20 =	simm.s32 $0xDDD8  }
0x204: {  	[tilespmem:s20], [sflag:$0x1] =	stream.linear.gather [hbm4b:s19+s13], $0x28, $0x38;
	[tilespmem:$0x18188] =	vst v63  }
0x205: {  	s21 =	sadd.s32 $0xC0, s15;
	s22 =	simm.s32 $0xDED8  }
0x206: {  	[tilespmem:s22], [sflag:$0x1] =	stream.linear.gather [hbm4b:s21+s13], $0x28, $0x38;
	[tilespmem:$0x18188] =	vst v63  }
0x207: {  	s15 =	sadd.s32 $0xE0, s15;
	s23 =	simm.s32 $0xDFD8  }
0x208: {  	[tilespmem:s23], [sflag:$0x1] =	stream.linear.gather [hbm4b:s15+s13], $0x28, $0x38;
	[tilespmem:$0x18188] =	vst v63  }
0x209: {  	s17 =	simm.s32 $0xE0E0;
	s15 =	sadd.s32 s14, s4  }
0x20a: {  	[tilespmem:s17], [sflag:$0x1] =	stream.linear.gather [hbm4b:s15+s13], $0x20, $0x38;
	[tilespmem:$0x18188] =	vst v63  }
0x20b: {  	s19 =	simm.s32 $0xE1E0;
	s18 =	sadd.s32 $0x20, s15  }
0x20c: {  	[tilespmem:s19], [sflag:$0x1] =	stream.linear.gather [hbm4b:s18+s13], $0x20, $0x38;
	[tilespmem:$0x18188] =	vst v63  }
0x20d: {  	s21 =	simm.s32 $0xE2E0;
	s20 =	sadd.s32 $0x40, s15  }
0x20e: {  	[tilespmem:s21], [sflag:$0x1] =	stream.linear.gather [hbm4b:s20+s13], $0x20, $0x38;
	[tilespmem:$0x18188] =	vst v63  }
0x20f: {  	s23 =	simm.s32 $0xE3E0;
	s22 =	sadd.s32 $0x60, s15  }
0x210: {  	[tilespmem:s23], [sflag:$0x1] =	stream.linear.gather [hbm4b:s22+s13], $0x20, $0x38;
	[tilespmem:$0x18188] =	vst v63  }
0x211: {  	s17 =	sadd.s32 $0x80, s15;
	s18 =	simm.s32 $0xE4E0  }
0x212: {  	[tilespmem:s18], [sflag:$0x1] =	stream.linear.gather [hbm4b:s17+s13], $0x20, $0x38;
	[tilespmem:$0x18188] =	vst v63  }
0x213: {  	s19 =	sadd.s32 $0xA0, s15;
	s20 =	simm.s32 $0xE5E0  }
0x214: {  	[tilespmem:s20], [sflag:$0x1] =	stream.linear.gather [hbm4b:s19+s13], $0x20, $0x38;
	[tilespmem:$0x18188] =	vst v63  }
0x215: {  	s21 =	sadd.s32 $0xC0, s15;
	s22 =	simm.s32 $0xE6E0  }
0x216: {  	[tilespmem:s22], [sflag:$0x1] =	stream.linear.gather [hbm4b:s21+s13], $0x20, $0x38;
	[tilespmem:$0x18188] =	vst v63  }
0x217: {  	s15 =	sadd.s32 $0xE0, s15;
	s23 =	simm.s32 $0xE7E0  }
0x218: {  	[tilespmem:s23], [sflag:$0x1] =	stream.linear.gather [hbm4b:s15+s13], $0x20, $0x38;
	[tilespmem:$0x18188] =	vst v63  }
0x219: {  	s17 =	simm.s32 $0xE8E8;
	s15 =	sadd.s32 s14, s6  }
0x21a: {  	[tilespmem:s17], [sflag:$0x1] =	stream.linear.gather [hbm4b:s15+s13], $0x18, $0x38;
	[tilespmem:$0x18188] =	vst v63  }
0x21b: {  	s19 =	simm.s32 $0xE9E8;
	s18 =	sadd.s32 $0x20, s15  }
0x21c: {  	[tilespmem:s19], [sflag:$0x1] =	stream.linear.gather [hbm4b:s18+s13], $0x18, $0x38;
	[tilespmem:$0x18188] =	vst v63  }
0x21d: {  	s21 =	simm.s32 $0xEAE8;
	s20 =	sadd.s32 $0x40, s15  }
0x21e: {  	[tilespmem:s21], [sflag:$0x1] =	stream.linear.gather [hbm4b:s20+s13], $0x18, $0x38;
	[tilespmem:$0x18188] =	vst v63  }
0x21f: {  	s23 =	simm.s32 $0xEBE8;
	s22 =	sadd.s32 $0x60, s15  }
0x220: {  	[tilespmem:s23], [sflag:$0x1] =	stream.linear.gather [hbm4b:s22+s13], $0x18, $0x38;
	[tilespmem:$0x18188] =	vst v63  }
0x221: {  	s17 =	sadd.s32 $0x80, s15;
	s18 =	simm.s32 $0xECE8  }
0x222: {  	[tilespmem:s18], [sflag:$0x1] =	stream.linear.gather [hbm4b:s17+s13], $0x18, $0x38;
	[tilespmem:$0x18188] =	vst v63  }
0x223: {  	s19 =	sadd.s32 $0xA0, s15;
	s20 =	simm.s32 $0xEDE8  }
0x224: {  	[tilespmem:s20], [sflag:$0x1] =	stream.linear.gather [hbm4b:s19+s13], $0x18, $0x38;
	[tilespmem:$0x18188] =	vst v63  }
0x225: {  	s21 =	sadd.s32 $0xC0, s15;
	s22 =	simm.s32 $0xEEE8  }
0x226: {  	[tilespmem:s22], [sflag:$0x1] =	stream.linear.gather [hbm4b:s21+s13], $0x18, $0x38;
	[tilespmem:$0x18188] =	vst v63  }
0x227: {  	s15 =	sadd.s32 $0xE0, s15;
	s23 =	simm.s32 $0xEFE8  }
0x228: {  	[tilespmem:s23], [sflag:$0x1] =	stream.linear.gather [hbm4b:s15+s13], $0x18, $0x38;
	[tilespmem:$0x18188] =	vst v63  }
0x229: {  	s17 =	simm.s32 $0xF0F0;
	s15 =	sadd.s32 s14, s7  }
0x22a: {  	[tilespmem:s17], [sflag:$0x1] =	stream.linear.gather [hbm4b:s15+s13], $0x10, $0x38;
	[tilespmem:$0x18188] =	vst v63  }
0x22b: {  	s19 =	simm.s32 $0xF1F0;
	s18 =	sadd.s32 $0x20, s15  }
0x22c: {  	[tilespmem:s19], [sflag:$0x1] =	stream.linear.gather [hbm4b:s18+s13], $0x10, $0x38;
	[tilespmem:$0x18188] =	vst v63  }
0x22d: {  	s21 =	simm.s32 $0xF2F0;
	s20 =	sadd.s32 $0x40, s15  }
0x22e: {  	[tilespmem:s21], [sflag:$0x1] =	stream.linear.gather [hbm4b:s20+s13], $0x10, $0x38;
	[tilespmem:$0x18188] =	vst v63  }
0x22f: {  	s23 =	simm.s32 $0xF3F0;
	s22 =	sadd.s32 $0x60, s15  }
0x230: {  	[tilespmem:s23], [sflag:$0x1] =	stream.linear.gather [hbm4b:s22+s13], $0x10, $0x38;
	[tilespmem:$0x18188] =	vst v63  }
0x231: {  	s17 =	sadd.s32 $0x80, s15;
	s18 =	simm.s32 $0xF4F0  }
0x232: {  	[tilespmem:s18], [sflag:$0x1] =	stream.linear.gather [hbm4b:s17+s13], $0x10, $0x38;
	[tilespmem:$0x18188] =	vst v63  }
0x233: {  	s19 =	sadd.s32 $0xA0, s15;
	s20 =	simm.s32 $0xF5F0  }
0x234: {  	[tilespmem:s20], [sflag:$0x1] =	stream.linear.gather [hbm4b:s19+s13], $0x10, $0x38;
	[tilespmem:$0x18188] =	vst v63  }
0x235: {  	s21 =	sadd.s32 $0xC0, s15;
	s22 =	simm.s32 $0xF6F0  }
0x236: {  	[tilespmem:s22], [sflag:$0x1] =	stream.linear.gather [hbm4b:s21+s13], $0x10, $0x38;
	[tilespmem:$0x18188] =	vst v63  }
0x237: {  	s15 =	sadd.s32 $0xE0, s15;
	s23 =	simm.s32 $0xF7F0  }
0x238: {  	[tilespmem:s23], [sflag:$0x1] =	stream.linear.gather [hbm4b:s15+s13], $0x10, $0x38;
	[tilespmem:$0x18188] =	vst v63  }
0x239: {  	s14 =	sadd.s32 s14, s8;
	s17 =	simm.s32 $0xF8F8  }
0x23a: {  	[tilespmem:s17], [sflag:$0x1] =	stream.linear.gather [hbm4b:s14+s13], $0x8, $0x38;
	[tilespmem:$0x18188] =	vst v63  }
0x23b: {  	s18 =	sadd.s32 $0x20, s14;
	s19 =	simm.s32 $0xF9F8  }
0x23c: {  	[tilespmem:s19], [sflag:$0x1] =	stream.linear.gather [hbm4b:s18+s13], $0x8, $0x38;
	[tilespmem:$0x18188] =	vst v63  }
0x23d: {  	s20 =	sadd.s32 $0x40, s14;
	s21 =	simm.s32 $0xFAF8  }
0x23e: {  	[tilespmem:s21], [sflag:$0x1] =	stream.linear.gather [hbm4b:s20+s13], $0x8, $0x38;
	[tilespmem:$0x18188] =	vst v63  }
0x23f: {  	s22 =	sadd.s32 $0x60, s14;
	s23 =	simm.s32 $0xFBF8  }
0x240: {  	[tilespmem:s23], [sflag:$0x1] =	stream.linear.gather [hbm4b:s22+s13], $0x8, $0x38;
	[tilespmem:$0x18188] =	vst v63  }
0x241: {  	s17 =	sadd.s32 $0x80, s14;
	s18 =	simm.s32 $0xFCF8  }
0x242: {  	[tilespmem:s18], [sflag:$0x1] =	stream.linear.gather [hbm4b:s17+s13], $0x8, $0x38;
	[tilespmem:$0x18188] =	vst v63  }
0x243: {  	s19 =	sadd.s32 $0xA0, s14;
	s20 =	simm.s32 $0xFDF8  }
0x244: {  	[tilespmem:s20], [sflag:$0x1] =	stream.linear.gather [hbm4b:s19+s13], $0x8, $0x38;
	[tilespmem:$0x18188] =	vst v63  }
0x245: {  	s21 =	sadd.s32 $0xC0, s14;
	s22 =	simm.s32 $0xFEF8  }
0x246: {  	[tilespmem:s22], [sflag:$0x1] =	stream.linear.gather [hbm4b:s21+s13], $0x8, $0x38;
	[tilespmem:$0x18188] =	vst v63  }
0x247: {  	s14 =	sadd.s32 $0xE0, s14;
	s23 =	simm.s32 $0xFFF8  }
0x248: {  	[tilespmem:s23], [sflag:$0x1] =	stream.linear.gather [hbm4b:s14+s13], $0x8, $0x38;
	[tilespmem:$0x18188] =	vst v63  }
0x249: {  	_ =	swait.ge [sflag:s9], $0x800  }
0x24a: {  	[sflag:s9] =	ssyncset.done $0x0  }
0x24b: {  	[sflag:s9] =	ssyncadd.s32 $0xFFFFF800  }
0x24c: {  	_ =	swait.ge [sflag:s9], $0x7C0  }
0x24d: {  	[sflag:s9] =	ssyncset.done $0x0  }
0x24e: {  	[sflag:s9] =	ssyncadd.s32 $0xFFFFF840  }
0x24f: {  	_ =	swait.ge [sflag:s9], $0x780  }
0x250: {  	[sflag:s9] =	ssyncset.done $0x0  }
0x251: {  	[sflag:s9] =	ssyncadd.s32 $0xFFFFF880  }
0x252: {  	_ =	swait.ge [sflag:s9], $0x740  }
0x253: {  	[sflag:s9] =	ssyncset.done $0x0  }
0x254: {  	[sflag:s9] =	ssyncadd.s32 $0xFFFFF8C0  }
0x255: {  	_ =	swait.ge [sflag:s9], $0x700  }
0x256: {  	[sflag:s9] =	ssyncset.done $0x0  }
0x257: {  	[sflag:s9] =	ssyncadd.s32 $0xFFFFF900  }
0x258: {  	_ =	swait.ge [sflag:s9], $0x6C0  }
0x259: {  	[sflag:s9] =	ssyncset.done $0x0  }
0x25a: {  	[sflag:s9] =	ssyncadd.s32 $0xFFFFF940  }
0x25b: {  	_ =	swait.ge [sflag:s9], $0x680  }
0x25c: {  	[sflag:s9] =	ssyncset.done $0x0  }
0x25d: {  	[sflag:s9] =	ssyncadd.s32 $0xFFFFF980  }
0x25e: {  	_ =	swait.ge [sflag:s9], $0x640  }
0x25f: {  	[sflag:s9] =	ssyncset.done $0x0  }
0x260: {  	[sflag:s9] =	ssyncadd.s32 $0xFFFFF9C0  }
0x261: {  	_ =	swait.ge [sflag:s9], $0x600  }
0x262: {  	[sflag:s9] =	ssyncset.done $0x0  }
0x263: {  	[sflag:s9] =	ssyncadd.s32 $0xFFFFFA00  }
0x264: {  	_ =	swait.ge [sflag:s9], $0x5C0  }
0x265: {  	[sflag:s9] =	ssyncset.done $0x0  }
0x266: {  	[sflag:s9] =	ssyncadd.s32 $0xFFFFFA40  }
0x267: {  	_ =	swait.ge [sflag:s9], $0x580  }
0x268: {  	[sflag:s9] =	ssyncset.done $0x0  }
0x269: {  	[sflag:s9] =	ssyncadd.s32 $0xFFFFFA80  }
0x26a: {  	_ =	swait.ge [sflag:s9], $0x540  }
0x26b: {  	[sflag:s9] =	ssyncset.done $0x0  }
0x26c: {  	[sflag:s9] =	ssyncadd.s32 $0xFFFFFAC0  }
0x26d: {  	_ =	swait.ge [sflag:s9], $0x500  }
0x26e: {  	[sflag:s9] =	ssyncset.done $0x0  }
0x26f: {  	[sflag:s9] =	ssyncadd.s32 $0xFFFFFB00  }
0x270: {  	_ =	swait.ge [sflag:s9], $0x4C0  }
0x271: {  	[sflag:s9] =	ssyncset.done $0x0  }
0x272: {  	[sflag:s9] =	ssyncadd.s32 $0xFFFFFB40  }
0x273: {  	_ =	swait.ge [sflag:s9], $0x480  }
0x274: {  	[sflag:s9] =	ssyncset.done $0x0  }
0x275: {  	[sflag:s9] =	ssyncadd.s32 $0xFFFFFB80  }
0x276: {  	_ =	swait.ge [sflag:s9], $0x440  }
0x277: {  	[sflag:s9] =	ssyncset.done $0x0  }
0x278: {  	[sflag:s9] =	ssyncadd.s32 $0xFFFFFBC0  }
0x279: {  	_ =	swait.ge [sflag:s9], $0x400  }
0x27a: {  	[sflag:s9] =	ssyncset.done $0x0  }
0x27b: {  	[sflag:s9] =	ssyncadd.s32 $0xFFFFFC00  }
0x27c: {  	_ =	swait.ge [sflag:s9], $0x3C0  }
0x27d: {  	[sflag:s9] =	ssyncset.done $0x0  }
0x27e: {  	[sflag:s9] =	ssyncadd.s32 $0xFFFFFC40  }
0x27f: {  	_ =	swait.ge [sflag:s9], $0x380  }
0x280: {  	[sflag:s9] =	ssyncset.done $0x0  }
0x281: {  	[sflag:s9] =	ssyncadd.s32 $0xFFFFFC80  }
0x282: {  	_ =	swait.ge [sflag:s9], $0x340  }
0x283: {  	[sflag:s9] =	ssyncset.done $0x0  }
0x284: {  	[sflag:s9] =	ssyncadd.s32 $0xFFFFFCC0  }
0x285: {  	_ =	swait.ge [sflag:s9], $0x300  }
0x286: {  	[sflag:s9] =	ssyncset.done $0x0  }
0x287: {  	[sflag:s9] =	ssyncadd.s32 $0xFFFFFD00  }
0x288: {  	_ =	swait.ge [sflag:s9], $0x2C0  }
0x289: {  	[sflag:s9] =	ssyncset.done $0x0  }
0x28a: {  	[sflag:s9] =	ssyncadd.s32 $0xFFFFFD40  }
0x28b: {  	_ =	swait.ge [sflag:s9], $0x280  }
0x28c: {  	[sflag:s9] =	ssyncset.done $0x0  }
0x28d: {  	[sflag:s9] =	ssyncadd.s32 $0xFFFFFD80  }
0x28e: {  	_ =	swait.ge [sflag:s9], $0x240  }
0x28f: {  	[sflag:s9] =	ssyncset.done $0x0  }
0x290: {  	[sflag:s9] =	ssyncadd.s32 $0xFFFFFDC0  }
0x291: {  	_ =	swait.ge [sflag:s9], $0x200  }
0x292: {  	[sflag:s9] =	ssyncset.done $0x0  }
0x293: {  	[sflag:s9] =	ssyncadd.s32 $0xFFFFFE00  }
0x294: {  	_ =	swait.ge [sflag:s9], $0x1C0  }
0x295: {  	[sflag:s9] =	ssyncset.done $0x0  }
0x296: {  	[sflag:s9] =	ssyncadd.s32 $0xFFFFFE40  }
0x297: {  	_ =	swait.ge [sflag:s9], $0x180  }
0x298: {  	[sflag:s9] =	ssyncset.done $0x0  }
0x299: {  	[sflag:s9] =	ssyncadd.s32 $0xFFFFFE80  }
0x29a: {  	_ =	swait.ge [sflag:s9], $0x140  }
0x29b: {  	[sflag:s9] =	ssyncset.done $0x0  }
0x29c: {  	[sflag:s9] =	ssyncadd.s32 $0xFFFFFEC0  }
0x29d: {  	_ =	swait.ge [sflag:s9], $0x100  }
0x29e: {  	[sflag:s9] =	ssyncset.done $0x0  }
0x29f: {  	[sflag:s9] =	ssyncadd.s32 $0xFFFFFF00  }
0x2a0: {  	_ =	swait.ge [sflag:s9], $0xC0  }
0x2a1: {  	[sflag:s9] =	ssyncset.done $0x0  }
0x2a2: {  	[sflag:s9] =	ssyncadd.s32 $0xFFFFFF40  }
0x2a3: {  	_ =	swait.ge [sflag:s9], $0x80  }
.Ltmp4:
0x2a4: {  	[sflag:s9] =	ssyncset.done $0x0;
	(pc) =	sbr.rel .LBB2_3-.Ltmp4, $4  }
0x2a5: {  	[sflag:s9] =	ssyncadd.s32 $0xFFFFFF80  }
0x2a6: {  	s16 =	simm.s32 $0x0;
	s17 =	simm.s32 $0x0;
	_ =	swait.ge [sflag:s9], $0x40  }
0x2a7: {  	s18 =	simm.s32 $0x0;
	s19 =	simm.s32 $0x400;
	[sflag:s9] =	ssyncset.done $0x0  }
0x2a8: {  	s14 =	simm.s32 $0x100;
	s23 =	simm.s32 $0x10000;
	[sflag:s9] =	ssyncadd.s32 $0xFFFFFFC0  }
.LBB2_6:
0x2a9: {  	s15 =	sshrl.u32 s20, $0x2;
	s21 =	ssub.s32 s17, s18;
	s18 =	sadd.s32 $0x1, s18  }
0x2aa: {  	v0 =	vld [tilespmem:s15+$0xF0];
	p0 =	sne.s32 s18, $0xF1  }
.Ltmp5:
0x2ab: {  	_ = 	snop;
	(pc) =	sbr.rel @!p0 .LBB2_7-.Ltmp5, $4  }
0x2ac: {  	s14 =	sadd.s32 $0xFFFFFFFF, s14;
	s17 =	sadd.s32 $0x100, s21  }
0x2ad: {  	s16 =	sadd.s32 $0x100, s16;
	s15 =	sand.u32 $0x7, s21;
	s22 =	sand.u32 $0xFFFFFFF8, s17  }
0x2ae: {  	s21 =	sadd.s32 $0xFFFFFFFC, s19;
	s15 =	sor.u32 s15, s22;
	s22 =	sshra.s32 s19, $0x2  }
0x2af: {  	s13 =	sadd.s32 $0x1, s13;
	s19 =	smov.u32 s21;
	s23 =	sadd.s32 s22, s23;
	[tilespmem:s15+$0xFFF0] =	vst v0  }
.LBB2_3:
0x2b0: {  	p0 =	slt.u32 s18, $0xF1  }
.Ltmp6:
0x2b1: {  	_ = 	snop;
	(pc) =	sbr.rel @!p0 .LBB2_6-.Ltmp6, $2  }
0x2b2: {  	_ =	sdelay $0x2  }
0x2b3: {  	s20 =	sshll.u32 s18, $0xA  }
0x2b4: {  	s15 =	sand.u32 $0x7, s13;
	s21 =	sand.u32 $0x3FFFFFF8, s18  }
0x2b5: {  	s15 =	sor.u32 s15, s21  }
0x2b6: {  	s22 =	sshrl.u32 s14, $0x4;
	s15 =	sadd.s32 s15, s16  }
0x2b7: {  	p0 =	sne.s32 s22, $0x1;
	v0 =	vld [tilespmem:s15+$0x0]  }
.Ltmp7:
0x2b8: {  	_ = 	snop;
	(pc) =	sbr.rel @!p0 .LBB2_6-.Ltmp7, $2  }
0x2b9: {  	_ =	sdelay $0x2  }
0x2ba: {  	s21 =	sadd.s32 $0xFFFFFFFF, s22;
	s22 =	sadd.s32 $0x10, s15;
	s15 =	smov.u32 s23;
	[tilespmem:s23+$0x0] =	vst v0  }
.LBB2_5:
0x2bb: {  	v0 =	vld [tilespmem:s22+$0x0];
	p0 =	sne.s32 s21, $0x1;
	s21 =	sadd.s32 $0xFFFFFFFF, s21  }
.Ltmp8:
0x2bc: {  	(pc) =	sbr.rel @p0 .LBB2_5-.Ltmp8, $3  }
0x2bd: {  	_ =	sdelay $0x1  }
0x2be: {  	s15 =	sadd.s32 $0x10, s15  }
0x2bf: {  	s22 =	sadd.s32 $0x10, s22;
	[tilespmem:s15+$0x0] =	vst v0  }
.Ltmp9:
0x2c0: {  	_ = 	snop;
	(pc) =	sbr.rel .LBB2_6-.Ltmp9, $1  }
0x2c1: {  	_ =	sdelay $0x3  }
.LBB2_9:
0x2c2: {  	_ =	sfence.sel $0x180000  }
0x2c3: {  	[bflag:$0x0] =	sbarrier.arrive $0xFFFF  }
0x2c4: {  	_ =	strace $0x9000004A  }
0x2c5: {  	s0 =	stileid.u32;
	[bflag:$0x2] =	sbarrier.arrive $0xFFFF  }
0x2c6: {  	p0 =	sne.s32 s0, $0x0;
	s0 =	rddreg [dreg:$0x2]  }
0x2c7: {  	s0 =	sadd.s32 @!p0 $0x100000, s0  }
0x2c8: {  	[sflag:s0] =	ssyncadd.tile.s32 @!p0 $0x1;
	_ =	shalt  }
.Lfunc_end2:
_tile_overlayer_lowered:
.L_overlay_start_2:
0x2c9: {  	(tag) =	ssettag $0x2  }
0x2ca: {  	s0 =	rddreg [dreg:$0x0];
	s2 =	stileid.u32  }
0x2cb: {  	s1 =	rddreg [dreg:$0x1];
	p0 =	sne.s32 s2, $0x0  }
0x2cc: {  	s3 =	rddreg [dreg:$0x2];
	[bflag:$0x3] =	sbarrier.arrive $0xFFFF;
	s2 =	simm.s32 @!p0 $0x1C03  }
0x2cd: {  	[timem:s3], [sflag:s2] =	dma.local @!p0 [hbm:s0], s1  }
0x2ce: {  	s0 =	simm.s32 @!p0 $0x3  }
0x2cf: {  	_ =	swait.ge @!p0 [sflag:s0], s1  }
0x2d0: {  	s1 =	ssub.s32 @!p0 $0x0, s1;
	[sflag:s0] =	ssyncset.done @!p0 $0x0  }
0x2d1: {  	[sflag:s0] =	ssyncadd.s32 @!p0 s1  }
0x2d2: {  	[bflag:$0x3] =	sbarrier.arrive $0xFFFF  }
0x2d3: {  	_ =	shalt  }

// kernel: sparse-core-data-format-call.cloned.1.call-start
scs
called_computation_lowered:
.L_overlay_start_0:
0x0: {  	s2 =	sld [smem:$0x3FD9]  }
0x1: {  	s3 =	sld [smem:$0x3FFE];
	_ =	sdelay $0x1  }
0x2: {  	s1 =	srdreg.scid  }
0x3: {  	s0 =	sand.u32 $0x1, s1  }
0x4: {  	s18 =	sshll.u32 s0, $0xA;
	s2 =	sadd.s32 s3, s2  }
0x5: {  	s2 =	sadd.s32 s2, s18  }
0x6: {  	[smem:$0x3FC7] =	sst s2  }
0x7: {  	_ = 	snop  }
0x8: {  	s2 =	sld [smem:$0x3FC9];
	(tm) =	ssettm $0x1  }
0x9: {  	s19 =	sld [smem:$0x3FFB];
	_ =	sdelay $0x3  }
0xa: {  	_ =	strace s19  }
0xb: {  	s3 =	sld [smem:$0x3FFC];
	_ =	sdelay $0x3  }
0xc: {  	_ =	strace s3  }
0xd: {  	s3 =	sld [smem:$0x3FFD];
	_ =	sdelay $0x3  }
0xe: {  	_ =	strace s3  }
0xf: {  	_ =	strace $0x8FFFFFFF  }
0x10: {  	s20 =	sld [smem:$0x3FDB];
	_ =	sdelay $0x1  }
0x11: {  	s4 =	simm.s32 $_scs_section_size  }
0x12: {  	s5 =	simm.s32 $_size__tile_overlayer_lowered;
	s6 =	simm.s32 $_tile_overlayer_lowered  }
0x13: {  	s23 =	simm.s32 $0x1BFF;
	s22 =	sshll.u32 s6, $0x1;
	s3 =	sadd.s32 s4, s20  }
0x14: {  	s7 =	simm.s32 $0x0;
	s21 =	sshll.u32 s5, $0x1;
	s5 =	sadd.s32 s22, s3  }
0x15: {  	[timem:s7], [sflag:s23] =	dma.local [hbm:s5], s21  }
0x16: {  	_ =	swait.ge [sflag:s23], s21  }
0x17: {  	s4 =	ssub.s32 $0x0, s21;
	[sflag:s23] =	ssyncset.done $0x0  }
0x18: {  	[sflag:s23] =	ssyncadd.s32 s4;
	_ =	sdelay $0x1  }
0x19: {  	s24 =	simm.s32 $0x1B8B  }
0x1a: {  	_ =	swait.ge [sflag:s24], $0x1  }
0x1b: {  	[sflag:s24] =	ssyncset.done $0x0  }
0x1c: {  	s26 =	simm.s32 $0x1B8E;
	s25 =	sld [smem:$0x3FFE];
	[sflag:s24] =	ssyncadd.s32 $0xFFFFFFFF  }
0x1d: {  	s27 =	simm.s32 $execute0_lowered;
	[smem:$0x3FD2] =	sst s26  }
0x1e: {  	s5 =	sshll.u32 s27, $0x1;
	_ =	strace $0x80000046;
	[dreg:$0x1] =	wrdreg $0xFFFFFFFF  }
0x1f: {  	s28 =	simm.s32 $_size_execute0_lowered;
	s3 =	sadd.s32 s3, s5;
	[dreg:$0x0] =	wrdreg $0x0  }
0x20: {  	s5 =	sshll.u32 s28, $0x1;
	[dreg:$0x2] =	wrdreg s3  }
0x21: {  	[dreg:$0x3] =	wrdreg s5  }
0x22: {  	[dreg:$0x4] =	wrdreg $0xC0  }
0x23: {  	_ =	task [dreg:s7], $0x5FFFF  }
0x24: {  	[dreg:$0x1] =	wrdreg $0xFFFFFFFF  }
0x25: {  	[dreg:$0x0] =	wrdreg $0x60  }
0x26: {  	[dreg:$0x2] =	wrdreg s2  }
0x27: {  	[dreg:$0x3] =	wrdreg s25  }
0x28: {  	[dreg:$0x4] =	wrdreg $0x9  }
0x29: {  	_ =	task.clear_ibuf [dreg:s7], $0x5FFFF;
	_ =	strace $0x90000046  }
0x2a: {  	s29 =	simm.s32 $0x9;
	_ =	strace $0x80000048  }
0x2b: {  	_ =	swait.ge [sflag:s29], $0x1  }
0x2c: {  	[sflag:s29] =	ssyncadd.s32 $0xFFFFFFFF  }
0x2d: {  	_ =	strace $0x90000048  }
0x2e: {  	_ =	sfence  }
0x2f: {  	s30 =	sld [smem:$0x0];
	_ =	sdelay $0x2  }
0x30: {  	s31 =	sshll.u32 s1, $0xD;
	s1 =	sshrl.u32 s1, $0x2  }
0x31: {  	s3 =	sand.u32 $0x4000, s31;
	s1 =	sadd.s32 s1, s30  }
0x32: {  	s0 =	sor.u32 s3, s0;
	s1 =	sshll.u32 s1, $0x11  }
0x33: {  	s0 =	sor.u32 s1, s0  }
0x34: {  	s0 =	sadd.s32 $0x8F2B, s0  }
0x35: {  	[sflag:s0] =	ssyncadd.remote.s32 $0x1  }
0x36: {  	_ =	sfence.sel $0xFFFF  }
0x37: {  	[dreg:$0x0] =	wrdreg $0xFFFFFFFF;
	(pc) =	sbr.abs _section_cstart, $3  }
0x38: {  	[dreg:$0x1] =	wrdreg $0xFFFFFFFF  }
0x39: {  	_ =	task.clear_ibuf [dreg:s7], $0x2FFFF;
	_ =	strace $0x9FFFFFFF  }
0x3a: {  	(tm) =	ssettm $0x7FFFFFFF  }
0x3b: {  	_ =	shalt  }
tec
execute0_lowered:
.L_overlay_start_1:
0x0: {  	(tag) =	ssettag $0x1  }
0x1: {  	s0 =	srdreg.scid  }
0x2: {  	s1 =	sshll.u32 s0, $0x4  }
0x3: {  	s2 =	rddreg [dreg:$0x0];
	s0 =	stileid.u32;
	s1 =	sand.u32 $0x10, s1  }
0x4: {  	s4 =	rddreg [dreg:$0x1];
	s7 =	simm.s32 $0x1;
	s1 =	sor.u32 s0, s1  }
0x5: {  	s8 =	simm.s32 $0x2;
	s9 =	simm.s32 $0x0;
	s3 =	sshll.u32 s1, $0x3  }
0x6: {  	s12 =	simm.s32 $0x0;
	s11 =	simm.s32 $0x0;
	s6 =	ssub.s32 $0x8000, s3  }
.Ltmp0:
0x7: {  	s4 =	sadd.s32 $0xC00, s4;
	s5 =	sand.u32 $0xF8, s6;
	(pc) =	sbr.rel .LBB1_1-.Ltmp0, $4  }
0x8: {  	s1 =	rddreg [dreg:$0x2];
	_ =	strace $0x80000047;
	p0 =	sne.s32 s5, $0x0  }
0x9: {  	s6 =	sshrl.u32 s6, $0x8;
	s5 =	simm.s32 $0x1;
	s7 =	simm.s32 @!p0 $0x0  }
0xa: {  	s10 =	smov.u32 s3;
	[sflag:s5] =	ssyncpa.u1 $0x0;
	s6 =	sadd.s32 s7, s6  }
0xb: {  	[sflag:s8] =	ssyncpa.u1 $0x0;
	s8 =	simm.s32 $0x0;
	s7 =	sadd.s32 $0x1, s6  }
.LBB1_9:
0xc: {  	s14 =	sadd.s32 $0x100, s10  }
0xd: {  	p1 =	sgt.s32 s14, $0x7FFF  }
0xe: {  	s14 =	smov.u32 @p1 s3;
	p1 =	sne.s32 s11, s7  }
.Ltmp1:
0xf: {  	p0 =	slt.u32 s11, $0x2;
	(pc) =	sbr.rel @!p1 .LBB1_10-.Ltmp1, $4  }
0x10: {  	s13 =	simm.s32 @!p0 $0x2  }
0x11: {  	s15 =	sadd.s32 $0x1, s11;
	_ =	swait.ge @!p0 [sflag:s13], $0x4000  }
0x12: {  	s12 =	smov.u32 s10;
	s9 =	sadd.s32 $0x4000, s9;
	[sflag:s13] =	ssyncset.done @!p0 $0x0  }
0x13: {  	s11 =	smov.u32 s15;
	s10 =	smov.u32 s14;
	[sflag:s13] =	ssyncadd.s32 @!p0 $0xFFFFC000  }
.LBB1_1:
0x14: {  	p0 =	sge.u32 s11, s6  }
0x15: {  	s13 =	sxor.u32 @!p0 $0xFFFFFFFF, s11  }
0x16: {  	s31 =	sadd.s32 $0xFFFFFFFF, s11;
	s14 =	sshll.u32 @!p0 s10, $0x8;
	s13 =	sshll.u32 @!p0 s13, $0xE  }
0x17: {  	s15 =	simm.s32 @!p0 $0x0;
	s14 =	sadd.s32 @!p0 s2, s14;
	s13 =	sand.u32 @!p0 $0x4000, s13  }
0x18: {  	[tilespmem:s13], [sflag:$0x1] =	stream.linear.gather @!p0 [hbm4b:s14+s15], $0x4000, $0x38;
	[tilespmem:$0x10000] =	vst v63  }
0x19: {  	p0 =	sge.u32 s31, s6  }
.Ltmp2:
0x1a: {  	_ = 	snop;
	(pc) =	sbr.rel @p0 .LBB1_9-.Ltmp2, $1  }
0x1b: {  	_ =	sdelay $0x3  }
0x1c: {  	s13 =	sshll.u32 s9, $0x2;
	_ =	swait.ge [sflag:s5], $0x4000;
	s14 =	sshll.u32 s11, $0xE  }
0x1d: {  	s16 =	simm.s32 $0x0;
	s17 =	simm.s32 $0x0;
	s15 =	sand.u32 $0x10000, s13  }
0x1e: {  	[sflag:s5] =	ssyncset.done $0x0;
	s31 =	sand.u32 $0x4000, s14;
	s14 =	sshrl.u32 s15, $0x2  }
0x1f: {  	[sflag:s5] =	ssyncadd.s32 $0xFFFFC000;
	s13 =	sor.u32 $0x8000, s31;
	s15 =	sor.u32 $0x8000, s14  }
.LBB1_3:
0x20: {  	s18 =	sshra.s32 s16, $0x2  }
0x21: {  	v0 =	vmov s18;
	_ =	sdelay $0x3  }
0x22: {  	p1 =	por $0x1, $0x1;
	s18 =	simm.s32 $0x0  }
.LBB1_4:
0x23: {  	_ = 	snop  }
0x24: {  	s19 =	sshll.u32 s18, $0xA  }
0x25: {  	s19 =	sand.u32 $0x3FFFFC00, s19  }
0x26: {  	s19 =	sadd.s32 s19, s14  }
0x27: {  	v5 =	vld.idx.msk [tilespmem:v0+s19+$0x70 ss:$0x1], $0xffff  }
0x28: {  	v6 =	vld.idx.msk [tilespmem:v0+s19+$0x10 ss:$0x1], $0xffff  }
0x29: {  	v7 =	vld.idx.msk [tilespmem:v0+s19+$0x20 ss:$0x1], $0xffff  }
0x2a: {  	s31 =	sshll.u32 s18, $0x7;
	v1 =	vld.idx.msk [tilespmem:v0+s19+$0x30 ss:$0x1], $0xffff  }
0x2b: {  	s18 =	sand.u32 $0x3FFFFF80, s31;
	v2 =	vld.idx.msk [tilespmem:v0+s19+$0x40 ss:$0x1], $0xffff  }
0x2c: {  	s18 =	sadd.s32 s18, s15;
	v3 =	vld.idx.msk [tilespmem:v0+s19+$0x50 ss:$0x1], $0xffff  }
0x2d: {  	v4 =	vld.idx.msk [tilespmem:v0+s19+$0x60 ss:$0x1], $0xffff;
	[tilespmem:v0+s18+$0x70 ss:$0x1] =	vst.idx.msk $0xffff, v5  }
0x2e: {  	v5 =	vld.idx.msk [tilespmem:v0+s19+$0x0 ss:$0x1], $0xffff;
	[tilespmem:v0+s18+$0x10 ss:$0x1] =	vst.idx.msk $0xffff, v6;
	s19 =	sadd.s32 $0x80, s19  }
0x2f: {  	p0 =	por p1, p1;
	s20 =	simm.s32 $0x6;
	[tilespmem:v0+s18+$0x20 ss:$0x1] =	vst.idx.msk $0xffff, v7;
	v6 =	vld.idx.msk [tilespmem:v0+s19+$0x70 ss:$0x1], $0xffff  }
.LBB1_5:
0x30: {  	p1 =	sne.s32 s20, $0x1;
	v7 =	vld.idx.msk [tilespmem:v0+s19+$0x10 ss:$0x1], $0xffff;
	[tilespmem:v0+s18+$0x30 ss:$0x1] =	vst.idx.msk $0xffff, v1  }
0x31: {  	v8 =	vld.idx.msk [tilespmem:v0+s19+$0x20 ss:$0x1], $0xffff;
	[tilespmem:v0+s18+$0x40 ss:$0x1] =	vst.idx.msk $0xffff, v2  }
0x32: {  	v1 =	vld.idx.msk [tilespmem:v0+s19+$0x30 ss:$0x1], $0xffff;
	[tilespmem:v0+s18+$0x50 ss:$0x1] =	vst.idx.msk $0xffff, v3  }
.Ltmp3:
0x33: {  	v2 =	vld.idx.msk [tilespmem:v0+s19+$0x40 ss:$0x1], $0xffff;
	[tilespmem:v0+s18+$0x60 ss:$0x1] =	vst.idx.msk $0xffff, v4;
	(pc) =	sbr.rel @p1 .LBB1_5-.Ltmp3, $4  }
0x34: {  	v3 =	vld.idx.msk [tilespmem:v0+s19+$0x50 ss:$0x1], $0xffff;
	[tilespmem:v0+s18+$0x0 ss:$0x1] =	vst.idx.msk $0xffff, v5;
	s18 =	sadd.s32 $0x100, s18  }
0x35: {  	v4 =	vld.idx.msk [tilespmem:v0+s19+$0x60 ss:$0x1], $0xffff;
	[tilespmem:v0+s18+$0x70 ss:$0x1] =	vst.idx.msk $0xffff, v6  }
0x36: {  	v5 =	vld.idx.msk [tilespmem:v0+s19+$0x0 ss:$0x1], $0xffff;
	[tilespmem:v0+s18+$0x10 ss:$0x1] =	vst.idx.msk $0xffff, v7;
	s19 =	sadd.s32 $0x80, s19  }
0x37: {  	s20 =	sadd.s32 $0xFFFFFFFF, s20;
	v6 =	vld.idx.msk [tilespmem:v0+s19+$0x70 ss:$0x1], $0xffff;
	[tilespmem:v0+s18+$0x20 ss:$0x1] =	vst.idx.msk $0xffff, v8  }
0x38: {  	_ =	sdelay $0x3  }
0x39: {  	[tilespmem:v0+s18+$0x30 ss:$0x1] =	vst.idx.msk $0xffff, v1  }
0x3a: {  	v1 =	vld.idx.msk [tilespmem:v0+s19+$0x10 ss:$0x1], $0xffff;
	[tilespmem:v0+s18+$0x40 ss:$0x1] =	vst.idx.msk $0xffff, v2  }
0x3b: {  	v2 =	vld.idx.msk [tilespmem:v0+s19+$0x20 ss:$0x1], $0xffff;
	[tilespmem:v0+s18+$0x50 ss:$0x1] =	vst.idx.msk $0xffff, v3  }
0x3c: {  	v61 =	vld.idx.msk [tilespmem:v0+s19+$0x40 ss:$0x1], $0xffff;
	[tilespmem:v0+s18+$0x60 ss:$0x1] =	vst.idx.msk $0xffff, v4  }
0x3d: {  	s31 =	sadd.s32 $0x100, s18;
	v62 =	vld.idx.msk [tilespmem:v0+s19+$0x50 ss:$0x1], $0xffff;
	[tilespmem:v0+s18+$0x0 ss:$0x1] =	vst.idx.msk $0xffff, v5  }
0x3e: {  	v63 =	vld.idx.msk [tilespmem:v0+s19+$0x60 ss:$0x1], $0xffff;
	[tilespmem:v0+s31+$0x70 ss:$0x1] =	vst.idx.msk $0xffff, v6  }
0x3f: {  	v3 =	vld.idx.msk [tilespmem:v0+s19+$0x30 ss:$0x1], $0xffff;
	[tilespmem:v0+s31+$0x10 ss:$0x1] =	vst.idx.msk $0xffff, v1  }
0x40: {  	v1 =	vld.idx.msk [tilespmem:v0+s19+$0x0 ss:$0x1], $0xffff;
	[tilespmem:v0+s31+$0x20 ss:$0x1] =	vst.idx.msk $0xffff, v2  }
.Ltmp4:
0x41: {  	[tilespmem:v0+s31+$0x40 ss:$0x1] =	vst.idx.msk $0xffff, v61;
	(pc) =	sbr.rel @p0 .LBB1_4-.Ltmp4, $4  }
0x42: {  	[tilespmem:v0+s31+$0x50 ss:$0x1] =	vst.idx.msk $0xffff, v62  }
0x43: {  	[tilespmem:v0+s31+$0x60 ss:$0x1] =	vst.idx.msk $0xffff, v63  }
0x44: {  	[tilespmem:v0+s31+$0x30 ss:$0x1] =	vst.idx.msk $0xffff, v3  }
0x45: {  	p1 =	por $0x0, $0x0;
	s18 =	simm.s32 $0x1;
	[tilespmem:v0+s31+$0x0 ss:$0x1] =	vst.idx.msk $0xffff, v1  }
0x46: {  	s17 =	sadd.s32 $0x1, s17  }
0x47: {  	p0 =	sne.s32 s17, $0x8  }
.Ltmp5:
0x48: {  	_ = 	snop;
	(pc) =	sbr.rel @p0 .LBB1_3-.Ltmp5, $2  }
0x49: {  	_ =	sdelay $0x2  }
0x4a: {  	s16 =	sadd.s32 $0x2000, s16  }
.Ltmp6:
0x4b: {  	(pc) =	sbr.rel .LBB1_9-.Ltmp6, $4  }
0x4c: {  	_ = 	snop  }
0x4d: {  	s12 =	sshll.u32 s12, $0x8  }
0x4e: {  	s12 =	sadd.s32 s4, s12  }
0x4f: {  	[hbm4b:s12+s8] =	stream.linear.scatter [tilespmem:s13], [sflag:$0x2], $0x4000, $0x38;
	[tilespmem:$0x10000] =	vst v63  }
.LBB1_10:
0x50: {  	_ =	sfence.sel $0x180000  }
0x51: {  	s2 =	simm.s32 $0x1;
	[bflag:$0x0] =	sbarrier.arrive $0xFFFF  }
0x52: {  	s31 =	simm.s32 $0x2;
	[sflag:s2] =	ssyncpa.u1 $0x1  }
0x53: {  	[sflag:s31] =	ssyncpa.u1 $0x1  }
0x54: {  	p0 =	sne.s32 s0, $0x0;
	_ =	strace $0x90000047  }
0x55: {  	s0 =	sadd.s32 @!p0 $0x100000, s1;
	[bflag:$0x2] =	sbarrier.arrive $0xFFFF  }
0x56: {  	[sflag:s0] =	ssyncadd.tile.s32 @!p0 $0x1;
	_ =	shalt  }
.Lfunc_end1:
_tile_overlayer_lowered:
.L_overlay_start_2:
0x57: {  	(tag) =	ssettag $0x2  }
0x58: {  	s0 =	rddreg [dreg:$0x0];
	s2 =	stileid.u32  }
0x59: {  	s1 =	rddreg [dreg:$0x1];
	p0 =	sne.s32 s2, $0x0  }
0x5a: {  	s3 =	rddreg [dreg:$0x2];
	[bflag:$0x3] =	sbarrier.arrive $0xFFFF;
	s2 =	simm.s32 @!p0 $0x1C01  }
0x5b: {  	[timem:s3], [sflag:s2] =	dma.local @!p0 [hbm:s0], s1  }
0x5c: {  	s0 =	simm.s32 @!p0 $0x1  }
0x5d: {  	_ =	swait.ge @!p0 [sflag:s0], s1  }
0x5e: {  	s1 =	ssub.s32 @!p0 $0x0, s1;
	[sflag:s0] =	ssyncset.done @!p0 $0x0  }
0x5f: {  	[sflag:s0] =	ssyncadd.s32 @!p0 s1  }
0x60: {  	[bflag:$0x3] =	sbarrier.arrive $0xFFFF  }
0x61: {  	_ =	shalt  }

</sc_bundles>
